<compile_context>
chip_gen: v7x
topology: tpu7x:2x2x1
jax: 0.10.2.dev20260603
libtpu: 0.0.44.dev20260713+nightly
codegen_flags: <defaults>
</compile_context>

<pallas_src>
import functools

import jax
import jax.numpy as jnp
from jax import lax
from jax.experimental import pallas as pl
from jax.experimental.pallas import tpu as pltpu
from jax.experimental.pallas import tpu_sc as plsc

B = 8
T = 8192
Q = 256
T_TILE = 128
N_WORKERS = 32
COLS_PER_W = B * T // N_WORKERS
TILES_PER_W = COLS_PER_W // T_TILE

_mesh = plsc.VectorSubcoreMesh(core_axis_name="c", subcore_axis_name="s")


@functools.partial(
    pl.kernel,
    out_type=jax.ShapeDtypeStruct((B * Q, T), jnp.float32),
    mesh=_mesh,
    compiler_params=pltpu.CompilerParams(needs_layout_passes=False),
    scratch_types=[
        pltpu.VMEM((COLS_PER_W,), jnp.int32),
        pltpu.VMEM((Q, T_TILE), jnp.float32),
        pltpu.VMEM((Q, T_TILE), jnp.float32),
        pltpu.VMEM((Q, T_TILE), jnp.float32),
        pltpu.SemaphoreType.DMA,
        pltpu.SemaphoreType.DMA,
        pltpu.SemaphoreType.DMA,
    ],
)
def _sc_onehot(idx_hbm, zeros_hbm, out_hbm, idx_v, tile0, tile1, tile2,
               sem0, sem1, sem2):
    c = lax.axis_index("c")
    s = lax.axis_index("s")
    wid = s * 2 + c
    base = wid * COLS_PER_W
    b = base // T
    t0 = base % T

    pltpu.sync_copy(idx_hbm.at[pl.ds(base, COLS_PER_W)], idx_v)
    pltpu.sync_copy(zeros_hbm, tile0)
    pltpu.sync_copy(zeros_hbm, tile1)
    pltpu.sync_copy(zeros_hbm, tile2)

    tiles = (tile0, tile1, tile2)
    sems = (sem0, sem1, sem2)
    nbuf = len(tiles)
    lanes = lax.iota(jnp.int32, 16)
    ones = jnp.full((16,), 1.0, jnp.float32)
    zs = jnp.full((16,), 0.0, jnp.float32)

    def scatter(tile, i, vals):
        for j in range(T_TILE // 16):
            rows = idx_v[pl.ds(i * T_TILE + j * 16, 16)]
            plsc.store_scatter(tile, [rows, lanes + (j * 16)], vals)

    def out_slice(i):
        return out_hbm.at[pl.ds(b * Q, Q), pl.ds(t0 + i * T_TILE, T_TILE)]

    for i in range(TILES_PER_W):
        slot = i % nbuf
        tile, sem = tiles[slot], sems[slot]
        if i >= nbuf:
            pltpu.make_async_copy(tile, out_slice(i - nbuf), sem).wait()
            scatter(tile, i - nbuf, zs)
        scatter(tile, i, ones)
        pltpu.make_async_copy(tile, out_slice(i), sem).start()
    for i in range(TILES_PER_W - nbuf, TILES_PER_W):
        pltpu.make_async_copy(tiles[i % nbuf], out_slice(i), sems[i % nbuf]).wait()


def kernel(in_snd_slice, quant_onehot):
    del quant_onehot
    idx = in_snd_slice.astype(jnp.int32).reshape(B * T)
    zeros = jnp.zeros((Q, T_TILE), jnp.float32)
    out = _sc_onehot(idx, zeros)
    return out.reshape(B, Q, T)

# --- scband reference (transcript-rebuilt; emitter-appended) ---
"""Pipeline reference for scband-pre-process-26886495273507 (READ-ONLY COPY).

The authoritative reference and input builder live on the scoring server;
editing this copy changes nothing except your own understanding.
"""

import jax, jax.numpy as jnp
import numpy as np

N_QUANT = 256
B = 8
T = 8192


def setup_inputs(seed: int = 0) -> dict:
    key = jax.random.key(seed)
    # quantized mu-law audio codes in [0, N_QUANT)
    in_snd_slice = jax.random.randint(key, (B, T), 0, N_QUANT, dtype=jnp.int32).astype(jnp.int64)
    # registered buffer: identity matrix used as one-hot lookup table
    quant_onehot = jnp.eye(N_QUANT, dtype=jnp.float32)
    return {"in_snd_slice": in_snd_slice, "quant_onehot": quant_onehot}


def reference(in_snd_slice, quant_onehot):
    """Faithful translation of PreProcess.forward.

    util.gather_md(quant_onehot, 0, idx) gathers rows of the (Q, Q) eye along
    dim 0 with a (B, T) index, placing the remaining source dim first ->
    shape (Q, B, T); .permute(1, 0, 2) then yields (B, Q, T).
    Equivalently: take rows -> (B, T, Q), then move the one-hot axis to dim 1.
    """
    idx = in_snd_slice.astype(jnp.int32)
    gathered = jnp.take(quant_onehot, idx, axis=0)  # (B, T, Q)
    wav_one_hot = jnp.moveaxis(gathered, -1, 1)      # (B, Q, T)
    return wav_one_hot

if __name__ == "__main__":
    import jax
    _d = setup_inputs()
    print(jax.jit(kernel)(*tuple(_d.values())))

</pallas_src>

<mosaic_0001>
#map = affine_map<(d0, d1) -> (0)>
#map1 = affine_map<(d0, d1) -> (0, 0)>
module attributes {stable_mosaic.version = 14 : i64} {
  func.func @_sc_onehot(%arg0: i32, %arg1: i32, %arg2: memref<65536xi32, #tpu.memory_space<hbm>>, %arg3: memref<256x128xf32, #tpu.memory_space<hbm>>, %arg4: memref<2048x8192xf32, #tpu.memory_space<hbm>>, %arg5: memref<2048xi32, #tpu.memory_space<vmem>>, %arg6: memref<256x128xf32, #tpu.memory_space<vmem>>, %arg7: memref<256x128xf32, #tpu.memory_space<vmem>>, %arg8: memref<256x128xf32, #tpu.memory_space<vmem>>, %arg9: memref<!tpu.dma_semaphore, #tpu.memory_space<semaphore_mem>>, %arg10: memref<!tpu.dma_semaphore, #tpu.memory_space<semaphore_mem>>, %arg11: memref<!tpu.dma_semaphore, #tpu.memory_space<semaphore_mem>>) attributes {dimension_semantics = [#tpu.dimension_semantics<core_parallel>, #tpu.dimension_semantics<subcore_parallel>], iteration_bounds = array<i64: 2, 16>, scalar_prefetch = 0 : i64, scratch_operands = 7 : i64, tpu.core_type = #tpu.core_type<sc_vector_subcore>, window_params = [{transform_indices = #map}, {transform_indices = #map1}, {transform_indices = #map1}]} {
    %mul3A = arith.constant 2 : i32
    %mul3A_0 = arith.muli %arg1, %mul3A : i32
    %add3A = arith.addi %mul3A_0, %arg0 : i32
    %mul3A_1 = arith.constant 2048 : i32
    %mul3A_2 = arith.muli %add3A, %mul3A_1 : i32
    %jit3A = arith.constant 8192 : i32
    %div3A = arith.divsi %mul3A_2, %jit3A : i32
    %sign3A = arith.constant 0 : i32
    %sign3A_3 = arith.cmpi sgt, %mul3A_2, %sign3A : i32
    %sign3A_4 = arith.extui %sign3A_3 : i1 to i32
    %sign3A_5 = arith.constant 0 : i32
    %sign3A_6 = arith.cmpi slt, %mul3A_2, %sign3A_5 : i32
    %sign3A_7 = arith.extui %sign3A_6 : i1 to i32
    %sign3A_8 = arith.subi %sign3A_4, %sign3A_7 : i32
    %sign3A_9 = arith.constant 0 : i32
    %sign3A_10 = arith.cmpi sgt, %jit3A, %sign3A_9 : i32
    %sign3A_11 = arith.extui %sign3A_10 : i1 to i32
    %sign3A_12 = arith.constant 0 : i32
    %sign3A_13 = arith.cmpi slt, %jit3A, %sign3A_12 : i32
    %sign3A_14 = arith.extui %sign3A_13 : i1 to i32
    %sign3A_15 = arith.subi %sign3A_11, %sign3A_14 : i32
    %ne3A = arith.cmpi ne, %sign3A_8, %sign3A_15 : i32
    %rem3A = arith.remsi %mul3A_2, %jit3A : i32
    %ne3A_16 = arith.constant 0 : i32
    %ne3A_17 = arith.cmpi ne, %rem3A, %ne3A_16 : i32
    %and3A = arith.andi %ne3A, %ne3A_17 : i1
    %sub3A = arith.constant 1 : i32
    %sub3A_18 = arith.subi %div3A, %sub3A : i32
    %select_n3A = arith.select %and3A, %sub3A_18, %div3A : i32
    %jit3A_19 = arith.constant 8192 : i32
    %eq3A = arith.constant 0 : i32
    %eq3A_20 = arith.cmpi eq, %jit3A_19, %eq3A : i32
    %jit3A_21 = arith.constant 1 : i32
    %select_n3A_22 = arith.select %eq3A_20, %jit3A_21, %jit3A_19 : i32
    %rem3A_23 = arith.remsi %mul3A_2, %select_n3A_22 : i32
    %ne3A_24 = arith.constant 0 : i32
    %ne3A_25 = arith.cmpi ne, %rem3A_23, %ne3A_24 : i32
    %lt3A = arith.constant 0 : i32
    %lt3A_26 = arith.cmpi slt, %rem3A_23, %lt3A : i32
    %lt3A_27 = arith.constant 0 : i32
    %lt3A_28 = arith.cmpi slt, %select_n3A_22, %lt3A_27 : i32
    %ne3A_29 = arith.xori %lt3A_26, %lt3A_28 : i1
    %and3A_30 = arith.andi %ne3A_29, %ne3A_25 : i1
    %add3A_31 = arith.addi %rem3A_23, %select_n3A_22 : i32
    %select_n3A_32 = arith.select %and3A_30, %add3A_31, %rem3A_23 : i32
    "tpu.region"() ({
      %run_scoped3A = tpu.sem_alloc : memref<!tpu.dma_semaphore, #tpu.memory_space<semaphore_mem>>
      %dma_start3A_1385 = tpu.memref_slice %arg2[%mul3A_2] : memref<65536xi32, #tpu.memory_space<hbm>> -> memref<2048xi32, #tpu.memory_space<hbm>>
      %dma_start3A_1386 = tpu.memref_slice %arg2[%mul3A_2] : memref<65536xi32, #tpu.memory_space<hbm>> -> memref<2048xi32, #tpu.memory_space<hbm>>
      tpu.enqueue_dma source(%dma_start3A_1386 : memref<2048xi32, #tpu.memory_space<hbm>>) target(%arg5 : memref<2048xi32, #tpu.memory_space<vmem>>) target_semaphore(%run_scoped3A : memref<!tpu.dma_semaphore, #tpu.memory_space<semaphore_mem>>)
      %dma_wait3A_1387 = tpu.memref_slice %arg2[%mul3A_2] : memref<65536xi32, #tpu.memory_space<hbm>> -> memref<2048xi32, #tpu.memory_space<hbm>>
      %dma_wait3A_1388 = tpu.memref_slice %arg2[%mul3A_2] : memref<65536xi32, #tpu.memory_space<hbm>> -> memref<2048xi32, #tpu.memory_space<hbm>>
      tpu.wait_dma2 semaphore(%run_scoped3A : memref<!tpu.dma_semaphore, #tpu.memory_space<semaphore_mem>>) src(%dma_wait3A_1388 : memref<2048xi32, #tpu.memory_space<hbm>>) dst(%arg5 : memref<2048xi32, #tpu.memory_space<vmem>>)
      tpu.yield
    }) : () -> ()
    "tpu.region"() ({
      %run_scoped3A = tpu.sem_alloc : memref<!tpu.dma_semaphore, #tpu.memory_space<semaphore_mem>>
      tpu.enqueue_dma source(%arg3 : memref<256x128xf32, #tpu.memory_space<hbm>>) target(%arg6 : memref<256x128xf32, #tpu.memory_space<vmem>>) target_semaphore(%run_scoped3A : memref<!tpu.dma_semaphore, #tpu.memory_space<semaphore_mem>>)
      tpu.wait_dma2 semaphore(%run_scoped3A : memref<!tpu.dma_semaphore, #tpu.memory_space<semaphore_mem>>) src(%arg3 : memref<256x128xf32, #tpu.memory_space<hbm>>) dst(%arg6 : memref<256x128xf32, #tpu.memory_space<vmem>>)
      tpu.yield
    }) : () -> ()
    "tpu.region"() ({
      %run_scoped3A = tpu.sem_alloc : memref<!tpu.dma_semaphore, #tpu.memory_space<semaphore_mem>>
      tpu.enqueue_dma source(%arg3 : memref<256x128xf32, #tpu.memory_space<hbm>>) target(%arg7 : memref<256x128xf32, #tpu.memory_space<vmem>>) target_semaphore(%run_scoped3A : memref<!tpu.dma_semaphore, #tpu.memory_space<semaphore_mem>>)
      tpu.wait_dma2 semaphore(%run_scoped3A : memref<!tpu.dma_semaphore, #tpu.memory_space<semaphore_mem>>) src(%arg3 : memref<256x128xf32, #tpu.memory_space<hbm>>) dst(%arg7 : memref<256x128xf32, #tpu.memory_space<vmem>>)
      tpu.yield
    }) : () -> ()
    "tpu.region"() ({
      %run_scoped3A = tpu.sem_alloc : memref<!tpu.dma_semaphore, #tpu.memory_space<semaphore_mem>>
      tpu.enqueue_dma source(%arg3 : memref<256x128xf32, #tpu.memory_space<hbm>>) target(%arg8 : memref<256x128xf32, #tpu.memory_space<vmem>>) target_semaphore(%run_scoped3A : memref<!tpu.dma_semaphore, #tpu.memory_space<semaphore_mem>>)
      tpu.wait_dma2 semaphore(%run_scoped3A : memref<!tpu.dma_semaphore, #tpu.memory_space<semaphore_mem>>) src(%arg3 : memref<256x128xf32, #tpu.memory_space<hbm>>) dst(%arg8 : memref<256x128xf32, #tpu.memory_space<vmem>>)
      tpu.yield
    }) : () -> ()
    %iota3A = tpu.iota {dimensions = array<i32: 0>} : vector<16xi32>
    %broadcast_in_dim3A = arith.constant 1.000000e+00 : f32
    %broadcast_in_dim3A_33 = vector.broadcast %broadcast_in_dim3A : f32 to vector<16xf32>
    %broadcast_in_dim3A_34 = arith.constant 0.000000e+00 : f32
    %broadcast_in_dim3A_35 = vector.broadcast %broadcast_in_dim3A_34 : f32 to vector<16xf32>
    %get3A = arith.constant 0 : index
    %get3A_36 = tpu.vector_load %arg5[%get3A] {strides = array<i32>} : memref<2048xi32, #tpu.memory_space<vmem>>, vector<16xi32>,
    %add3A_37 = arith.constant 0 : i32
    %add3A_38 = vector.broadcast %add3A_37 : i32 to vector<16xi32>
    %add3A_39 = arith.addi %iota3A, %add3A_38 : vector<16xi32>
    tpu.vector_store_idx %arg6[%get3A_36, %add3A_39], %broadcast_in_dim3A_33 : memref<256x128xf32, #tpu.memory_space<vmem>>[vector<16xi32>, vector<16xi32>], vector<16xf32>,
    %get3A_40 = arith.constant 16 : index
    %get3A_41 = tpu.vector_load %arg5[%get3A_40] {strides = array<i32>} : memref<2048xi32, #tpu.memory_space<vmem>>, vector<16xi32>,
    %add3A_42 = arith.constant 16 : i32
    %add3A_43 = vector.broadcast %add3A_42 : i32 to vector<16xi32>
    %add3A_44 = arith.addi %iota3A, %add3A_43 : vector<16xi32>
    tpu.vector_store_idx %arg6[%get3A_41, %add3A_44], %broadcast_in_dim3A_33 : memref<256x128xf32, #tpu.memory_space<vmem>>[vector<16xi32>, vector<16xi32>], vector<16xf32>,
    %get3A_45 = arith.constant 32 : index
    %get3A_46 = tpu.vector_load %arg5[%get3A_45] {strides = array<i32>} : memref<2048xi32, #tpu.memory_space<vmem>>, vector<16xi32>,
    %add3A_47 = arith.constant 32 : i32
    %add3A_48 = vector.broadcast %add3A_47 : i32 to vector<16xi32>
    %add3A_49 = arith.addi %iota3A, %add3A_48 : vector<16xi32>
    tpu.vector_store_idx %arg6[%get3A_46, %add3A_49], %broadcast_in_dim3A_33 : memref<256x128xf32, #tpu.memory_space<vmem>>[vector<16xi32>, vector<16xi32>], vector<16xf32>,
    %get3A_50 = arith.constant 48 : index
    %get3A_51 = tpu.vector_load %arg5[%get3A_50] {strides = array<i32>} : memref<2048xi32, #tpu.memory_space<vmem>>, vector<16xi32>,
    %add3A_52 = arith.constant 48 : i32
    %add3A_53 = vector.broadcast %add3A_52 : i32 to vector<16xi32>
    %add3A_54 = arith.addi %iota3A, %add3A_53 : vector<16xi32>
    tpu.vector_store_idx %arg6[%get3A_51, %add3A_54], %broadcast_in_dim3A_33 : memref<256x128xf32, #tpu.memory_space<vmem>>[vector<16xi32>, vector<16xi32>], vector<16xf32>,
    %get3A_55 = arith.constant 64 : index
    %get3A_56 = tpu.vector_load %arg5[%get3A_55] {strides = array<i32>} : memref<2048xi32, #tpu.memory_space<vmem>>, vector<16xi32>,
    %add3A_57 = arith.constant 64 : i32
    %add3A_58 = vector.broadcast %add3A_57 : i32 to vector<16xi32>
    %add3A_59 = arith.addi %iota3A, %add3A_58 : vector<16xi32>
    tpu.vector_store_idx %arg6[%get3A_56, %add3A_59], %broadcast_in_dim3A_33 : memref<256x128xf32, #tpu.memory_space<vmem>>[vector<16xi32>, vector<16xi32>], vector<16xf32>,
    %get3A_60 = arith.constant 80 : index
    %get3A_61 = tpu.vector_load %arg5[%get3A_60] {strides = array<i32>} : memref<2048xi32, #tpu.memory_space<vmem>>, vector<16xi32>,
    %add3A_62 = arith.constant 80 : i32
    %add3A_63 = vector.broadcast %add3A_62 : i32 to vector<16xi32>
    %add3A_64 = arith.addi %iota3A, %add3A_63 : vector<16xi32>
    tpu.vector_store_idx %arg6[%get3A_61, %add3A_64], %broadcast_in_dim3A_33 : memref<256x128xf32, #tpu.memory_space<vmem>>[vector<16xi32>, vector<16xi32>], vector<16xf32>,
    %get3A_65 = arith.constant 96 : index
    %get3A_66 = tpu.vector_load %arg5[%get3A_65] {strides = array<i32>} : memref<2048xi32, #tpu.memory_space<vmem>>, vector<16xi32>,
    %add3A_67 = arith.constant 96 : i32
    %add3A_68 = vector.broadcast %add3A_67 : i32 to vector<16xi32>
    %add3A_69 = arith.addi %iota3A, %add3A_68 : vector<16xi32>
    tpu.vector_store_idx %arg6[%get3A_66, %add3A_69], %broadcast_in_dim3A_33 : memref<256x128xf32, #tpu.memory_space<vmem>>[vector<16xi32>, vector<16xi32>], vector<16xf32>,
    %get3A_70 = arith.constant 112 : index
    %get3A_71 = tpu.vector_load %arg5[%get3A_70] {strides = array<i32>} : memref<2048xi32, #tpu.memory_space<vmem>>, vector<16xi32>,
    %add3A_72 = arith.constant 112 : i32
    %add3A_73 = vector.broadcast %add3A_72 : i32 to vector<16xi32>
    %add3A_74 = arith.addi %iota3A, %add3A_73 : vector<16xi32>
    tpu.vector_store_idx %arg6[%get3A_71, %add3A_74], %broadcast_in_dim3A_33 : memref<256x128xf32, #tpu.memory_space<vmem>>[vector<16xi32>, vector<16xi32>], vector<16xf32>,
    %mul3A_75 = arith.constant 256 : i32
    %mul3A_76 = arith.muli %select_n3A, %mul3A_75 : i32
    %add3A_77 = arith.constant 0 : i32
    %add3A_78 = arith.addi %select_n3A_32, %add3A_77 : i32
    %dma_start3A = tpu.memref_slice %arg4[%mul3A_76, %add3A_78] : memref<2048x8192xf32, #tpu.memory_space<hbm>> -> memref<256x128xf32, #tpu.memory_space<hbm>>
    %dma_start3A_79 = tpu.memref_slice %arg4[%mul3A_76, %add3A_78] : memref<2048x8192xf32, #tpu.memory_space<hbm>> -> memref<256x128xf32, #tpu.memory_space<hbm>>
    tpu.enqueue_dma source(%arg6 : memref<256x128xf32, #tpu.memory_space<vmem>>) target(%dma_start3A_79 : memref<256x128xf32, #tpu.memory_space<hbm>>) target_semaphore(%arg9 : memref<!tpu.dma_semaphore, #tpu.memory_space<semaphore_mem>>)
    %get3A_80 = arith.constant 128 : index
    %get3A_81 = tpu.vector_load %arg5[%get3A_80] {strides = array<i32>} : memref<2048xi32, #tpu.memory_space<vmem>>, vector<16xi32>,
    %add3A_82 = arith.constant 0 : i32
    %add3A_83 = vector.broadcast %add3A_82 : i32 to vector<16xi32>
    %add3A_84 = arith.addi %iota3A, %add3A_83 : vector<16xi32>
    tpu.vector_store_idx %arg7[%get3A_81, %add3A_84], %broadcast_in_dim3A_33 : memref<256x128xf32, #tpu.memory_space<vmem>>[vector<16xi32>, vector<16xi32>], vector<16xf32>,
    %get3A_85 = arith.constant 144 : index
    %get3A_86 = tpu.vector_load %arg5[%get3A_85] {strides = array<i32>} : memref<2048xi32, #tpu.memory_space<vmem>>, vector<16xi32>,
    %add3A_87 = arith.constant 16 : i32
    %add3A_88 = vector.broadcast %add3A_87 : i32 to vector<16xi32>
    %add3A_89 = arith.addi %iota3A, %add3A_88 : vector<16xi32>
    tpu.vector_store_idx %arg7[%get3A_86, %add3A_89], %broadcast_in_dim3A_33 : memref<256x128xf32, #tpu.memory_space<vmem>>[vector<16xi32>, vector<16xi32>], vector<16xf32>,
    %get3A_90 = arith.constant 160 : index
    %get3A_91 = tpu.vector_load %arg5[%get3A_90] {strides = array<i32>} : memref<2048xi32, #tpu.memory_space<vmem>>, vector<16xi32>,
    %add3A_92 = arith.constant 32 : i32
    %add3A_93 = vector.broadcast %add3A_92 : i32 to vector<16xi32>
    %add3A_94 = arith.addi %iota3A, %add3A_93 : vector<16xi32>
    tpu.vector_store_idx %arg7[%get3A_91, %add3A_94], %broadcast_in_dim3A_33 : memref<256x128xf32, #tpu.memory_space<vmem>>[vector<16xi32>, vector<16xi32>], vector<16xf32>,
    %get3A_95 = arith.constant 176 : index
    %get3A_96 = tpu.vector_load %arg5[%get3A_95] {strides = array<i32>} : memref<2048xi32, #tpu.memory_space<vmem>>, vector<16xi32>,
    %add3A_97 = arith.constant 48 : i32
    %add3A_98 = vector.broadcast %add3A_97 : i32 to vector<16xi32>
    %add3A_99 = arith.addi %iota3A, %add3A_98 : vector<16xi32>
    tpu.vector_store_idx %arg7[%get3A_96, %add3A_99], %broadcast_in_dim3A_33 : memref<256x128xf32, #tpu.memory_space<vmem>>[vector<16xi32>, vector<16xi32>], vector<16xf32>,
    %get3A_100 = arith.constant 192 : index
    %get3A_101 = tpu.vector_load %arg5[%get3A_100] {strides = array<i32>} : memref<2048xi32, #tpu.memory_space<vmem>>, vector<16xi32>,
    %add3A_102 = arith.constant 64 : i32
    %add3A_103 = vector.broadcast %add3A_102 : i32 to vector<16xi32>
    %add3A_104 = arith.addi %iota3A, %add3A_103 : vector<16xi32>
    tpu.vector_store_idx %arg7[%get3A_101, %add3A_104], %broadcast_in_dim3A_33 : memref<256x128xf32, #tpu.memory_space<vmem>>[vector<16xi32>, vector<16xi32>], vector<16xf32>,
    %get3A_105 = arith.constant 208 : index
    %get3A_106 = tpu.vector_load %arg5[%get3A_105] {strides = array<i32>} : memref<2048xi32, #tpu.memory_space<vmem>>, vector<16xi32>,
    %add3A_107 = arith.constant 80 : i32
    %add3A_108 = vector.broadcast %add3A_107 : i32 to vector<16xi32>
    %add3A_109 = arith.addi %iota3A, %add3A_108 : vector<16xi32>
    tpu.vector_store_idx %arg7[%get3A_106, %add3A_109], %broadcast_in_dim3A_33 : memref<256x128xf32, #tpu.memory_space<vmem>>[vector<16xi32>, vector<16xi32>], vector<16xf32>,
    %get3A_110 = arith.constant 224 : index
    %get3A_111 = tpu.vector_load %arg5[%get3A_110] {strides = array<i32>} : memref<2048xi32, #tpu.memory_space<vmem>>, vector<16xi32>,
    %add3A_112 = arith.constant 96 : i32
    %add3A_113 = vector.broadcast %add3A_112 : i32 to vector<16xi32>
    %add3A_114 = arith.addi %iota3A, %add3A_113 : vector<16xi32>
    tpu.vector_store_idx %arg7[%get3A_111, %add3A_114], %broadcast_in_dim3A_33 : memref<256x128xf32, #tpu.memory_space<vmem>>[vector<16xi32>, vector<16xi32>], vector<16xf32>,
    %get3A_115 = arith.constant 240 : index
    %get3A_116 = tpu.vector_load %arg5[%get3A_115] {strides = array<i32>} : memref<2048xi32, #tpu.memory_space<vmem>>, vector<16xi32>,
    %add3A_117 = arith.constant 112 : i32
    %add3A_118 = vector.broadcast %add3A_117 : i32 to vector<16xi32>
    %add3A_119 = arith.addi %iota3A, %add3A_118 : vector<16xi32>
    tpu.vector_store_idx %arg7[%get3A_116, %add3A_119], %broadcast_in_dim3A_33 : memref<256x128xf32, #tpu.memory_space<vmem>>[vector<16xi32>, vector<16xi32>], vector<16xf32>,
    %mul3A_120 = arith.constant 256 : i32
    %mul3A_121 = arith.muli %select_n3A, %mul3A_120 : i32
    %add3A_122 = arith.constant 128 : i32
    %add3A_123 = arith.addi %select_n3A_32, %add3A_122 : i32
    %dma_start3A_124 = tpu.memref_slice %arg4[%mul3A_121, %add3A_123] : memref<2048x8192xf32, #tpu.memory_space<hbm>> -> memref<256x128xf32, #tpu.memory_space<hbm>>
    %dma_start3A_125 = tpu.memref_slice %arg4[%mul3A_121, %add3A_123] : memref<2048x8192xf32, #tpu.memory_space<hbm>> -> memref<256x128xf32, #tpu.memory_space<hbm>>
    tpu.enqueue_dma source(%arg7 : memref<256x128xf32, #tpu.memory_space<vmem>>) target(%dma_start3A_125 : memref<256x128xf32, #tpu.memory_space<hbm>>) target_semaphore(%arg10 : memref<!tpu.dma_semaphore, #tpu.memory_space<semaphore_mem>>)
    %get3A_126 = arith.constant 256 : index
    %get3A_127 = tpu.vector_load %arg5[%get3A_126] {strides = array<i32>} : memref<2048xi32, #tpu.memory_space<vmem>>, vector<16xi32>,
    %add3A_128 = arith.constant 0 : i32
    %add3A_129 = vector.broadcast %add3A_128 : i32 to vector<16xi32>
    %add3A_130 = arith.addi %iota3A, %add3A_129 : vector<16xi32>
    tpu.vector_store_idx %arg8[%get3A_127, %add3A_130], %broadcast_in_dim3A_33 : memref<256x128xf32, #tpu.memory_space<vmem>>[vector<16xi32>, vector<16xi32>], vector<16xf32>,
    %get3A_131 = arith.constant 272 : index
    %get3A_132 = tpu.vector_load %arg5[%get3A_131] {strides = array<i32>} : memref<2048xi32, #tpu.memory_space<vmem>>, vector<16xi32>,
    %add3A_133 = arith.constant 16 : i32
    %add3A_134 = vector.broadcast %add3A_133 : i32 to vector<16xi32>
    %add3A_135 = arith.addi %iota3A, %add3A_134 : vector<16xi32>
    tpu.vector_store_idx %arg8[%get3A_132, %add3A_135], %broadcast_in_dim3A_33 : memref<256x128xf32, #tpu.memory_space<vmem>>[vector<16xi32>, vector<16xi32>], vector<16xf32>,
    %get3A_136 = arith.constant 288 : index
    %get3A_137 = tpu.vector_load %arg5[%get3A_136] {strides = array<i32>} : memref<2048xi32, #tpu.memory_space<vmem>>, vector<16xi32>,
    %add3A_138 = arith.constant 32 : i32
    %add3A_139 = vector.broadcast %add3A_138 : i32 to vector<16xi32>
    %add3A_140 = arith.addi %iota3A, %add3A_139 : vector<16xi32>
    tpu.vector_store_idx %arg8[%get3A_137, %add3A_140], %broadcast_in_dim3A_33 : memref<256x128xf32, #tpu.memory_space<vmem>>[vector<16xi32>, vector<16xi32>], vector<16xf32>,
    %get3A_141 = arith.constant 304 : index
    %get3A_142 = tpu.vector_load %arg5[%get3A_141] {strides = array<i32>} : memref<2048xi32, #tpu.memory_space<vmem>>, vector<16xi32>,
    %add3A_143 = arith.constant 48 : i32
    %add3A_144 = vector.broadcast %add3A_143 : i32 to vector<16xi32>
    %add3A_145 = arith.addi %iota3A, %add3A_144 : vector<16xi32>
    tpu.vector_store_idx %arg8[%get3A_142, %add3A_145], %broadcast_in_dim3A_33 : memref<256x128xf32, #tpu.memory_space<vmem>>[vector<16xi32>, vector<16xi32>], vector<16xf32>,
    %get3A_146 = arith.constant 320 : index
    %get3A_147 = tpu.vector_load %arg5[%get3A_146] {strides = array<i32>} : memref<2048xi32, #tpu.memory_space<vmem>>, vector<16xi32>,
    %add3A_148 = arith.constant 64 : i32
    %add3A_149 = vector.broadcast %add3A_148 : i32 to vector<16xi32>
    %add3A_150 = arith.addi %iota3A, %add3A_149 : vector<16xi32>
    tpu.vector_store_idx %arg8[%get3A_147, %add3A_150], %broadcast_in_dim3A_33 : memref<256x128xf32, #tpu.memory_space<vmem>>[vector<16xi32>, vector<16xi32>], vector<16xf32>,
    %get3A_151 = arith.constant 336 : index
    %get3A_152 = tpu.vector_load %arg5[%get3A_151] {strides = array<i32>} : memref<2048xi32, #tpu.memory_space<vmem>>, vector<16xi32>,
    %add3A_153 = arith.constant 80 : i32
    %add3A_154 = vector.broadcast %add3A_153 : i32 to vector<16xi32>
    %add3A_155 = arith.addi %iota3A, %add3A_154 : vector<16xi32>
    tpu.vector_store_idx %arg8[%get3A_152, %add3A_155], %broadcast_in_dim3A_33 : memref<256x128xf32, #tpu.memory_space<vmem>>[vector<16xi32>, vector<16xi32>], vector<16xf32>,
    %get3A_156 = arith.constant 352 : index
    %get3A_157 = tpu.vector_load %arg5[%get3A_156] {strides = array<i32>} : memref<2048xi32, #tpu.memory_space<vmem>>, vector<16xi32>,
    %add3A_158 = arith.constant 96 : i32
    %add3A_159 = vector.broadcast %add3A_158 : i32 to vector<16xi32>
    %add3A_160 = arith.addi %iota3A, %add3A_159 : vector<16xi32>
    tpu.vector_store_idx %arg8[%get3A_157, %add3A_160], %broadcast_in_dim3A_33 : memref<256x128xf32, #tpu.memory_space<vmem>>[vector<16xi32>, vector<16xi32>], vector<16xf32>,
    %get3A_161 = arith.constant 368 : index
    %get3A_162 = tpu.vector_load %arg5[%get3A_161] {strides = array<i32>} : memref<2048xi32, #tpu.memory_space<vmem>>, vector<16xi32>,
    %add3A_163 = arith.constant 112 : i32
    %add3A_164 = vector.broadcast %add3A_163 : i32 to vector<16xi32>
    %add3A_165 = arith.addi %iota3A, %add3A_164 : vector<16xi32>
    tpu.vector_store_idx %arg8[%get3A_162, %add3A_165], %broadcast_in_dim3A_33 : memref<256x128xf32, #tpu.memory_space<vmem>>[vector<16xi32>, vector<16xi32>], vector<16xf32>,
    %mul3A_166 = arith.constant 256 : i32
    %mul3A_167 = arith.muli %select_n3A, %mul3A_166 : i32
    %add3A_168 = arith.constant 256 : i32
    %add3A_169 = arith.addi %select_n3A_32, %add3A_168 : i32
    %dma_start3A_170 = tpu.memref_slice %arg4[%mul3A_167, %add3A_169] : memref<2048x8192xf32, #tpu.memory_space<hbm>> -> memref<256x128xf32, #tpu.memory_space<hbm>>
    %dma_start3A_171 = tpu.memref_slice %arg4[%mul3A_167, %add3A_169] : memref<2048x8192xf32, #tpu.memory_space<hbm>> -> memref<256x128xf32, #tpu.memory_space<hbm>>
    tpu.enqueue_dma source(%arg8 : memref<256x128xf32, #tpu.memory_space<vmem>>) target(%dma_start3A_171 : memref<256x128xf32, #tpu.memory_space<hbm>>) target_semaphore(%arg11 : memref<!tpu.dma_semaphore, #tpu.memory_space<semaphore_mem>>)
    %mul3A_172 = arith.constant 256 : i32
    %mul3A_173 = arith.muli %select_n3A, %mul3A_172 : i32
    %add3A_174 = arith.constant 0 : i32
    %add3A_175 = arith.addi %select_n3A_32, %add3A_174 : i32
    %dma_wait3A = tpu.memref_slice %arg4[%mul3A_173, %add3A_175] : memref<2048x8192xf32, #tpu.memory_space<hbm>> -> memref<256x128xf32, #tpu.memory_space<hbm>>
    %dma_wait3A_176 = tpu.memref_slice %arg4[%mul3A_173, %add3A_175] : memref<2048x8192xf32, #tpu.memory_space<hbm>> -> memref<256x128xf32, #tpu.memory_space<hbm>>
    tpu.wait_dma2 semaphore(%arg9 : memref<!tpu.dma_semaphore, #tpu.memory_space<semaphore_mem>>) src(%arg6 : memref<256x128xf32, #tpu.memory_space<vmem>>) dst(%dma_wait3A_176 : memref<256x128xf32, #tpu.memory_space<hbm>>)
    %get3A_177 = arith.constant 0 : index
    %get3A_178 = tpu.vector_load %arg5[%get3A_177] {strides = array<i32>} : memref<2048xi32, #tpu.memory_space<vmem>>, vector<16xi32>,
    %add3A_179 = arith.constant 0 : i32
    %add3A_180 = vector.broadcast %add3A_179 : i32 to vector<16xi32>
    %add3A_181 = arith.addi %iota3A, %add3A_180 : vector<16xi32>
    tpu.vector_store_idx %arg6[%get3A_178, %add3A_181], %broadcast_in_dim3A_35 : memref<256x128xf32, #tpu.memory_space<vmem>>[vector<16xi32>, vector<16xi32>], vector<16xf32>,
    %get3A_182 = arith.constant 16 : index
    %get3A_183 = tpu.vector_load %arg5[%get3A_182] {strides = array<i32>} : memref<2048xi32, #tpu.memory_space<vmem>>, vector<16xi32>,
    %add3A_184 = arith.constant 16 : i32
    %add3A_185 = vector.broadcast %add3A_184 : i32 to vector<16xi32>
    %add3A_186 = arith.addi %iota3A, %add3A_185 : vector<16xi32>
    tpu.vector_store_idx %arg6[%get3A_183, %add3A_186], %broadcast_in_dim3A_35 : memref<256x128xf32, #tpu.memory_space<vmem>>[vector<16xi32>, vector<16xi32>], vector<16xf32>,
    %get3A_187 = arith.constant 32 : index
    %get3A_188 = tpu.vector_load %arg5[%get3A_187] {strides = array<i32>} : memref<2048xi32, #tpu.memory_space<vmem>>, vector<16xi32>,
    %add3A_189 = arith.constant 32 : i32
    %add3A_190 = vector.broadcast %add3A_189 : i32 to vector<16xi32>
    %add3A_191 = arith.addi %iota3A, %add3A_190 : vector<16xi32>
    tpu.vector_store_idx %arg6[%get3A_188, %add3A_191], %broadcast_in_dim3A_35 : memref<256x128xf32, #tpu.memory_space<vmem>>[vector<16xi32>, vector<16xi32>], vector<16xf32>,
    %get3A_192 = arith.constant 48 : index
    %get3A_193 = tpu.vector_load %arg5[%get3A_192] {strides = array<i32>} : memref<2048xi32, #tpu.memory_space<vmem>>, vector<16xi32>,
    %add3A_194 = arith.constant 48 : i32
    %add3A_195 = vector.broadcast %add3A_194 : i32 to vector<16xi32>
    %add3A_196 = arith.addi %iota3A, %add3A_195 : vector<16xi32>
    tpu.vector_store_idx %arg6[%get3A_193, %add3A_196], %broadcast_in_dim3A_35 : memref<256x128xf32, #tpu.memory_space<vmem>>[vector<16xi32>, vector<16xi32>], vector<16xf32>,
    %get3A_197 = arith.constant 64 : index
    %get3A_198 = tpu.vector_load %arg5[%get3A_197] {strides = array<i32>} : memref<2048xi32, #tpu.memory_space<vmem>>, vector<16xi32>,
    %add3A_199 = arith.constant 64 : i32
    %add3A_200 = vector.broadcast %add3A_199 : i32 to vector<16xi32>
    %add3A_201 = arith.addi %iota3A, %add3A_200 : vector<16xi32>
    tpu.vector_store_idx %arg6[%get3A_198, %add3A_201], %broadcast_in_dim3A_35 : memref<256x128xf32, #tpu.memory_space<vmem>>[vector<16xi32>, vector<16xi32>], vector<16xf32>,
    %get3A_202 = arith.constant 80 : index
    %get3A_203 = tpu.vector_load %arg5[%get3A_202] {strides = array<i32>} : memref<2048xi32, #tpu.memory_space<vmem>>, vector<16xi32>,
    %add3A_204 = arith.constant 80 : i32
    %add3A_205 = vector.broadcast %add3A_204 : i32 to vector<16xi32>
    %add3A_206 = arith.addi %iota3A, %add3A_205 : vector<16xi32>
    tpu.vector_store_idx %arg6[%get3A_203, %add3A_206], %broadcast_in_dim3A_35 : memref<256x128xf32, #tpu.memory_space<vmem>>[vector<16xi32>, vector<16xi32>], vector<16xf32>,
    %get3A_207 = arith.constant 96 : index
    %get3A_208 = tpu.vector_load %arg5[%get3A_207] {strides = array<i32>} : memref<2048xi32, #tpu.memory_space<vmem>>, vector<16xi32>,
    %add3A_209 = arith.constant 96 : i32
    %add3A_210 = vector.broadcast %add3A_209 : i32 to vector<16xi32>
    %add3A_211 = arith.addi %iota3A, %add3A_210 : vector<16xi32>
    tpu.vector_store_idx %arg6[%get3A_208, %add3A_211], %broadcast_in_dim3A_35 : memref<256x128xf32, #tpu.memory_space<vmem>>[vector<16xi32>, vector<16xi32>], vector<16xf32>,
    %get3A_212 = arith.constant 112 : index
    %get3A_213 = tpu.vector_load %arg5[%get3A_212] {strides = array<i32>} : memref<2048xi32, #tpu.memory_space<vmem>>, vector<16xi32>,
    %add3A_214 = arith.constant 112 : i32
    %add3A_215 = vector.broadcast %add3A_214 : i32 to vector<16xi32>
    %add3A_216 = arith.addi %iota3A, %add3A_215 : vector<16xi32>
    tpu.vector_store_idx %arg6[%get3A_213, %add3A_216], %broadcast_in_dim3A_35 : memref<256x128xf32, #tpu.memory_space<vmem>>[vector<16xi32>, vector<16xi32>], vector<16xf32>,
    %get3A_217 = arith.constant 384 : index
    %get3A_218 = tpu.vector_load %arg5[%get3A_217] {strides = array<i32>} : memref<2048xi32, #tpu.memory_space<vmem>>, vector<16xi32>,
    %add3A_219 = arith.constant 0 : i32
    %add3A_220 = vector.broadcast %add3A_219 : i32 to vector<16xi32>
    %add3A_221 = arith.addi %iota3A, %add3A_220 : vector<16xi32>
    tpu.vector_store_idx %arg6[%get3A_218, %add3A_221], %broadcast_in_dim3A_33 : memref<256x128xf32, #tpu.memory_space<vmem>>[vector<16xi32>, vector<16xi32>], vector<16xf32>,
    %get3A_222 = arith.constant 400 : index
    %get3A_223 = tpu.vector_load %arg5[%get3A_222] {strides = array<i32>} : memref<2048xi32, #tpu.memory_space<vmem>>, vector<16xi32>,
    %add3A_224 = arith.constant 16 : i32
    %add3A_225 = vector.broadcast %add3A_224 : i32 to vector<16xi32>
    %add3A_226 = arith.addi %iota3A, %add3A_225 : vector<16xi32>
    tpu.vector_store_idx %arg6[%get3A_223, %add3A_226], %broadcast_in_dim3A_33 : memref<256x128xf32, #tpu.memory_space<vmem>>[vector<16xi32>, vector<16xi32>], vector<16xf32>,
    %get3A_227 = arith.constant 416 : index
    %get3A_228 = tpu.vector_load %arg5[%get3A_227] {strides = array<i32>} : memref<2048xi32, #tpu.memory_space<vmem>>, vector<16xi32>,
    %add3A_229 = arith.constant 32 : i32
    %add3A_230 = vector.broadcast %add3A_229 : i32 to vector<16xi32>
    %add3A_231 = arith.addi %iota3A, %add3A_230 : vector<16xi32>
    tpu.vector_store_idx %arg6[%get3A_228, %add3A_231], %broadcast_in_dim3A_33 : memref<256x128xf32, #tpu.memory_space<vmem>>[vector<16xi32>, vector<16xi32>], vector<16xf32>,
    %get3A_232 = arith.constant 432 : index
    %get3A_233 = tpu.vector_load %arg5[%get3A_232] {strides = array<i32>} : memref<2048xi32, #tpu.memory_space<vmem>>, vector<16xi32>,
    %add3A_234 = arith.constant 48 : i32
    %add3A_235 = vector.broadcast %add3A_234 : i32 to vector<16xi32>
    %add3A_236 = arith.addi %iota3A, %add3A_235 : vector<16xi32>
    tpu.vector_store_idx %arg6[%get3A_233, %add3A_236], %broadcast_in_dim3A_33 : memref<256x128xf32, #tpu.memory_space<vmem>>[vector<16xi32>, vector<16xi32>], vector<16xf32>,
    %get3A_237 = arith.constant 448 : index
    %get3A_238 = tpu.vector_load %arg5[%get3A_237] {strides = array<i32>} : memref<2048xi32, #tpu.memory_space<vmem>>, vector<16xi32>,
    %add3A_239 = arith.constant 64 : i32
    %add3A_240 = vector.broadcast %add3A_239 : i32 to vector<16xi32>
    %add3A_241 = arith.addi %iota3A, %add3A_240 : vector<16xi32>
    tpu.vector_store_idx %arg6[%get3A_238, %add3A_241], %broadcast_in_dim3A_33 : memref<256x128xf32, #tpu.memory_space<vmem>>[vector<16xi32>, vector<16xi32>], vector<16xf32>,
    %get3A_242 = arith.constant 464 : index
    %get3A_243 = tpu.vector_load %arg5[%get3A_242] {strides = array<i32>} : memref<2048xi32, #tpu.memory_space<vmem>>, vector<16xi32>,
    %add3A_244 = arith.constant 80 : i32
    %add3A_245 = vector.broadcast %add3A_244 : i32 to vector<16xi32>
    %add3A_246 = arith.addi %iota3A, %add3A_245 : vector<16xi32>
    tpu.vector_store_idx %arg6[%get3A_243, %add3A_246], %broadcast_in_dim3A_33 : memref<256x128xf32, #tpu.memory_space<vmem>>[vector<16xi32>, vector<16xi32>], vector<16xf32>,
    %get3A_247 = arith.constant 480 : index
    %get3A_248 = tpu.vector_load %arg5[%get3A_247] {strides = array<i32>} : memref<2048xi32, #tpu.memory_space<vmem>>, vector<16xi32>,
    %add3A_249 = arith.constant 96 : i32
    %add3A_250 = vector.broadcast %add3A_249 : i32 to vector<16xi32>
    %add3A_251 = arith.addi %iota3A, %add3A_250 : vector<16xi32>
    tpu.vector_store_idx %arg6[%get3A_248, %add3A_251], %broadcast_in_dim3A_33 : memref<256x128xf32, #tpu.memory_space<vmem>>[vector<16xi32>, vector<16xi32>], vector<16xf32>,
    %get3A_252 = arith.constant 496 : index
    %get3A_253 = tpu.vector_load %arg5[%get3A_252] {strides = array<i32>} : memref<2048xi32, #tpu.memory_space<vmem>>, vector<16xi32>,
    %add3A_254 = arith.constant 112 : i32
    %add3A_255 = vector.broadcast %add3A_254 : i32 to vector<16xi32>
    %add3A_256 = arith.addi %iota3A, %add3A_255 : vector<16xi32>
    tpu.vector_store_idx %arg6[%get3A_253, %add3A_256], %broadcast_in_dim3A_33 : memref<256x128xf32, #tpu.memory_space<vmem>>[vector<16xi32>, vector<16xi32>], vector<16xf32>,
    %mul3A_257 = arith.constant 256 : i32
    %mul3A_258 = arith.muli %select_n3A, %mul3A_257 : i32
    %add3A_259 = arith.constant 384 : i32
    %add3A_260 = arith.addi %select_n3A_32, %add3A_259 : i32
    %dma_start3A_261 = tpu.memref_slice %arg4[%mul3A_258, %add3A_260] : memref<2048x8192xf32, #tpu.memory_space<hbm>> -> memref<256x128xf32, #tpu.memory_space<hbm>>
    %dma_start3A_262 = tpu.memref_slice %arg4[%mul3A_258, %add3A_260] : memref<2048x8192xf32, #tpu.memory_space<hbm>> -> memref<256x128xf32, #tpu.memory_space<hbm>>
    tpu.enqueue_dma source(%arg6 : memref<256x128xf32, #tpu.memory_space<vmem>>) target(%dma_start3A_262 : memref<256x128xf32, #tpu.memory_space<hbm>>) target_semaphore(%arg9 : memref<!tpu.dma_semaphore, #tpu.memory_space<semaphore_mem>>)
    %mul3A_263 = arith.constant 256 : i32
    %mul3A_264 = arith.muli %select_n3A, %mul3A_263 : i32
    %add3A_265 = arith.constant 128 : i32
    %add3A_266 = arith.addi %select_n3A_32, %add3A_265 : i32
    %dma_wait3A_267 = tpu.memref_slice %arg4[%mul3A_264, %add3A_266] : memref<2048x8192xf32, #tpu.memory_space<hbm>> -> memref<256x128xf32, #tpu.memory_space<hbm>>
    %dma_wait3A_268 = tpu.memref_slice %arg4[%mul3A_264, %add3A_266] : memref<2048x8192xf32, #tpu.memory_space<hbm>> -> memref<256x128xf32, #tpu.memory_space<hbm>>
    tpu.wait_dma2 semaphore(%arg10 : memref<!tpu.dma_semaphore, #tpu.memory_space<semaphore_mem>>) src(%arg7 : memref<256x128xf32, #tpu.memory_space<vmem>>) dst(%dma_wait3A_268 : memref<256x128xf32, #tpu.memory_space<hbm>>)
    %get3A_269 = arith.constant 128 : index
    %get3A_270 = tpu.vector_load %arg5[%get3A_269] {strides = array<i32>} : memref<2048xi32, #tpu.memory_space<vmem>>, vector<16xi32>,
    %add3A_271 = arith.constant 0 : i32
    %add3A_272 = vector.broadcast %add3A_271 : i32 to vector<16xi32>
    %add3A_273 = arith.addi %iota3A, %add3A_272 : vector<16xi32>
    tpu.vector_store_idx %arg7[%get3A_270, %add3A_273], %broadcast_in_dim3A_35 : memref<256x128xf32, #tpu.memory_space<vmem>>[vector<16xi32>, vector<16xi32>], vector<16xf32>,
    %get3A_274 = arith.constant 144 : index
    %get3A_275 = tpu.vector_load %arg5[%get3A_274] {strides = array<i32>} : memref<2048xi32, #tpu.memory_space<vmem>>, vector<16xi32>,
    %add3A_276 = arith.constant 16 : i32
    %add3A_277 = vector.broadcast %add3A_276 : i32 to vector<16xi32>
    %add3A_278 = arith.addi %iota3A, %add3A_277 : vector<16xi32>
    tpu.vector_store_idx %arg7[%get3A_275, %add3A_278], %broadcast_in_dim3A_35 : memref<256x128xf32, #tpu.memory_space<vmem>>[vector<16xi32>, vector<16xi32>], vector<16xf32>,
    %get3A_279 = arith.constant 160 : index
    %get3A_280 = tpu.vector_load %arg5[%get3A_279] {strides = array<i32>} : memref<2048xi32, #tpu.memory_space<vmem>>, vector<16xi32>,
    %add3A_281 = arith.constant 32 : i32
    %add3A_282 = vector.broadcast %add3A_281 : i32 to vector<16xi32>
    %add3A_283 = arith.addi %iota3A, %add3A_282 : vector<16xi32>
    tpu.vector_store_idx %arg7[%get3A_280, %add3A_283], %broadcast_in_dim3A_35 : memref<256x128xf32, #tpu.memory_space<vmem>>[vector<16xi32>, vector<16xi32>], vector<16xf32>,
    %get3A_284 = arith.constant 176 : index
    %get3A_285 = tpu.vector_load %arg5[%get3A_284] {strides = array<i32>} : memref<2048xi32, #tpu.memory_space<vmem>>, vector<16xi32>,
    %add3A_286 = arith.constant 48 : i32
    %add3A_287 = vector.broadcast %add3A_286 : i32 to vector<16xi32>
    %add3A_288 = arith.addi %iota3A, %add3A_287 : vector<16xi32>
    tpu.vector_store_idx %arg7[%get3A_285, %add3A_288], %broadcast_in_dim3A_35 : memref<256x128xf32, #tpu.memory_space<vmem>>[vector<16xi32>, vector<16xi32>], vector<16xf32>,
    %get3A_289 = arith.constant 192 : index
    %get3A_290 = tpu.vector_load %arg5[%get3A_289] {strides = array<i32>} : memref<2048xi32, #tpu.memory_space<vmem>>, vector<16xi32>,
    %add3A_291 = arith.constant 64 : i32
    %add3A_292 = vector.broadcast %add3A_291 : i32 to vector<16xi32>
    %add3A_293 = arith.addi %iota3A, %add3A_292 : vector<16xi32>
    tpu.vector_store_idx %arg7[%get3A_290, %add3A_293], %broadcast_in_dim3A_35 : memref<256x128xf32, #tpu.memory_space<vmem>>[vector<16xi32>, vector<16xi32>], vector<16xf32>,
    %get3A_294 = arith.constant 208 : index
    %get3A_295 = tpu.vector_load %arg5[%get3A_294] {strides = array<i32>} : memref<2048xi32, #tpu.memory_space<vmem>>, vector<16xi32>,
    %add3A_296 = arith.constant 80 : i32
    %add3A_297 = vector.broadcast %add3A_296 : i32 to vector<16xi32>
    %add3A_298 = arith.addi %iota3A, %add3A_297 : vector<16xi32>
    tpu.vector_store_idx %arg7[%get3A_295, %add3A_298], %broadcast_in_dim3A_35 : memref<256x128xf32, #tpu.memory_space<vmem>>[vector<16xi32>, vector<16xi32>], vector<16xf32>,
    %get3A_299 = arith.constant 224 : index
    %get3A_300 = tpu.vector_load %arg5[%get3A_299] {strides = array<i32>} : memref<2048xi32, #tpu.memory_space<vmem>>, vector<16xi32>,
    %add3A_301 = arith.constant 96 : i32
    %add3A_302 = vector.broadcast %add3A_301 : i32 to vector<16xi32>
    %add3A_303 = arith.addi %iota3A, %add3A_302 : vector<16xi32>
    tpu.vector_store_idx %arg7[%get3A_300, %add3A_303], %broadcast_in_dim3A_35 : memref<256x128xf32, #tpu.memory_space<vmem>>[vector<16xi32>, vector<16xi32>], vector<16xf32>,
    %get3A_304 = arith.constant 240 : index
    %get3A_305 = tpu.vector_load %arg5[%get3A_304] {strides = array<i32>} : memref<2048xi32, #tpu.memory_space<vmem>>, vector<16xi32>,
    %add3A_306 = arith.constant 112 : i32
    %add3A_307 = vector.broadcast %add3A_306 : i32 to vector<16xi32>
    %add3A_308 = arith.addi %iota3A, %add3A_307 : vector<16xi32>
    tpu.vector_store_idx %arg7[%get3A_305, %add3A_308], %broadcast_in_dim3A_35 : memref<256x128xf32, #tpu.memory_space<vmem>>[vector<16xi32>, vector<16xi32>], vector<16xf32>,
    %get3A_309 = arith.constant 512 : index
    %get3A_310 = tpu.vector_load %arg5[%get3A_309] {strides = array<i32>} : memref<2048xi32, #tpu.memory_space<vmem>>, vector<16xi32>,
    %add3A_311 = arith.constant 0 : i32
    %add3A_312 = vector.broadcast %add3A_311 : i32 to vector<16xi32>
    %add3A_313 = arith.addi %iota3A, %add3A_312 : vector<16xi32>
    tpu.vector_store_idx %arg7[%get3A_310, %add3A_313], %broadcast_in_dim3A_33 : memref<256x128xf32, #tpu.memory_space<vmem>>[vector<16xi32>, vector<16xi32>], vector<16xf32>,
    %get3A_314 = arith.constant 528 : index
    %get3A_315 = tpu.vector_load %arg5[%get3A_314] {strides = array<i32>} : memref<2048xi32, #tpu.memory_space<vmem>>, vector<16xi32>,
    %add3A_316 = arith.constant 16 : i32
    %add3A_317 = vector.broadcast %add3A_316 : i32 to vector<16xi32>
    %add3A_318 = arith.addi %iota3A, %add3A_317 : vector<16xi32>
    tpu.vector_store_idx %arg7[%get3A_315, %add3A_318], %broadcast_in_dim3A_33 : memref<256x128xf32, #tpu.memory_space<vmem>>[vector<16xi32>, vector<16xi32>], vector<16xf32>,
    %get3A_319 = arith.constant 544 : index
    %get3A_320 = tpu.vector_load %arg5[%get3A_319] {strides = array<i32>} : memref<2048xi32, #tpu.memory_space<vmem>>, vector<16xi32>,
    %add3A_321 = arith.constant 32 : i32
    %add3A_322 = vector.broadcast %add3A_321 : i32 to vector<16xi32>
    %add3A_323 = arith.addi %iota3A, %add3A_322 : vector<16xi32>
    tpu.vector_store_idx %arg7[%get3A_320, %add3A_323], %broadcast_in_dim3A_33 : memref<256x128xf32, #tpu.memory_space<vmem>>[vector<16xi32>, vector<16xi32>], vector<16xf32>,
    %get3A_324 = arith.constant 560 : index
    %get3A_325 = tpu.vector_load %arg5[%get3A_324] {strides = array<i32>} : memref<2048xi32, #tpu.memory_space<vmem>>, vector<16xi32>,
    %add3A_326 = arith.constant 48 : i32
    %add3A_327 = vector.broadcast %add3A_326 : i32 to vector<16xi32>
    %add3A_328 = arith.addi %iota3A, %add3A_327 : vector<16xi32>
    tpu.vector_store_idx %arg7[%get3A_325, %add3A_328], %broadcast_in_dim3A_33 : memref<256x128xf32, #tpu.memory_space<vmem>>[vector<16xi32>, vector<16xi32>], vector<16xf32>,
    %get3A_329 = arith.constant 576 : index
    %get3A_330 = tpu.vector_load %arg5[%get3A_329] {strides = array<i32>} : memref<2048xi32, #tpu.memory_space<vmem>>, vector<16xi32>,
    %add3A_331 = arith.constant 64 : i32
    %add3A_332 = vector.broadcast %add3A_331 : i32 to vector<16xi32>
    %add3A_333 = arith.addi %iota3A, %add3A_332 : vector<16xi32>
    tpu.vector_store_idx %arg7[%get3A_330, %add3A_333], %broadcast_in_dim3A_33 : memref<256x128xf32, #tpu.memory_space<vmem>>[vector<16xi32>, vector<16xi32>], vector<16xf32>,
    %get3A_334 = arith.constant 592 : index
    %get3A_335 = tpu.vector_load %arg5[%get3A_334] {strides = array<i32>} : memref<2048xi32, #tpu.memory_space<vmem>>, vector<16xi32>,
    %add3A_336 = arith.constant 80 : i32
    %add3A_337 = vector.broadcast %add3A_336 : i32 to vector<16xi32>
    %add3A_338 = arith.addi %iota3A, %add3A_337 : vector<16xi32>
    tpu.vector_store_idx %arg7[%get3A_335, %add3A_338], %broadcast_in_dim3A_33 : memref<256x128xf32, #tpu.memory_space<vmem>>[vector<16xi32>, vector<16xi32>], vector<16xf32>,
    %get3A_339 = arith.constant 608 : index
    %get3A_340 = tpu.vector_load %arg5[%get3A_339] {strides = array<i32>} : memref<2048xi32, #tpu.memory_space<vmem>>, vector<16xi32>,
    %add3A_341 = arith.constant 96 : i32
    %add3A_342 = vector.broadcast %add3A_341 : i32 to vector<16xi32>
    %add3A_343 = arith.addi %iota3A, %add3A_342 : vector<16xi32>
    tpu.vector_store_idx %arg7[%get3A_340, %add3A_343], %broadcast_in_dim3A_33 : memref<256x128xf32, #tpu.memory_space<vmem>>[vector<16xi32>, vector<16xi32>], vector<16xf32>,
    %get3A_344 = arith.constant 624 : index
    %get3A_345 = tpu.vector_load %arg5[%get3A_344] {strides = array<i32>} : memref<2048xi32, #tpu.memory_space<vmem>>, vector<16xi32>,
    %add3A_346 = arith.constant 112 : i32
    %add3A_347 = vector.broadcast %add3A_346 : i32 to vector<16xi32>
    %add3A_348 = arith.addi %iota3A, %add3A_347 : vector<16xi32>
    tpu.vector_store_idx %arg7[%get3A_345, %add3A_348], %broadcast_in_dim3A_33 : memref<256x128xf32, #tpu.memory_space<vmem>>[vector<16xi32>, vector<16xi32>], vector<16xf32>,
    %mul3A_349 = arith.constant 256 : i32
    %mul3A_350 = arith.muli %select_n3A, %mul3A_349 : i32
    %add3A_351 = arith.constant 512 : i32
    %add3A_352 = arith.addi %select_n3A_32, %add3A_351 : i32
    %dma_start3A_353 = tpu.memref_slice %arg4[%mul3A_350, %add3A_352] : memref<2048x8192xf32, #tpu.memory_space<hbm>> -> memref<256x128xf32, #tpu.memory_space<hbm>>
    %dma_start3A_354 = tpu.memref_slice %arg4[%mul3A_350, %add3A_352] : memref<2048x8192xf32, #tpu.memory_space<hbm>> -> memref<256x128xf32, #tpu.memory_space<hbm>>
    tpu.enqueue_dma source(%arg7 : memref<256x128xf32, #tpu.memory_space<vmem>>) target(%dma_start3A_354 : memref<256x128xf32, #tpu.memory_space<hbm>>) target_semaphore(%arg10 : memref<!tpu.dma_semaphore, #tpu.memory_space<semaphore_mem>>)
    %mul3A_355 = arith.constant 256 : i32
    %mul3A_356 = arith.muli %select_n3A, %mul3A_355 : i32
    %add3A_357 = arith.constant 256 : i32
    %add3A_358 = arith.addi %select_n3A_32, %add3A_357 : i32
    %dma_wait3A_359 = tpu.memref_slice %arg4[%mul3A_356, %add3A_358] : memref<2048x8192xf32, #tpu.memory_space<hbm>> -> memref<256x128xf32, #tpu.memory_space<hbm>>
    %dma_wait3A_360 = tpu.memref_slice %arg4[%mul3A_356, %add3A_358] : memref<2048x8192xf32, #tpu.memory_space<hbm>> -> memref<256x128xf32, #tpu.memory_space<hbm>>
    tpu.wait_dma2 semaphore(%arg11 : memref<!tpu.dma_semaphore, #tpu.memory_space<semaphore_mem>>) src(%arg8 : memref<256x128xf32, #tpu.memory_space<vmem>>) dst(%dma_wait3A_360 : memref<256x128xf32, #tpu.memory_space<hbm>>)
    %get3A_361 = arith.constant 256 : index
    %get3A_362 = tpu.vector_load %arg5[%get3A_361] {strides = array<i32>} : memref<2048xi32, #tpu.memory_space<vmem>>, vector<16xi32>,
    %add3A_363 = arith.constant 0 : i32
    %add3A_364 = vector.broadcast %add3A_363 : i32 to vector<16xi32>
    %add3A_365 = arith.addi %iota3A, %add3A_364 : vector<16xi32>
    tpu.vector_store_idx %arg8[%get3A_362, %add3A_365], %broadcast_in_dim3A_35 : memref<256x128xf32, #tpu.memory_space<vmem>>[vector<16xi32>, vector<16xi32>], vector<16xf32>,
    %get3A_366 = arith.constant 272 : index
    %get3A_367 = tpu.vector_load %arg5[%get3A_366] {strides = array<i32>} : memref<2048xi32, #tpu.memory_space<vmem>>, vector<16xi32>,
    %add3A_368 = arith.constant 16 : i32
    %add3A_369 = vector.broadcast %add3A_368 : i32 to vector<16xi32>
    %add3A_370 = arith.addi %iota3A, %add3A_369 : vector<16xi32>
    tpu.vector_store_idx %arg8[%get3A_367, %add3A_370], %broadcast_in_dim3A_35 : memref<256x128xf32, #tpu.memory_space<vmem>>[vector<16xi32>, vector<16xi32>], vector<16xf32>,
    %get3A_371 = arith.constant 288 : index
    %get3A_372 = tpu.vector_load %arg5[%get3A_371] {strides = array<i32>} : memref<2048xi32, #tpu.memory_space<vmem>>, vector<16xi32>,
    %add3A_373 = arith.constant 32 : i32
    %add3A_374 = vector.broadcast %add3A_373 : i32 to vector<16xi32>
    %add3A_375 = arith.addi %iota3A, %add3A_374 : vector<16xi32>
    tpu.vector_store_idx %arg8[%get3A_372, %add3A_375], %broadcast_in_dim3A_35 : memref<256x128xf32, #tpu.memory_space<vmem>>[vector<16xi32>, vector<16xi32>], vector<16xf32>,
    %get3A_376 = arith.constant 304 : index
    %get3A_377 = tpu.vector_load %arg5[%get3A_376] {strides = array<i32>} : memref<2048xi32, #tpu.memory_space<vmem>>, vector<16xi32>,
    %add3A_378 = arith.constant 48 : i32
    %add3A_379 = vector.broadcast %add3A_378 : i32 to vector<16xi32>
    %add3A_380 = arith.addi %iota3A, %add3A_379 : vector<16xi32>
    tpu.vector_store_idx %arg8[%get3A_377, %add3A_380], %broadcast_in_dim3A_35 : memref<256x128xf32, #tpu.memory_space<vmem>>[vector<16xi32>, vector<16xi32>], vector<16xf32>,
    %get3A_381 = arith.constant 320 : index
    %get3A_382 = tpu.vector_load %arg5[%get3A_381] {strides = array<i32>} : memref<2048xi32, #tpu.memory_space<vmem>>, vector<16xi32>,
    %add3A_383 = arith.constant 64 : i32
    %add3A_384 = vector.broadcast %add3A_383 : i32 to vector<16xi32>
    %add3A_385 = arith.addi %iota3A, %add3A_384 : vector<16xi32>
    tpu.vector_store_idx %arg8[%get3A_382, %add3A_385], %broadcast_in_dim3A_35 : memref<256x128xf32, #tpu.memory_space<vmem>>[vector<16xi32>, vector<16xi32>], vector<16xf32>,
    %get3A_386 = arith.constant 336 : index
    %get3A_387 = tpu.vector_load %arg5[%get3A_386] {strides = array<i32>} : memref<2048xi32, #tpu.memory_space<vmem>>, vector<16xi32>,
    %add3A_388 = arith.constant 80 : i32
    %add3A_389 = vector.broadcast %add3A_388 : i32 to vector<16xi32>
    %add3A_390 = arith.addi %iota3A, %add3A_389 : vector<16xi32>
    tpu.vector_store_idx %arg8[%get3A_387, %add3A_390], %broadcast_in_dim3A_35 : memref<256x128xf32, #tpu.memory_space<vmem>>[vector<16xi32>, vector<16xi32>], vector<16xf32>,
    %get3A_391 = arith.constant 352 : index
    %get3A_392 = tpu.vector_load %arg5[%get3A_391] {strides = array<i32>} : memref<2048xi32, #tpu.memory_space<vmem>>, vector<16xi32>,
    %add3A_393 = arith.constant 96 : i32
    %add3A_394 = vector.broadcast %add3A_393 : i32 to vector<16xi32>
    %add3A_395 = arith.addi %iota3A, %add3A_394 : vector<16xi32>
    tpu.vector_store_idx %arg8[%get3A_392, %add3A_395], %broadcast_in_dim3A_35 : memref<256x128xf32, #tpu.memory_space<vmem>>[vector<16xi32>, vector<16xi32>], vector<16xf32>,
    %get3A_396 = arith.constant 368 : index
    %get3A_397 = tpu.vector_load %arg5[%get3A_396] {strides = array<i32>} : memref<2048xi32, #tpu.memory_space<vmem>>, vector<16xi32>,
    %add3A_398 = arith.constant 112 : i32
    %add3A_399 = vector.broadcast %add3A_398 : i32 to vector<16xi32>
    %add3A_400 = arith.addi %iota3A, %add3A_399 : vector<16xi32>
    tpu.vector_store_idx %arg8[%get3A_397, %add3A_400], %broadcast_in_dim3A_35 : memref<256x128xf32, #tpu.memory_space<vmem>>[vector<16xi32>, vector<16xi32>], vector<16xf32>,
    %get3A_401 = arith.constant 640 : index
    %get3A_402 = tpu.vector_load %arg5[%get3A_401] {strides = array<i32>} : memref<2048xi32, #tpu.memory_space<vmem>>, vector<16xi32>,
    %add3A_403 = arith.constant 0 : i32
    %add3A_404 = vector.broadcast %add3A_403 : i32 to vector<16xi32>
    %add3A_405 = arith.addi %iota3A, %add3A_404 : vector<16xi32>
    tpu.vector_store_idx %arg8[%get3A_402, %add3A_405], %broadcast_in_dim3A_33 : memref<256x128xf32, #tpu.memory_space<vmem>>[vector<16xi32>, vector<16xi32>], vector<16xf32>,
    %get3A_406 = arith.constant 656 : index
    %get3A_407 = tpu.vector_load %arg5[%get3A_406] {strides = array<i32>} : memref<2048xi32, #tpu.memory_space<vmem>>, vector<16xi32>,
    %add3A_408 = arith.constant 16 : i32
    %add3A_409 = vector.broadcast %add3A_408 : i32 to vector<16xi32>
    %add3A_410 = arith.addi %iota3A, %add3A_409 : vector<16xi32>
    tpu.vector_store_idx %arg8[%get3A_407, %add3A_410], %broadcast_in_dim3A_33 : memref<256x128xf32, #tpu.memory_space<vmem>>[vector<16xi32>, vector<16xi32>], vector<16xf32>,
    %get3A_411 = arith.constant 672 : index
    %get3A_412 = tpu.vector_load %arg5[%get3A_411] {strides = array<i32>} : memref<2048xi32, #tpu.memory_space<vmem>>, vector<16xi32>,
    %add3A_413 = arith.constant 32 : i32
    %add3A_414 = vector.broadcast %add3A_413 : i32 to vector<16xi32>
    %add3A_415 = arith.addi %iota3A, %add3A_414 : vector<16xi32>
    tpu.vector_store_idx %arg8[%get3A_412, %add3A_415], %broadcast_in_dim3A_33 : memref<256x128xf32, #tpu.memory_space<vmem>>[vector<16xi32>, vector<16xi32>], vector<16xf32>,
    %get3A_416 = arith.constant 688 : index
    %get3A_417 = tpu.vector_load %arg5[%get3A_416] {strides = array<i32>} : memref<2048xi32, #tpu.memory_space<vmem>>, vector<16xi32>,
    %add3A_418 = arith.constant 48 : i32
    %add3A_419 = vector.broadcast %add3A_418 : i32 to vector<16xi32>
    %add3A_420 = arith.addi %iota3A, %add3A_419 : vector<16xi32>
    tpu.vector_store_idx %arg8[%get3A_417, %add3A_420], %broadcast_in_dim3A_33 : memref<256x128xf32, #tpu.memory_space<vmem>>[vector<16xi32>, vector<16xi32>], vector<16xf32>,
    %get3A_421 = arith.constant 704 : index
    %get3A_422 = tpu.vector_load %arg5[%get3A_421] {strides = array<i32>} : memref<2048xi32, #tpu.memory_space<vmem>>, vector<16xi32>,
    %add3A_423 = arith.constant 64 : i32
    %add3A_424 = vector.broadcast %add3A_423 : i32 to vector<16xi32>
    %add3A_425 = arith.addi %iota3A, %add3A_424 : vector<16xi32>
    tpu.vector_store_idx %arg8[%get3A_422, %add3A_425], %broadcast_in_dim3A_33 : memref<256x128xf32, #tpu.memory_space<vmem>>[vector<16xi32>, vector<16xi32>], vector<16xf32>,
    %get3A_426 = arith.constant 720 : index
    %get3A_427 = tpu.vector_load %arg5[%get3A_426] {strides = array<i32>} : memref<2048xi32, #tpu.memory_space<vmem>>, vector<16xi32>,
    %add3A_428 = arith.constant 80 : i32
    %add3A_429 = vector.broadcast %add3A_428 : i32 to vector<16xi32>
    %add3A_430 = arith.addi %iota3A, %add3A_429 : vector<16xi32>
    tpu.vector_store_idx %arg8[%get3A_427, %add3A_430], %broadcast_in_dim3A_33 : memref<256x128xf32, #tpu.memory_space<vmem>>[vector<16xi32>, vector<16xi32>], vector<16xf32>,
    %get3A_431 = arith.constant 736 : index
    %get3A_432 = tpu.vector_load %arg5[%get3A_431] {strides = array<i32>} : memref<2048xi32, #tpu.memory_space<vmem>>, vector<16xi32>,
    %add3A_433 = arith.constant 96 : i32
    %add3A_434 = vector.broadcast %add3A_433 : i32 to vector<16xi32>
    %add3A_435 = arith.addi %iota3A, %add3A_434 : vector<16xi32>
    tpu.vector_store_idx %arg8[%get3A_432, %add3A_435], %broadcast_in_dim3A_33 : memref<256x128xf32, #tpu.memory_space<vmem>>[vector<16xi32>, vector<16xi32>], vector<16xf32>,
    %get3A_436 = arith.constant 752 : index
    %get3A_437 = tpu.vector_load %arg5[%get3A_436] {strides = array<i32>} : memref<2048xi32, #tpu.memory_space<vmem>>, vector<16xi32>,
    %add3A_438 = arith.constant 112 : i32
    %add3A_439 = vector.broadcast %add3A_438 : i32 to vector<16xi32>
    %add3A_440 = arith.addi %iota3A, %add3A_439 : vector<16xi32>
    tpu.vector_store_idx %arg8[%get3A_437, %add3A_440], %broadcast_in_dim3A_33 : memref<256x128xf32, #tpu.memory_space<vmem>>[vector<16xi32>, vector<16xi32>], vector<16xf32>,
    %mul3A_441 = arith.constant 256 : i32
    %mul3A_442 = arith.muli %select_n3A, %mul3A_441 : i32
    %add3A_443 = arith.constant 640 : i32
    %add3A_444 = arith.addi %select_n3A_32, %add3A_443 : i32
    %dma_start3A_445 = tpu.memref_slice %arg4[%mul3A_442, %add3A_444] : memref<2048x8192xf32, #tpu.memory_space<hbm>> -> memref<256x128xf32, #tpu.memory_space<hbm>>
    %dma_start3A_446 = tpu.memref_slice %arg4[%mul3A_442, %add3A_444] : memref<2048x8192xf32, #tpu.memory_space<hbm>> -> memref<256x128xf32, #tpu.memory_space<hbm>>
    tpu.enqueue_dma source(%arg8 : memref<256x128xf32, #tpu.memory_space<vmem>>) target(%dma_start3A_446 : memref<256x128xf32, #tpu.memory_space<hbm>>) target_semaphore(%arg11 : memref<!tpu.dma_semaphore, #tpu.memory_space<semaphore_mem>>)
    %mul3A_447 = arith.constant 256 : i32
    %mul3A_448 = arith.muli %select_n3A, %mul3A_447 : i32
    %add3A_449 = arith.constant 384 : i32
    %add3A_450 = arith.addi %select_n3A_32, %add3A_449 : i32
    %dma_wait3A_451 = tpu.memref_slice %arg4[%mul3A_448, %add3A_450] : memref<2048x8192xf32, #tpu.memory_space<hbm>> -> memref<256x128xf32, #tpu.memory_space<hbm>>
    %dma_wait3A_452 = tpu.memref_slice %arg4[%mul3A_448, %add3A_450] : memref<2048x8192xf32, #tpu.memory_space<hbm>> -> memref<256x128xf32, #tpu.memory_space<hbm>>
    tpu.wait_dma2 semaphore(%arg9 : memref<!tpu.dma_semaphore, #tpu.memory_space<semaphore_mem>>) src(%arg6 : memref<256x128xf32, #tpu.memory_space<vmem>>) dst(%dma_wait3A_452 : memref<256x128xf32, #tpu.memory_space<hbm>>)
    %get3A_453 = arith.constant 384 : index
    %get3A_454 = tpu.vector_load %arg5[%get3A_453] {strides = array<i32>} : memref<2048xi32, #tpu.memory_space<vmem>>, vector<16xi32>,
    %add3A_455 = arith.constant 0 : i32
    %add3A_456 = vector.broadcast %add3A_455 : i32 to vector<16xi32>
    %add3A_457 = arith.addi %iota3A, %add3A_456 : vector<16xi32>
    tpu.vector_store_idx %arg6[%get3A_454, %add3A_457], %broadcast_in_dim3A_35 : memref<256x128xf32, #tpu.memory_space<vmem>>[vector<16xi32>, vector<16xi32>], vector<16xf32>,
    %get3A_458 = arith.constant 400 : index
    %get3A_459 = tpu.vector_load %arg5[%get3A_458] {strides = array<i32>} : memref<2048xi32, #tpu.memory_space<vmem>>, vector<16xi32>,
    %add3A_460 = arith.constant 16 : i32
    %add3A_461 = vector.broadcast %add3A_460 : i32 to vector<16xi32>
    %add3A_462 = arith.addi %iota3A, %add3A_461 : vector<16xi32>
    tpu.vector_store_idx %arg6[%get3A_459, %add3A_462], %broadcast_in_dim3A_35 : memref<256x128xf32, #tpu.memory_space<vmem>>[vector<16xi32>, vector<16xi32>], vector<16xf32>,
    %get3A_463 = arith.constant 416 : index
    %get3A_464 = tpu.vector_load %arg5[%get3A_463] {strides = array<i32>} : memref<2048xi32, #tpu.memory_space<vmem>>, vector<16xi32>,
    %add3A_465 = arith.constant 32 : i32
    %add3A_466 = vector.broadcast %add3A_465 : i32 to vector<16xi32>
    %add3A_467 = arith.addi %iota3A, %add3A_466 : vector<16xi32>
    tpu.vector_store_idx %arg6[%get3A_464, %add3A_467], %broadcast_in_dim3A_35 : memref<256x128xf32, #tpu.memory_space<vmem>>[vector<16xi32>, vector<16xi32>], vector<16xf32>,
    %get3A_468 = arith.constant 432 : index
    %get3A_469 = tpu.vector_load %arg5[%get3A_468] {strides = array<i32>} : memref<2048xi32, #tpu.memory_space<vmem>>, vector<16xi32>,
    %add3A_470 = arith.constant 48 : i32
    %add3A_471 = vector.broadcast %add3A_470 : i32 to vector<16xi32>
    %add3A_472 = arith.addi %iota3A, %add3A_471 : vector<16xi32>
    tpu.vector_store_idx %arg6[%get3A_469, %add3A_472], %broadcast_in_dim3A_35 : memref<256x128xf32, #tpu.memory_space<vmem>>[vector<16xi32>, vector<16xi32>], vector<16xf32>,
    %get3A_473 = arith.constant 448 : index
    %get3A_474 = tpu.vector_load %arg5[%get3A_473] {strides = array<i32>} : memref<2048xi32, #tpu.memory_space<vmem>>, vector<16xi32>,
    %add3A_475 = arith.constant 64 : i32
    %add3A_476 = vector.broadcast %add3A_475 : i32 to vector<16xi32>
    %add3A_477 = arith.addi %iota3A, %add3A_476 : vector<16xi32>
    tpu.vector_store_idx %arg6[%get3A_474, %add3A_477], %broadcast_in_dim3A_35 : memref<256x128xf32, #tpu.memory_space<vmem>>[vector<16xi32>, vector<16xi32>], vector<16xf32>,
    %get3A_478 = arith.constant 464 : index
    %get3A_479 = tpu.vector_load %arg5[%get3A_478] {strides = array<i32>} : memref<2048xi32, #tpu.memory_space<vmem>>, vector<16xi32>,
    %add3A_480 = arith.constant 80 : i32
    %add3A_481 = vector.broadcast %add3A_480 : i32 to vector<16xi32>
    %add3A_482 = arith.addi %iota3A, %add3A_481 : vector<16xi32>
    tpu.vector_store_idx %arg6[%get3A_479, %add3A_482], %broadcast_in_dim3A_35 : memref<256x128xf32, #tpu.memory_space<vmem>>[vector<16xi32>, vector<16xi32>], vector<16xf32>,
    %get3A_483 = arith.constant 480 : index
    %get3A_484 = tpu.vector_load %arg5[%get3A_483] {strides = array<i32>} : memref<2048xi32, #tpu.memory_space<vmem>>, vector<16xi32>,
    %add3A_485 = arith.constant 96 : i32
    %add3A_486 = vector.broadcast %add3A_485 : i32 to vector<16xi32>
    %add3A_487 = arith.addi %iota3A, %add3A_486 : vector<16xi32>
    tpu.vector_store_idx %arg6[%get3A_484, %add3A_487], %broadcast_in_dim3A_35 : memref<256x128xf32, #tpu.memory_space<vmem>>[vector<16xi32>, vector<16xi32>], vector<16xf32>,
    %get3A_488 = arith.constant 496 : index
    %get3A_489 = tpu.vector_load %arg5[%get3A_488] {strides = array<i32>} : memref<2048xi32, #tpu.memory_space<vmem>>, vector<16xi32>,
    %add3A_490 = arith.constant 112 : i32
    %add3A_491 = vector.broadcast %add3A_490 : i32 to vector<16xi32>
    %add3A_492 = arith.addi %iota3A, %add3A_491 : vector<16xi32>
    tpu.vector_store_idx %arg6[%get3A_489, %add3A_492], %broadcast_in_dim3A_35 : memref<256x128xf32, #tpu.memory_space<vmem>>[vector<16xi32>, vector<16xi32>], vector<16xf32>,
    %get3A_493 = arith.constant 768 : index
    %get3A_494 = tpu.vector_load %arg5[%get3A_493] {strides = array<i32>} : memref<2048xi32, #tpu.memory_space<vmem>>, vector<16xi32>,
    %add3A_495 = arith.constant 0 : i32
    %add3A_496 = vector.broadcast %add3A_495 : i32 to vector<16xi32>
    %add3A_497 = arith.addi %iota3A, %add3A_496 : vector<16xi32>
    tpu.vector_store_idx %arg6[%get3A_494, %add3A_497], %broadcast_in_dim3A_33 : memref<256x128xf32, #tpu.memory_space<vmem>>[vector<16xi32>, vector<16xi32>], vector<16xf32>,
    %get3A_498 = arith.constant 784 : index
    %get3A_499 = tpu.vector_load %arg5[%get3A_498] {strides = array<i32>} : memref<2048xi32, #tpu.memory_space<vmem>>, vector<16xi32>,
    %add3A_500 = arith.constant 16 : i32
    %add3A_501 = vector.broadcast %add3A_500 : i32 to vector<16xi32>
    %add3A_502 = arith.addi %iota3A, %add3A_501 : vector<16xi32>
    tpu.vector_store_idx %arg6[%get3A_499, %add3A_502], %broadcast_in_dim3A_33 : memref<256x128xf32, #tpu.memory_space<vmem>>[vector<16xi32>, vector<16xi32>], vector<16xf32>,
    %get3A_503 = arith.constant 800 : index
    %get3A_504 = tpu.vector_load %arg5[%get3A_503] {strides = array<i32>} : memref<2048xi32, #tpu.memory_space<vmem>>, vector<16xi32>,
    %add3A_505 = arith.constant 32 : i32
    %add3A_506 = vector.broadcast %add3A_505 : i32 to vector<16xi32>
    %add3A_507 = arith.addi %iota3A, %add3A_506 : vector<16xi32>
    tpu.vector_store_idx %arg6[%get3A_504, %add3A_507], %broadcast_in_dim3A_33 : memref<256x128xf32, #tpu.memory_space<vmem>>[vector<16xi32>, vector<16xi32>], vector<16xf32>,
    %get3A_508 = arith.constant 816 : index
    %get3A_509 = tpu.vector_load %arg5[%get3A_508] {strides = array<i32>} : memref<2048xi32, #tpu.memory_space<vmem>>, vector<16xi32>,
    %add3A_510 = arith.constant 48 : i32
    %add3A_511 = vector.broadcast %add3A_510 : i32 to vector<16xi32>
    %add3A_512 = arith.addi %iota3A, %add3A_511 : vector<16xi32>
    tpu.vector_store_idx %arg6[%get3A_509, %add3A_512], %broadcast_in_dim3A_33 : memref<256x128xf32, #tpu.memory_space<vmem>>[vector<16xi32>, vector<16xi32>], vector<16xf32>,
    %get3A_513 = arith.constant 832 : index
    %get3A_514 = tpu.vector_load %arg5[%get3A_513] {strides = array<i32>} : memref<2048xi32, #tpu.memory_space<vmem>>, vector<16xi32>,
    %add3A_515 = arith.constant 64 : i32
    %add3A_516 = vector.broadcast %add3A_515 : i32 to vector<16xi32>
    %add3A_517 = arith.addi %iota3A, %add3A_516 : vector<16xi32>
    tpu.vector_store_idx %arg6[%get3A_514, %add3A_517], %broadcast_in_dim3A_33 : memref<256x128xf32, #tpu.memory_space<vmem>>[vector<16xi32>, vector<16xi32>], vector<16xf32>,
    %get3A_518 = arith.constant 848 : index
    %get3A_519 = tpu.vector_load %arg5[%get3A_518] {strides = array<i32>} : memref<2048xi32, #tpu.memory_space<vmem>>, vector<16xi32>,
    %add3A_520 = arith.constant 80 : i32
    %add3A_521 = vector.broadcast %add3A_520 : i32 to vector<16xi32>
    %add3A_522 = arith.addi %iota3A, %add3A_521 : vector<16xi32>
    tpu.vector_store_idx %arg6[%get3A_519, %add3A_522], %broadcast_in_dim3A_33 : memref<256x128xf32, #tpu.memory_space<vmem>>[vector<16xi32>, vector<16xi32>], vector<16xf32>,
    %get3A_523 = arith.constant 864 : index
    %get3A_524 = tpu.vector_load %arg5[%get3A_523] {strides = array<i32>} : memref<2048xi32, #tpu.memory_space<vmem>>, vector<16xi32>,
    %add3A_525 = arith.constant 96 : i32
    %add3A_526 = vector.broadcast %add3A_525 : i32 to vector<16xi32>
    %add3A_527 = arith.addi %iota3A, %add3A_526 : vector<16xi32>
    tpu.vector_store_idx %arg6[%get3A_524, %add3A_527], %broadcast_in_dim3A_33 : memref<256x128xf32, #tpu.memory_space<vmem>>[vector<16xi32>, vector<16xi32>], vector<16xf32>,
    %get3A_528 = arith.constant 880 : index
    %get3A_529 = tpu.vector_load %arg5[%get3A_528] {strides = array<i32>} : memref<2048xi32, #tpu.memory_space<vmem>>, vector<16xi32>,
    %add3A_530 = arith.constant 112 : i32
    %add3A_531 = vector.broadcast %add3A_530 : i32 to vector<16xi32>
    %add3A_532 = arith.addi %iota3A, %add3A_531 : vector<16xi32>
    tpu.vector_store_idx %arg6[%get3A_529, %add3A_532], %broadcast_in_dim3A_33 : memref<256x128xf32, #tpu.memory_space<vmem>>[vector<16xi32>, vector<16xi32>], vector<16xf32>,
    %mul3A_533 = arith.constant 256 : i32
    %mul3A_534 = arith.muli %select_n3A, %mul3A_533 : i32
    %add3A_535 = arith.constant 768 : i32
    %add3A_536 = arith.addi %select_n3A_32, %add3A_535 : i32
    %dma_start3A_537 = tpu.memref_slice %arg4[%mul3A_534, %add3A_536] : memref<2048x8192xf32, #tpu.memory_space<hbm>> -> memref<256x128xf32, #tpu.memory_space<hbm>>
    %dma_start3A_538 = tpu.memref_slice %arg4[%mul3A_534, %add3A_536] : memref<2048x8192xf32, #tpu.memory_space<hbm>> -> memref<256x128xf32, #tpu.memory_space<hbm>>
    tpu.enqueue_dma source(%arg6 : memref<256x128xf32, #tpu.memory_space<vmem>>) target(%dma_start3A_538 : memref<256x128xf32, #tpu.memory_space<hbm>>) target_semaphore(%arg9 : memref<!tpu.dma_semaphore, #tpu.memory_space<semaphore_mem>>)
    %mul3A_539 = arith.constant 256 : i32
    %mul3A_540 = arith.muli %select_n3A, %mul3A_539 : i32
    %add3A_541 = arith.constant 512 : i32
    %add3A_542 = arith.addi %select_n3A_32, %add3A_541 : i32
    %dma_wait3A_543 = tpu.memref_slice %arg4[%mul3A_540, %add3A_542] : memref<2048x8192xf32, #tpu.memory_space<hbm>> -> memref<256x128xf32, #tpu.memory_space<hbm>>
    %dma_wait3A_544 = tpu.memref_slice %arg4[%mul3A_540, %add3A_542] : memref<2048x8192xf32, #tpu.memory_space<hbm>> -> memref<256x128xf32, #tpu.memory_space<hbm>>
    tpu.wait_dma2 semaphore(%arg10 : memref<!tpu.dma_semaphore, #tpu.memory_space<semaphore_mem>>) src(%arg7 : memref<256x128xf32, #tpu.memory_space<vmem>>) dst(%dma_wait3A_544 : memref<256x128xf32, #tpu.memory_space<hbm>>)
    %get3A_545 = arith.constant 512 : index
    %get3A_546 = tpu.vector_load %arg5[%get3A_545] {strides = array<i32>} : memref<2048xi32, #tpu.memory_space<vmem>>, vector<16xi32>,
    %add3A_547 = arith.constant 0 : i32
    %add3A_548 = vector.broadcast %add3A_547 : i32 to vector<16xi32>
    %add3A_549 = arith.addi %iota3A, %add3A_548 : vector<16xi32>
    tpu.vector_store_idx %arg7[%get3A_546, %add3A_549], %broadcast_in_dim3A_35 : memref<256x128xf32, #tpu.memory_space<vmem>>[vector<16xi32>, vector<16xi32>], vector<16xf32>,
    %get3A_550 = arith.constant 528 : index
    %get3A_551 = tpu.vector_load %arg5[%get3A_550] {strides = array<i32>} : memref<2048xi32, #tpu.memory_space<vmem>>, vector<16xi32>,
    %add3A_552 = arith.constant 16 : i32
    %add3A_553 = vector.broadcast %add3A_552 : i32 to vector<16xi32>
    %add3A_554 = arith.addi %iota3A, %add3A_553 : vector<16xi32>
    tpu.vector_store_idx %arg7[%get3A_551, %add3A_554], %broadcast_in_dim3A_35 : memref<256x128xf32, #tpu.memory_space<vmem>>[vector<16xi32>, vector<16xi32>], vector<16xf32>,
    %get3A_555 = arith.constant 544 : index
    %get3A_556 = tpu.vector_load %arg5[%get3A_555] {strides = array<i32>} : memref<2048xi32, #tpu.memory_space<vmem>>, vector<16xi32>,
    %add3A_557 = arith.constant 32 : i32
    %add3A_558 = vector.broadcast %add3A_557 : i32 to vector<16xi32>
    %add3A_559 = arith.addi %iota3A, %add3A_558 : vector<16xi32>
    tpu.vector_store_idx %arg7[%get3A_556, %add3A_559], %broadcast_in_dim3A_35 : memref<256x128xf32, #tpu.memory_space<vmem>>[vector<16xi32>, vector<16xi32>], vector<16xf32>,
    %get3A_560 = arith.constant 560 : index
    %get3A_561 = tpu.vector_load %arg5[%get3A_560] {strides = array<i32>} : memref<2048xi32, #tpu.memory_space<vmem>>, vector<16xi32>,
    %add3A_562 = arith.constant 48 : i32
    %add3A_563 = vector.broadcast %add3A_562 : i32 to vector<16xi32>
    %add3A_564 = arith.addi %iota3A, %add3A_563 : vector<16xi32>
    tpu.vector_store_idx %arg7[%get3A_561, %add3A_564], %broadcast_in_dim3A_35 : memref<256x128xf32, #tpu.memory_space<vmem>>[vector<16xi32>, vector<16xi32>], vector<16xf32>,
    %get3A_565 = arith.constant 576 : index
    %get3A_566 = tpu.vector_load %arg5[%get3A_565] {strides = array<i32>} : memref<2048xi32, #tpu.memory_space<vmem>>, vector<16xi32>,
    %add3A_567 = arith.constant 64 : i32
    %add3A_568 = vector.broadcast %add3A_567 : i32 to vector<16xi32>
    %add3A_569 = arith.addi %iota3A, %add3A_568 : vector<16xi32>
    tpu.vector_store_idx %arg7[%get3A_566, %add3A_569], %broadcast_in_dim3A_35 : memref<256x128xf32, #tpu.memory_space<vmem>>[vector<16xi32>, vector<16xi32>], vector<16xf32>,
    %get3A_570 = arith.constant 592 : index
    %get3A_571 = tpu.vector_load %arg5[%get3A_570] {strides = array<i32>} : memref<2048xi32, #tpu.memory_space<vmem>>, vector<16xi32>,
    %add3A_572 = arith.constant 80 : i32
    %add3A_573 = vector.broadcast %add3A_572 : i32 to vector<16xi32>
    %add3A_574 = arith.addi %iota3A, %add3A_573 : vector<16xi32>
    tpu.vector_store_idx %arg7[%get3A_571, %add3A_574], %broadcast_in_dim3A_35 : memref<256x128xf32, #tpu.memory_space<vmem>>[vector<16xi32>, vector<16xi32>], vector<16xf32>,
    %get3A_575 = arith.constant 608 : index
    %get3A_576 = tpu.vector_load %arg5[%get3A_575] {strides = array<i32>} : memref<2048xi32, #tpu.memory_space<vmem>>, vector<16xi32>,
    %add3A_577 = arith.constant 96 : i32
    %add3A_578 = vector.broadcast %add3A_577 : i32 to vector<16xi32>
    %add3A_579 = arith.addi %iota3A, %add3A_578 : vector<16xi32>
    tpu.vector_store_idx %arg7[%get3A_576, %add3A_579], %broadcast_in_dim3A_35 : memref<256x128xf32, #tpu.memory_space<vmem>>[vector<16xi32>, vector<16xi32>], vector<16xf32>,
    %get3A_580 = arith.constant 624 : index
    %get3A_581 = tpu.vector_load %arg5[%get3A_580] {strides = array<i32>} : memref<2048xi32, #tpu.memory_space<vmem>>, vector<16xi32>,
    %add3A_582 = arith.constant 112 : i32
    %add3A_583 = vector.broadcast %add3A_582 : i32 to vector<16xi32>
    %add3A_584 = arith.addi %iota3A, %add3A_583 : vector<16xi32>
    tpu.vector_store_idx %arg7[%get3A_581, %add3A_584], %broadcast_in_dim3A_35 : memref<256x128xf32, #tpu.memory_space<vmem>>[vector<16xi32>, vector<16xi32>], vector<16xf32>,
    %get3A_585 = arith.constant 896 : index
    %get3A_586 = tpu.vector_load %arg5[%get3A_585] {strides = array<i32>} : memref<2048xi32, #tpu.memory_space<vmem>>, vector<16xi32>,
    %add3A_587 = arith.constant 0 : i32
    %add3A_588 = vector.broadcast %add3A_587 : i32 to vector<16xi32>
    %add3A_589 = arith.addi %iota3A, %add3A_588 : vector<16xi32>
    tpu.vector_store_idx %arg7[%get3A_586, %add3A_589], %broadcast_in_dim3A_33 : memref<256x128xf32, #tpu.memory_space<vmem>>[vector<16xi32>, vector<16xi32>], vector<16xf32>,
    %get3A_590 = arith.constant 912 : index
    %get3A_591 = tpu.vector_load %arg5[%get3A_590] {strides = array<i32>} : memref<2048xi32, #tpu.memory_space<vmem>>, vector<16xi32>,
    %add3A_592 = arith.constant 16 : i32
    %add3A_593 = vector.broadcast %add3A_592 : i32 to vector<16xi32>
    %add3A_594 = arith.addi %iota3A, %add3A_593 : vector<16xi32>
    tpu.vector_store_idx %arg7[%get3A_591, %add3A_594], %broadcast_in_dim3A_33 : memref<256x128xf32, #tpu.memory_space<vmem>>[vector<16xi32>, vector<16xi32>], vector<16xf32>,
    %get3A_595 = arith.constant 928 : index
    %get3A_596 = tpu.vector_load %arg5[%get3A_595] {strides = array<i32>} : memref<2048xi32, #tpu.memory_space<vmem>>, vector<16xi32>,
    %add3A_597 = arith.constant 32 : i32
    %add3A_598 = vector.broadcast %add3A_597 : i32 to vector<16xi32>
    %add3A_599 = arith.addi %iota3A, %add3A_598 : vector<16xi32>
    tpu.vector_store_idx %arg7[%get3A_596, %add3A_599], %broadcast_in_dim3A_33 : memref<256x128xf32, #tpu.memory_space<vmem>>[vector<16xi32>, vector<16xi32>], vector<16xf32>,
    %get3A_600 = arith.constant 944 : index
    %get3A_601 = tpu.vector_load %arg5[%get3A_600] {strides = array<i32>} : memref<2048xi32, #tpu.memory_space<vmem>>, vector<16xi32>,
    %add3A_602 = arith.constant 48 : i32
    %add3A_603 = vector.broadcast %add3A_602 : i32 to vector<16xi32>
    %add3A_604 = arith.addi %iota3A, %add3A_603 : vector<16xi32>
    tpu.vector_store_idx %arg7[%get3A_601, %add3A_604], %broadcast_in_dim3A_33 : memref<256x128xf32, #tpu.memory_space<vmem>>[vector<16xi32>, vector<16xi32>], vector<16xf32>,
    %get3A_605 = arith.constant 960 : index
    %get3A_606 = tpu.vector_load %arg5[%get3A_605] {strides = array<i32>} : memref<2048xi32, #tpu.memory_space<vmem>>, vector<16xi32>,
    %add3A_607 = arith.constant 64 : i32
    %add3A_608 = vector.broadcast %add3A_607 : i32 to vector<16xi32>
    %add3A_609 = arith.addi %iota3A, %add3A_608 : vector<16xi32>
    tpu.vector_store_idx %arg7[%get3A_606, %add3A_609], %broadcast_in_dim3A_33 : memref<256x128xf32, #tpu.memory_space<vmem>>[vector<16xi32>, vector<16xi32>], vector<16xf32>,
    %get3A_610 = arith.constant 976 : index
    %get3A_611 = tpu.vector_load %arg5[%get3A_610] {strides = array<i32>} : memref<2048xi32, #tpu.memory_space<vmem>>, vector<16xi32>,
    %add3A_612 = arith.constant 80 : i32
    %add3A_613 = vector.broadcast %add3A_612 : i32 to vector<16xi32>
    %add3A_614 = arith.addi %iota3A, %add3A_613 : vector<16xi32>
    tpu.vector_store_idx %arg7[%get3A_611, %add3A_614], %broadcast_in_dim3A_33 : memref<256x128xf32, #tpu.memory_space<vmem>>[vector<16xi32>, vector<16xi32>], vector<16xf32>,
    %get3A_615 = arith.constant 992 : index
    %get3A_616 = tpu.vector_load %arg5[%get3A_615] {strides = array<i32>} : memref<2048xi32, #tpu.memory_space<vmem>>, vector<16xi32>,
    %add3A_617 = arith.constant 96 : i32
    %add3A_618 = vector.broadcast %add3A_617 : i32 to vector<16xi32>
    %add3A_619 = arith.addi %iota3A, %add3A_618 : vector<16xi32>
    tpu.vector_store_idx %arg7[%get3A_616, %add3A_619], %broadcast_in_dim3A_33 : memref<256x128xf32, #tpu.memory_space<vmem>>[vector<16xi32>, vector<16xi32>], vector<16xf32>,
    %get3A_620 = arith.constant 1008 : index
    %get3A_621 = tpu.vector_load %arg5[%get3A_620] {strides = array<i32>} : memref<2048xi32, #tpu.memory_space<vmem>>, vector<16xi32>,
    %add3A_622 = arith.constant 112 : i32
    %add3A_623 = vector.broadcast %add3A_622 : i32 to vector<16xi32>
    %add3A_624 = arith.addi %iota3A, %add3A_623 : vector<16xi32>
    tpu.vector_store_idx %arg7[%get3A_621, %add3A_624], %broadcast_in_dim3A_33 : memref<256x128xf32, #tpu.memory_space<vmem>>[vector<16xi32>, vector<16xi32>], vector<16xf32>,
    %mul3A_625 = arith.constant 256 : i32
    %mul3A_626 = arith.muli %select_n3A, %mul3A_625 : i32
    %add3A_627 = arith.constant 896 : i32
    %add3A_628 = arith.addi %select_n3A_32, %add3A_627 : i32
    %dma_start3A_629 = tpu.memref_slice %arg4[%mul3A_626, %add3A_628] : memref<2048x8192xf32, #tpu.memory_space<hbm>> -> memref<256x128xf32, #tpu.memory_space<hbm>>
    %dma_start3A_630 = tpu.memref_slice %arg4[%mul3A_626, %add3A_628] : memref<2048x8192xf32, #tpu.memory_space<hbm>> -> memref<256x128xf32, #tpu.memory_space<hbm>>
    tpu.enqueue_dma source(%arg7 : memref<256x128xf32, #tpu.memory_space<vmem>>) target(%dma_start3A_630 : memref<256x128xf32, #tpu.memory_space<hbm>>) target_semaphore(%arg10 : memref<!tpu.dma_semaphore, #tpu.memory_space<semaphore_mem>>)
    %mul3A_631 = arith.constant 256 : i32
    %mul3A_632 = arith.muli %select_n3A, %mul3A_631 : i32
    %add3A_633 = arith.constant 640 : i32
    %add3A_634 = arith.addi %select_n3A_32, %add3A_633 : i32
    %dma_wait3A_635 = tpu.memref_slice %arg4[%mul3A_632, %add3A_634] : memref<2048x8192xf32, #tpu.memory_space<hbm>> -> memref<256x128xf32, #tpu.memory_space<hbm>>
    %dma_wait3A_636 = tpu.memref_slice %arg4[%mul3A_632, %add3A_634] : memref<2048x8192xf32, #tpu.memory_space<hbm>> -> memref<256x128xf32, #tpu.memory_space<hbm>>
    tpu.wait_dma2 semaphore(%arg11 : memref<!tpu.dma_semaphore, #tpu.memory_space<semaphore_mem>>) src(%arg8 : memref<256x128xf32, #tpu.memory_space<vmem>>) dst(%dma_wait3A_636 : memref<256x128xf32, #tpu.memory_space<hbm>>)
    %get3A_637 = arith.constant 640 : index
    %get3A_638 = tpu.vector_load %arg5[%get3A_637] {strides = array<i32>} : memref<2048xi32, #tpu.memory_space<vmem>>, vector<16xi32>,
    %add3A_639 = arith.constant 0 : i32
    %add3A_640 = vector.broadcast %add3A_639 : i32 to vector<16xi32>
    %add3A_641 = arith.addi %iota3A, %add3A_640 : vector<16xi32>
    tpu.vector_store_idx %arg8[%get3A_638, %add3A_641], %broadcast_in_dim3A_35 : memref<256x128xf32, #tpu.memory_space<vmem>>[vector<16xi32>, vector<16xi32>], vector<16xf32>,
    %get3A_642 = arith.constant 656 : index
    %get3A_643 = tpu.vector_load %arg5[%get3A_642] {strides = array<i32>} : memref<2048xi32, #tpu.memory_space<vmem>>, vector<16xi32>,
    %add3A_644 = arith.constant 16 : i32
    %add3A_645 = vector.broadcast %add3A_644 : i32 to vector<16xi32>
    %add3A_646 = arith.addi %iota3A, %add3A_645 : vector<16xi32>
    tpu.vector_store_idx %arg8[%get3A_643, %add3A_646], %broadcast_in_dim3A_35 : memref<256x128xf32, #tpu.memory_space<vmem>>[vector<16xi32>, vector<16xi32>], vector<16xf32>,
    %get3A_647 = arith.constant 672 : index
    %get3A_648 = tpu.vector_load %arg5[%get3A_647] {strides = array<i32>} : memref<2048xi32, #tpu.memory_space<vmem>>, vector<16xi32>,
    %add3A_649 = arith.constant 32 : i32
    %add3A_650 = vector.broadcast %add3A_649 : i32 to vector<16xi32>
    %add3A_651 = arith.addi %iota3A, %add3A_650 : vector<16xi32>
    tpu.vector_store_idx %arg8[%get3A_648, %add3A_651], %broadcast_in_dim3A_35 : memref<256x128xf32, #tpu.memory_space<vmem>>[vector<16xi32>, vector<16xi32>], vector<16xf32>,
    %get3A_652 = arith.constant 688 : index
    %get3A_653 = tpu.vector_load %arg5[%get3A_652] {strides = array<i32>} : memref<2048xi32, #tpu.memory_space<vmem>>, vector<16xi32>,
    %add3A_654 = arith.constant 48 : i32
    %add3A_655 = vector.broadcast %add3A_654 : i32 to vector<16xi32>
    %add3A_656 = arith.addi %iota3A, %add3A_655 : vector<16xi32>
    tpu.vector_store_idx %arg8[%get3A_653, %add3A_656], %broadcast_in_dim3A_35 : memref<256x128xf32, #tpu.memory_space<vmem>>[vector<16xi32>, vector<16xi32>], vector<16xf32>,
    %get3A_657 = arith.constant 704 : index
    %get3A_658 = tpu.vector_load %arg5[%get3A_657] {strides = array<i32>} : memref<2048xi32, #tpu.memory_space<vmem>>, vector<16xi32>,
    %add3A_659 = arith.constant 64 : i32
    %add3A_660 = vector.broadcast %add3A_659 : i32 to vector<16xi32>
    %add3A_661 = arith.addi %iota3A, %add3A_660 : vector<16xi32>
    tpu.vector_store_idx %arg8[%get3A_658, %add3A_661], %broadcast_in_dim3A_35 : memref<256x128xf32, #tpu.memory_space<vmem>>[vector<16xi32>, vector<16xi32>], vector<16xf32>,
    %get3A_662 = arith.constant 720 : index
    %get3A_663 = tpu.vector_load %arg5[%get3A_662] {strides = array<i32>} : memref<2048xi32, #tpu.memory_space<vmem>>, vector<16xi32>,
    %add3A_664 = arith.constant 80 : i32
    %add3A_665 = vector.broadcast %add3A_664 : i32 to vector<16xi32>
    %add3A_666 = arith.addi %iota3A, %add3A_665 : vector<16xi32>
    tpu.vector_store_idx %arg8[%get3A_663, %add3A_666], %broadcast_in_dim3A_35 : memref<256x128xf32, #tpu.memory_space<vmem>>[vector<16xi32>, vector<16xi32>], vector<16xf32>,
    %get3A_667 = arith.constant 736 : index
    %get3A_668 = tpu.vector_load %arg5[%get3A_667] {strides = array<i32>} : memref<2048xi32, #tpu.memory_space<vmem>>, vector<16xi32>,
    %add3A_669 = arith.constant 96 : i32
    %add3A_670 = vector.broadcast %add3A_669 : i32 to vector<16xi32>
    %add3A_671 = arith.addi %iota3A, %add3A_670 : vector<16xi32>
    tpu.vector_store_idx %arg8[%get3A_668, %add3A_671], %broadcast_in_dim3A_35 : memref<256x128xf32, #tpu.memory_space<vmem>>[vector<16xi32>, vector<16xi32>], vector<16xf32>,
    %get3A_672 = arith.constant 752 : index
    %get3A_673 = tpu.vector_load %arg5[%get3A_672] {strides = array<i32>} : memref<2048xi32, #tpu.memory_space<vmem>>, vector<16xi32>,
    %add3A_674 = arith.constant 112 : i32
    %add3A_675 = vector.broadcast %add3A_674 : i32 to vector<16xi32>
    %add3A_676 = arith.addi %iota3A, %add3A_675 : vector<16xi32>
    tpu.vector_store_idx %arg8[%get3A_673, %add3A_676], %broadcast_in_dim3A_35 : memref<256x128xf32, #tpu.memory_space<vmem>>[vector<16xi32>, vector<16xi32>], vector<16xf32>,
    %get3A_677 = arith.constant 1024 : index
    %get3A_678 = tpu.vector_load %arg5[%get3A_677] {strides = array<i32>} : memref<2048xi32, #tpu.memory_space<vmem>>, vector<16xi32>,
    %add3A_679 = arith.constant 0 : i32
    %add3A_680 = vector.broadcast %add3A_679 : i32 to vector<16xi32>
    %add3A_681 = arith.addi %iota3A, %add3A_680 : vector<16xi32>
    tpu.vector_store_idx %arg8[%get3A_678, %add3A_681], %broadcast_in_dim3A_33 : memref<256x128xf32, #tpu.memory_space<vmem>>[vector<16xi32>, vector<16xi32>], vector<16xf32>,
    %get3A_682 = arith.constant 1040 : index
    %get3A_683 = tpu.vector_load %arg5[%get3A_682] {strides = array<i32>} : memref<2048xi32, #tpu.memory_space<vmem>>, vector<16xi32>,
    %add3A_684 = arith.constant 16 : i32
    %add3A_685 = vector.broadcast %add3A_684 : i32 to vector<16xi32>
    %add3A_686 = arith.addi %iota3A, %add3A_685 : vector<16xi32>
    tpu.vector_store_idx %arg8[%get3A_683, %add3A_686], %broadcast_in_dim3A_33 : memref<256x128xf32, #tpu.memory_space<vmem>>[vector<16xi32>, vector<16xi32>], vector<16xf32>,
    %get3A_687 = arith.constant 1056 : index
    %get3A_688 = tpu.vector_load %arg5[%get3A_687] {strides = array<i32>} : memref<2048xi32, #tpu.memory_space<vmem>>, vector<16xi32>,
    %add3A_689 = arith.constant 32 : i32
    %add3A_690 = vector.broadcast %add3A_689 : i32 to vector<16xi32>
    %add3A_691 = arith.addi %iota3A, %add3A_690 : vector<16xi32>
    tpu.vector_store_idx %arg8[%get3A_688, %add3A_691], %broadcast_in_dim3A_33 : memref<256x128xf32, #tpu.memory_space<vmem>>[vector<16xi32>, vector<16xi32>], vector<16xf32>,
    %get3A_692 = arith.constant 1072 : index
    %get3A_693 = tpu.vector_load %arg5[%get3A_692] {strides = array<i32>} : memref<2048xi32, #tpu.memory_space<vmem>>, vector<16xi32>,
    %add3A_694 = arith.constant 48 : i32
    %add3A_695 = vector.broadcast %add3A_694 : i32 to vector<16xi32>
    %add3A_696 = arith.addi %iota3A, %add3A_695 : vector<16xi32>
    tpu.vector_store_idx %arg8[%get3A_693, %add3A_696], %broadcast_in_dim3A_33 : memref<256x128xf32, #tpu.memory_space<vmem>>[vector<16xi32>, vector<16xi32>], vector<16xf32>,
    %get3A_697 = arith.constant 1088 : index
    %get3A_698 = tpu.vector_load %arg5[%get3A_697] {strides = array<i32>} : memref<2048xi32, #tpu.memory_space<vmem>>, vector<16xi32>,
    %add3A_699 = arith.constant 64 : i32
    %add3A_700 = vector.broadcast %add3A_699 : i32 to vector<16xi32>
    %add3A_701 = arith.addi %iota3A, %add3A_700 : vector<16xi32>
    tpu.vector_store_idx %arg8[%get3A_698, %add3A_701], %broadcast_in_dim3A_33 : memref<256x128xf32, #tpu.memory_space<vmem>>[vector<16xi32>, vector<16xi32>], vector<16xf32>,
    %get3A_702 = arith.constant 1104 : index
    %get3A_703 = tpu.vector_load %arg5[%get3A_702] {strides = array<i32>} : memref<2048xi32, #tpu.memory_space<vmem>>, vector<16xi32>,
    %add3A_704 = arith.constant 80 : i32
    %add3A_705 = vector.broadcast %add3A_704 : i32 to vector<16xi32>
    %add3A_706 = arith.addi %iota3A, %add3A_705 : vector<16xi32>
    tpu.vector_store_idx %arg8[%get3A_703, %add3A_706], %broadcast_in_dim3A_33 : memref<256x128xf32, #tpu.memory_space<vmem>>[vector<16xi32>, vector<16xi32>], vector<16xf32>,
    %get3A_707 = arith.constant 1120 : index
    %get3A_708 = tpu.vector_load %arg5[%get3A_707] {strides = array<i32>} : memref<2048xi32, #tpu.memory_space<vmem>>, vector<16xi32>,
    %add3A_709 = arith.constant 96 : i32
    %add3A_710 = vector.broadcast %add3A_709 : i32 to vector<16xi32>
    %add3A_711 = arith.addi %iota3A, %add3A_710 : vector<16xi32>
    tpu.vector_store_idx %arg8[%get3A_708, %add3A_711], %broadcast_in_dim3A_33 : memref<256x128xf32, #tpu.memory_space<vmem>>[vector<16xi32>, vector<16xi32>], vector<16xf32>,
    %get3A_712 = arith.constant 1136 : index
    %get3A_713 = tpu.vector_load %arg5[%get3A_712] {strides = array<i32>} : memref<2048xi32, #tpu.memory_space<vmem>>, vector<16xi32>,
    %add3A_714 = arith.constant 112 : i32
    %add3A_715 = vector.broadcast %add3A_714 : i32 to vector<16xi32>
    %add3A_716 = arith.addi %iota3A, %add3A_715 : vector<16xi32>
    tpu.vector_store_idx %arg8[%get3A_713, %add3A_716], %broadcast_in_dim3A_33 : memref<256x128xf32, #tpu.memory_space<vmem>>[vector<16xi32>, vector<16xi32>], vector<16xf32>,
    %mul3A_717 = arith.constant 256 : i32
    %mul3A_718 = arith.muli %select_n3A, %mul3A_717 : i32
    %add3A_719 = arith.constant 1024 : i32
    %add3A_720 = arith.addi %select_n3A_32, %add3A_719 : i32
    %dma_start3A_721 = tpu.memref_slice %arg4[%mul3A_718, %add3A_720] : memref<2048x8192xf32, #tpu.memory_space<hbm>> -> memref<256x128xf32, #tpu.memory_space<hbm>>
    %dma_start3A_722 = tpu.memref_slice %arg4[%mul3A_718, %add3A_720] : memref<2048x8192xf32, #tpu.memory_space<hbm>> -> memref<256x128xf32, #tpu.memory_space<hbm>>
    tpu.enqueue_dma source(%arg8 : memref<256x128xf32, #tpu.memory_space<vmem>>) target(%dma_start3A_722 : memref<256x128xf32, #tpu.memory_space<hbm>>) target_semaphore(%arg11 : memref<!tpu.dma_semaphore, #tpu.memory_space<semaphore_mem>>)
    %mul3A_723 = arith.constant 256 : i32
    %mul3A_724 = arith.muli %select_n3A, %mul3A_723 : i32
    %add3A_725 = arith.constant 768 : i32
    %add3A_726 = arith.addi %select_n3A_32, %add3A_725 : i32
    %dma_wait3A_727 = tpu.memref_slice %arg4[%mul3A_724, %add3A_726] : memref<2048x8192xf32, #tpu.memory_space<hbm>> -> memref<256x128xf32, #tpu.memory_space<hbm>>
    %dma_wait3A_728 = tpu.memref_slice %arg4[%mul3A_724, %add3A_726] : memref<2048x8192xf32, #tpu.memory_space<hbm>> -> memref<256x128xf32, #tpu.memory_space<hbm>>
    tpu.wait_dma2 semaphore(%arg9 : memref<!tpu.dma_semaphore, #tpu.memory_space<semaphore_mem>>) src(%arg6 : memref<256x128xf32, #tpu.memory_space<vmem>>) dst(%dma_wait3A_728 : memref<256x128xf32, #tpu.memory_space<hbm>>)
    %get3A_729 = arith.constant 768 : index
    %get3A_730 = tpu.vector_load %arg5[%get3A_729] {strides = array<i32>} : memref<2048xi32, #tpu.memory_space<vmem>>, vector<16xi32>,
    %add3A_731 = arith.constant 0 : i32
    %add3A_732 = vector.broadcast %add3A_731 : i32 to vector<16xi32>
    %add3A_733 = arith.addi %iota3A, %add3A_732 : vector<16xi32>
    tpu.vector_store_idx %arg6[%get3A_730, %add3A_733], %broadcast_in_dim3A_35 : memref<256x128xf32, #tpu.memory_space<vmem>>[vector<16xi32>, vector<16xi32>], vector<16xf32>,
    %get3A_734 = arith.constant 784 : index
    %get3A_735 = tpu.vector_load %arg5[%get3A_734] {strides = array<i32>} : memref<2048xi32, #tpu.memory_space<vmem>>, vector<16xi32>,
    %add3A_736 = arith.constant 16 : i32
    %add3A_737 = vector.broadcast %add3A_736 : i32 to vector<16xi32>
    %add3A_738 = arith.addi %iota3A, %add3A_737 : vector<16xi32>
    tpu.vector_store_idx %arg6[%get3A_735, %add3A_738], %broadcast_in_dim3A_35 : memref<256x128xf32, #tpu.memory_space<vmem>>[vector<16xi32>, vector<16xi32>], vector<16xf32>,
    %get3A_739 = arith.constant 800 : index
    %get3A_740 = tpu.vector_load %arg5[%get3A_739] {strides = array<i32>} : memref<2048xi32, #tpu.memory_space<vmem>>, vector<16xi32>,
    %add3A_741 = arith.constant 32 : i32
    %add3A_742 = vector.broadcast %add3A_741 : i32 to vector<16xi32>
    %add3A_743 = arith.addi %iota3A, %add3A_742 : vector<16xi32>
    tpu.vector_store_idx %arg6[%get3A_740, %add3A_743], %broadcast_in_dim3A_35 : memref<256x128xf32, #tpu.memory_space<vmem>>[vector<16xi32>, vector<16xi32>], vector<16xf32>,
    %get3A_744 = arith.constant 816 : index
    %get3A_745 = tpu.vector_load %arg5[%get3A_744] {strides = array<i32>} : memref<2048xi32, #tpu.memory_space<vmem>>, vector<16xi32>,
    %add3A_746 = arith.constant 48 : i32
    %add3A_747 = vector.broadcast %add3A_746 : i32 to vector<16xi32>
    %add3A_748 = arith.addi %iota3A, %add3A_747 : vector<16xi32>
    tpu.vector_store_idx %arg6[%get3A_745, %add3A_748], %broadcast_in_dim3A_35 : memref<256x128xf32, #tpu.memory_space<vmem>>[vector<16xi32>, vector<16xi32>], vector<16xf32>,
    %get3A_749 = arith.constant 832 : index
    %get3A_750 = tpu.vector_load %arg5[%get3A_749] {strides = array<i32>} : memref<2048xi32, #tpu.memory_space<vmem>>, vector<16xi32>,
    %add3A_751 = arith.constant 64 : i32
    %add3A_752 = vector.broadcast %add3A_751 : i32 to vector<16xi32>
    %add3A_753 = arith.addi %iota3A, %add3A_752 : vector<16xi32>
    tpu.vector_store_idx %arg6[%get3A_750, %add3A_753], %broadcast_in_dim3A_35 : memref<256x128xf32, #tpu.memory_space<vmem>>[vector<16xi32>, vector<16xi32>], vector<16xf32>,
    %get3A_754 = arith.constant 848 : index
    %get3A_755 = tpu.vector_load %arg5[%get3A_754] {strides = array<i32>} : memref<2048xi32, #tpu.memory_space<vmem>>, vector<16xi32>,
    %add3A_756 = arith.constant 80 : i32
    %add3A_757 = vector.broadcast %add3A_756 : i32 to vector<16xi32>
    %add3A_758 = arith.addi %iota3A, %add3A_757 : vector<16xi32>
    tpu.vector_store_idx %arg6[%get3A_755, %add3A_758], %broadcast_in_dim3A_35 : memref<256x128xf32, #tpu.memory_space<vmem>>[vector<16xi32>, vector<16xi32>], vector<16xf32>,
    %get3A_759 = arith.constant 864 : index
    %get3A_760 = tpu.vector_load %arg5[%get3A_759] {strides = array<i32>} : memref<2048xi32, #tpu.memory_space<vmem>>, vector<16xi32>,
    %add3A_761 = arith.constant 96 : i32
    %add3A_762 = vector.broadcast %add3A_761 : i32 to vector<16xi32>
    %add3A_763 = arith.addi %iota3A, %add3A_762 : vector<16xi32>
    tpu.vector_store_idx %arg6[%get3A_760, %add3A_763], %broadcast_in_dim3A_35 : memref<256x128xf32, #tpu.memory_space<vmem>>[vector<16xi32>, vector<16xi32>], vector<16xf32>,
    %get3A_764 = arith.constant 880 : index
    %get3A_765 = tpu.vector_load %arg5[%get3A_764] {strides = array<i32>} : memref<2048xi32, #tpu.memory_space<vmem>>, vector<16xi32>,
    %add3A_766 = arith.constant 112 : i32
    %add3A_767 = vector.broadcast %add3A_766 : i32 to vector<16xi32>
    %add3A_768 = arith.addi %iota3A, %add3A_767 : vector<16xi32>
    tpu.vector_store_idx %arg6[%get3A_765, %add3A_768], %broadcast_in_dim3A_35 : memref<256x128xf32, #tpu.memory_space<vmem>>[vector<16xi32>, vector<16xi32>], vector<16xf32>,
    %get3A_769 = arith.constant 1152 : index
    %get3A_770 = tpu.vector_load %arg5[%get3A_769] {strides = array<i32>} : memref<2048xi32, #tpu.memory_space<vmem>>, vector<16xi32>,
    %add3A_771 = arith.constant 0 : i32
    %add3A_772 = vector.broadcast %add3A_771 : i32 to vector<16xi32>
    %add3A_773 = arith.addi %iota3A, %add3A_772 : vector<16xi32>
    tpu.vector_store_idx %arg6[%get3A_770, %add3A_773], %broadcast_in_dim3A_33 : memref<256x128xf32, #tpu.memory_space<vmem>>[vector<16xi32>, vector<16xi32>], vector<16xf32>,
    %get3A_774 = arith.constant 1168 : index
    %get3A_775 = tpu.vector_load %arg5[%get3A_774] {strides = array<i32>} : memref<2048xi32, #tpu.memory_space<vmem>>, vector<16xi32>,
    %add3A_776 = arith.constant 16 : i32
    %add3A_777 = vector.broadcast %add3A_776 : i32 to vector<16xi32>
    %add3A_778 = arith.addi %iota3A, %add3A_777 : vector<16xi32>
    tpu.vector_store_idx %arg6[%get3A_775, %add3A_778], %broadcast_in_dim3A_33 : memref<256x128xf32, #tpu.memory_space<vmem>>[vector<16xi32>, vector<16xi32>], vector<16xf32>,
    %get3A_779 = arith.constant 1184 : index
    %get3A_780 = tpu.vector_load %arg5[%get3A_779] {strides = array<i32>} : memref<2048xi32, #tpu.memory_space<vmem>>, vector<16xi32>,
    %add3A_781 = arith.constant 32 : i32
    %add3A_782 = vector.broadcast %add3A_781 : i32 to vector<16xi32>
    %add3A_783 = arith.addi %iota3A, %add3A_782 : vector<16xi32>
    tpu.vector_store_idx %arg6[%get3A_780, %add3A_783], %broadcast_in_dim3A_33 : memref<256x128xf32, #tpu.memory_space<vmem>>[vector<16xi32>, vector<16xi32>], vector<16xf32>,
    %get3A_784 = arith.constant 1200 : index
    %get3A_785 = tpu.vector_load %arg5[%get3A_784] {strides = array<i32>} : memref<2048xi32, #tpu.memory_space<vmem>>, vector<16xi32>,
    %add3A_786 = arith.constant 48 : i32
    %add3A_787 = vector.broadcast %add3A_786 : i32 to vector<16xi32>
    %add3A_788 = arith.addi %iota3A, %add3A_787 : vector<16xi32>
    tpu.vector_store_idx %arg6[%get3A_785, %add3A_788], %broadcast_in_dim3A_33 : memref<256x128xf32, #tpu.memory_space<vmem>>[vector<16xi32>, vector<16xi32>], vector<16xf32>,
    %get3A_789 = arith.constant 1216 : index
    %get3A_790 = tpu.vector_load %arg5[%get3A_789] {strides = array<i32>} : memref<2048xi32, #tpu.memory_space<vmem>>, vector<16xi32>,
    %add3A_791 = arith.constant 64 : i32
    %add3A_792 = vector.broadcast %add3A_791 : i32 to vector<16xi32>
    %add3A_793 = arith.addi %iota3A, %add3A_792 : vector<16xi32>
    tpu.vector_store_idx %arg6[%get3A_790, %add3A_793], %broadcast_in_dim3A_33 : memref<256x128xf32, #tpu.memory_space<vmem>>[vector<16xi32>, vector<16xi32>], vector<16xf32>,
    %get3A_794 = arith.constant 1232 : index
    %get3A_795 = tpu.vector_load %arg5[%get3A_794] {strides = array<i32>} : memref<2048xi32, #tpu.memory_space<vmem>>, vector<16xi32>,
    %add3A_796 = arith.constant 80 : i32
    %add3A_797 = vector.broadcast %add3A_796 : i32 to vector<16xi32>
    %add3A_798 = arith.addi %iota3A, %add3A_797 : vector<16xi32>
    tpu.vector_store_idx %arg6[%get3A_795, %add3A_798], %broadcast_in_dim3A_33 : memref<256x128xf32, #tpu.memory_space<vmem>>[vector<16xi32>, vector<16xi32>], vector<16xf32>,
    %get3A_799 = arith.constant 1248 : index
    %get3A_800 = tpu.vector_load %arg5[%get3A_799] {strides = array<i32>} : memref<2048xi32, #tpu.memory_space<vmem>>, vector<16xi32>,
    %add3A_801 = arith.constant 96 : i32
    %add3A_802 = vector.broadcast %add3A_801 : i32 to vector<16xi32>
    %add3A_803 = arith.addi %iota3A, %add3A_802 : vector<16xi32>
    tpu.vector_store_idx %arg6[%get3A_800, %add3A_803], %broadcast_in_dim3A_33 : memref<256x128xf32, #tpu.memory_space<vmem>>[vector<16xi32>, vector<16xi32>], vector<16xf32>,
    %get3A_804 = arith.constant 1264 : index
    %get3A_805 = tpu.vector_load %arg5[%get3A_804] {strides = array<i32>} : memref<2048xi32, #tpu.memory_space<vmem>>, vector<16xi32>,
    %add3A_806 = arith.constant 112 : i32
    %add3A_807 = vector.broadcast %add3A_806 : i32 to vector<16xi32>
    %add3A_808 = arith.addi %iota3A, %add3A_807 : vector<16xi32>
    tpu.vector_store_idx %arg6[%get3A_805, %add3A_808], %broadcast_in_dim3A_33 : memref<256x128xf32, #tpu.memory_space<vmem>>[vector<16xi32>, vector<16xi32>], vector<16xf32>,
    %mul3A_809 = arith.constant 256 : i32
    %mul3A_810 = arith.muli %select_n3A, %mul3A_809 : i32
    %add3A_811 = arith.constant 1152 : i32
    %add3A_812 = arith.addi %select_n3A_32, %add3A_811 : i32
    %dma_start3A_813 = tpu.memref_slice %arg4[%mul3A_810, %add3A_812] : memref<2048x8192xf32, #tpu.memory_space<hbm>> -> memref<256x128xf32, #tpu.memory_space<hbm>>
    %dma_start3A_814 = tpu.memref_slice %arg4[%mul3A_810, %add3A_812] : memref<2048x8192xf32, #tpu.memory_space<hbm>> -> memref<256x128xf32, #tpu.memory_space<hbm>>
    tpu.enqueue_dma source(%arg6 : memref<256x128xf32, #tpu.memory_space<vmem>>) target(%dma_start3A_814 : memref<256x128xf32, #tpu.memory_space<hbm>>) target_semaphore(%arg9 : memref<!tpu.dma_semaphore, #tpu.memory_space<semaphore_mem>>)
    %mul3A_815 = arith.constant 256 : i32
    %mul3A_816 = arith.muli %select_n3A, %mul3A_815 : i32
    %add3A_817 = arith.constant 896 : i32
    %add3A_818 = arith.addi %select_n3A_32, %add3A_817 : i32
    %dma_wait3A_819 = tpu.memref_slice %arg4[%mul3A_816, %add3A_818] : memref<2048x8192xf32, #tpu.memory_space<hbm>> -> memref<256x128xf32, #tpu.memory_space<hbm>>
    %dma_wait3A_820 = tpu.memref_slice %arg4[%mul3A_816, %add3A_818] : memref<2048x8192xf32, #tpu.memory_space<hbm>> -> memref<256x128xf32, #tpu.memory_space<hbm>>
    tpu.wait_dma2 semaphore(%arg10 : memref<!tpu.dma_semaphore, #tpu.memory_space<semaphore_mem>>) src(%arg7 : memref<256x128xf32, #tpu.memory_space<vmem>>) dst(%dma_wait3A_820 : memref<256x128xf32, #tpu.memory_space<hbm>>)
    %get3A_821 = arith.constant 896 : index
    %get3A_822 = tpu.vector_load %arg5[%get3A_821] {strides = array<i32>} : memref<2048xi32, #tpu.memory_space<vmem>>, vector<16xi32>,
    %add3A_823 = arith.constant 0 : i32
    %add3A_824 = vector.broadcast %add3A_823 : i32 to vector<16xi32>
    %add3A_825 = arith.addi %iota3A, %add3A_824 : vector<16xi32>
    tpu.vector_store_idx %arg7[%get3A_822, %add3A_825], %broadcast_in_dim3A_35 : memref<256x128xf32, #tpu.memory_space<vmem>>[vector<16xi32>, vector<16xi32>], vector<16xf32>,
    %get3A_826 = arith.constant 912 : index
    %get3A_827 = tpu.vector_load %arg5[%get3A_826] {strides = array<i32>} : memref<2048xi32, #tpu.memory_space<vmem>>, vector<16xi32>,
    %add3A_828 = arith.constant 16 : i32
    %add3A_829 = vector.broadcast %add3A_828 : i32 to vector<16xi32>
    %add3A_830 = arith.addi %iota3A, %add3A_829 : vector<16xi32>
    tpu.vector_store_idx %arg7[%get3A_827, %add3A_830], %broadcast_in_dim3A_35 : memref<256x128xf32, #tpu.memory_space<vmem>>[vector<16xi32>, vector<16xi32>], vector<16xf32>,
    %get3A_831 = arith.constant 928 : index
    %get3A_832 = tpu.vector_load %arg5[%get3A_831] {strides = array<i32>} : memref<2048xi32, #tpu.memory_space<vmem>>, vector<16xi32>,
    %add3A_833 = arith.constant 32 : i32
    %add3A_834 = vector.broadcast %add3A_833 : i32 to vector<16xi32>
    %add3A_835 = arith.addi %iota3A, %add3A_834 : vector<16xi32>
    tpu.vector_store_idx %arg7[%get3A_832, %add3A_835], %broadcast_in_dim3A_35 : memref<256x128xf32, #tpu.memory_space<vmem>>[vector<16xi32>, vector<16xi32>], vector<16xf32>,
    %get3A_836 = arith.constant 944 : index
    %get3A_837 = tpu.vector_load %arg5[%get3A_836] {strides = array<i32>} : memref<2048xi32, #tpu.memory_space<vmem>>, vector<16xi32>,
    %add3A_838 = arith.constant 48 : i32
    %add3A_839 = vector.broadcast %add3A_838 : i32 to vector<16xi32>
    %add3A_840 = arith.addi %iota3A, %add3A_839 : vector<16xi32>
    tpu.vector_store_idx %arg7[%get3A_837, %add3A_840], %broadcast_in_dim3A_35 : memref<256x128xf32, #tpu.memory_space<vmem>>[vector<16xi32>, vector<16xi32>], vector<16xf32>,
    %get3A_841 = arith.constant 960 : index
    %get3A_842 = tpu.vector_load %arg5[%get3A_841] {strides = array<i32>} : memref<2048xi32, #tpu.memory_space<vmem>>, vector<16xi32>,
    %add3A_843 = arith.constant 64 : i32
    %add3A_844 = vector.broadcast %add3A_843 : i32 to vector<16xi32>
    %add3A_845 = arith.addi %iota3A, %add3A_844 : vector<16xi32>
    tpu.vector_store_idx %arg7[%get3A_842, %add3A_845], %broadcast_in_dim3A_35 : memref<256x128xf32, #tpu.memory_space<vmem>>[vector<16xi32>, vector<16xi32>], vector<16xf32>,
    %get3A_846 = arith.constant 976 : index
    %get3A_847 = tpu.vector_load %arg5[%get3A_846] {strides = array<i32>} : memref<2048xi32, #tpu.memory_space<vmem>>, vector<16xi32>,
    %add3A_848 = arith.constant 80 : i32
    %add3A_849 = vector.broadcast %add3A_848 : i32 to vector<16xi32>
    %add3A_850 = arith.addi %iota3A, %add3A_849 : vector<16xi32>
    tpu.vector_store_idx %arg7[%get3A_847, %add3A_850], %broadcast_in_dim3A_35 : memref<256x128xf32, #tpu.memory_space<vmem>>[vector<16xi32>, vector<16xi32>], vector<16xf32>,
    %get3A_851 = arith.constant 992 : index
    %get3A_852 = tpu.vector_load %arg5[%get3A_851] {strides = array<i32>} : memref<2048xi32, #tpu.memory_space<vmem>>, vector<16xi32>,
    %add3A_853 = arith.constant 96 : i32
    %add3A_854 = vector.broadcast %add3A_853 : i32 to vector<16xi32>
    %add3A_855 = arith.addi %iota3A, %add3A_854 : vector<16xi32>
    tpu.vector_store_idx %arg7[%get3A_852, %add3A_855], %broadcast_in_dim3A_35 : memref<256x128xf32, #tpu.memory_space<vmem>>[vector<16xi32>, vector<16xi32>], vector<16xf32>,
    %get3A_856 = arith.constant 1008 : index
    %get3A_857 = tpu.vector_load %arg5[%get3A_856] {strides = array<i32>} : memref<2048xi32, #tpu.memory_space<vmem>>, vector<16xi32>,
    %add3A_858 = arith.constant 112 : i32
    %add3A_859 = vector.broadcast %add3A_858 : i32 to vector<16xi32>
    %add3A_860 = arith.addi %iota3A, %add3A_859 : vector<16xi32>
    tpu.vector_store_idx %arg7[%get3A_857, %add3A_860], %broadcast_in_dim3A_35 : memref<256x128xf32, #tpu.memory_space<vmem>>[vector<16xi32>, vector<16xi32>], vector<16xf32>,
    %get3A_861 = arith.constant 1280 : index
    %get3A_862 = tpu.vector_load %arg5[%get3A_861] {strides = array<i32>} : memref<2048xi32, #tpu.memory_space<vmem>>, vector<16xi32>,
    %add3A_863 = arith.constant 0 : i32
    %add3A_864 = vector.broadcast %add3A_863 : i32 to vector<16xi32>
    %add3A_865 = arith.addi %iota3A, %add3A_864 : vector<16xi32>
    tpu.vector_store_idx %arg7[%get3A_862, %add3A_865], %broadcast_in_dim3A_33 : memref<256x128xf32, #tpu.memory_space<vmem>>[vector<16xi32>, vector<16xi32>], vector<16xf32>,
    %get3A_866 = arith.constant 1296 : index
    %get3A_867 = tpu.vector_load %arg5[%get3A_866] {strides = array<i32>} : memref<2048xi32, #tpu.memory_space<vmem>>, vector<16xi32>,
    %add3A_868 = arith.constant 16 : i32
    %add3A_869 = vector.broadcast %add3A_868 : i32 to vector<16xi32>
    %add3A_870 = arith.addi %iota3A, %add3A_869 : vector<16xi32>
    tpu.vector_store_idx %arg7[%get3A_867, %add3A_870], %broadcast_in_dim3A_33 : memref<256x128xf32, #tpu.memory_space<vmem>>[vector<16xi32>, vector<16xi32>], vector<16xf32>,
    %get3A_871 = arith.constant 1312 : index
    %get3A_872 = tpu.vector_load %arg5[%get3A_871] {strides = array<i32>} : memref<2048xi32, #tpu.memory_space<vmem>>, vector<16xi32>,
    %add3A_873 = arith.constant 32 : i32
    %add3A_874 = vector.broadcast %add3A_873 : i32 to vector<16xi32>
    %add3A_875 = arith.addi %iota3A, %add3A_874 : vector<16xi32>
    tpu.vector_store_idx %arg7[%get3A_872, %add3A_875], %broadcast_in_dim3A_33 : memref<256x128xf32, #tpu.memory_space<vmem>>[vector<16xi32>, vector<16xi32>], vector<16xf32>,
    %get3A_876 = arith.constant 1328 : index
    %get3A_877 = tpu.vector_load %arg5[%get3A_876] {strides = array<i32>} : memref<2048xi32, #tpu.memory_space<vmem>>, vector<16xi32>,
    %add3A_878 = arith.constant 48 : i32
    %add3A_879 = vector.broadcast %add3A_878 : i32 to vector<16xi32>
    %add3A_880 = arith.addi %iota3A, %add3A_879 : vector<16xi32>
    tpu.vector_store_idx %arg7[%get3A_877, %add3A_880], %broadcast_in_dim3A_33 : memref<256x128xf32, #tpu.memory_space<vmem>>[vector<16xi32>, vector<16xi32>], vector<16xf32>,
    %get3A_881 = arith.constant 1344 : index
    %get3A_882 = tpu.vector_load %arg5[%get3A_881] {strides = array<i32>} : memref<2048xi32, #tpu.memory_space<vmem>>, vector<16xi32>,
    %add3A_883 = arith.constant 64 : i32
    %add3A_884 = vector.broadcast %add3A_883 : i32 to vector<16xi32>
    %add3A_885 = arith.addi %iota3A, %add3A_884 : vector<16xi32>
    tpu.vector_store_idx %arg7[%get3A_882, %add3A_885], %broadcast_in_dim3A_33 : memref<256x128xf32, #tpu.memory_space<vmem>>[vector<16xi32>, vector<16xi32>], vector<16xf32>,
    %get3A_886 = arith.constant 1360 : index
    %get3A_887 = tpu.vector_load %arg5[%get3A_886] {strides = array<i32>} : memref<2048xi32, #tpu.memory_space<vmem>>, vector<16xi32>,
    %add3A_888 = arith.constant 80 : i32
    %add3A_889 = vector.broadcast %add3A_888 : i32 to vector<16xi32>
    %add3A_890 = arith.addi %iota3A, %add3A_889 : vector<16xi32>
    tpu.vector_store_idx %arg7[%get3A_887, %add3A_890], %broadcast_in_dim3A_33 : memref<256x128xf32, #tpu.memory_space<vmem>>[vector<16xi32>, vector<16xi32>], vector<16xf32>,
    %get3A_891 = arith.constant 1376 : index
    %get3A_892 = tpu.vector_load %arg5[%get3A_891] {strides = array<i32>} : memref<2048xi32, #tpu.memory_space<vmem>>, vector<16xi32>,
    %add3A_893 = arith.constant 96 : i32
    %add3A_894 = vector.broadcast %add3A_893 : i32 to vector<16xi32>
    %add3A_895 = arith.addi %iota3A, %add3A_894 : vector<16xi32>
    tpu.vector_store_idx %arg7[%get3A_892, %add3A_895], %broadcast_in_dim3A_33 : memref<256x128xf32, #tpu.memory_space<vmem>>[vector<16xi32>, vector<16xi32>], vector<16xf32>,
    %get3A_896 = arith.constant 1392 : index
    %get3A_897 = tpu.vector_load %arg5[%get3A_896] {strides = array<i32>} : memref<2048xi32, #tpu.memory_space<vmem>>, vector<16xi32>,
    %add3A_898 = arith.constant 112 : i32
    %add3A_899 = vector.broadcast %add3A_898 : i32 to vector<16xi32>
    %add3A_900 = arith.addi %iota3A, %add3A_899 : vector<16xi32>
    tpu.vector_store_idx %arg7[%get3A_897, %add3A_900], %broadcast_in_dim3A_33 : memref<256x128xf32, #tpu.memory_space<vmem>>[vector<16xi32>, vector<16xi32>], vector<16xf32>,
    %mul3A_901 = arith.constant 256 : i32
    %mul3A_902 = arith.muli %select_n3A, %mul3A_901 : i32
    %add3A_903 = arith.constant 1280 : i32
    %add3A_904 = arith.addi %select_n3A_32, %add3A_903 : i32
    %dma_start3A_905 = tpu.memref_slice %arg4[%mul3A_902, %add3A_904] : memref<2048x8192xf32, #tpu.memory_space<hbm>> -> memref<256x128xf32, #tpu.memory_space<hbm>>
    %dma_start3A_906 = tpu.memref_slice %arg4[%mul3A_902, %add3A_904] : memref<2048x8192xf32, #tpu.memory_space<hbm>> -> memref<256x128xf32, #tpu.memory_space<hbm>>
    tpu.enqueue_dma source(%arg7 : memref<256x128xf32, #tpu.memory_space<vmem>>) target(%dma_start3A_906 : memref<256x128xf32, #tpu.memory_space<hbm>>) target_semaphore(%arg10 : memref<!tpu.dma_semaphore, #tpu.memory_space<semaphore_mem>>)
    %mul3A_907 = arith.constant 256 : i32
    %mul3A_908 = arith.muli %select_n3A, %mul3A_907 : i32
    %add3A_909 = arith.constant 1024 : i32
    %add3A_910 = arith.addi %select_n3A_32, %add3A_909 : i32
    %dma_wait3A_911 = tpu.memref_slice %arg4[%mul3A_908, %add3A_910] : memref<2048x8192xf32, #tpu.memory_space<hbm>> -> memref<256x128xf32, #tpu.memory_space<hbm>>
    %dma_wait3A_912 = tpu.memref_slice %arg4[%mul3A_908, %add3A_910] : memref<2048x8192xf32, #tpu.memory_space<hbm>> -> memref<256x128xf32, #tpu.memory_space<hbm>>
    tpu.wait_dma2 semaphore(%arg11 : memref<!tpu.dma_semaphore, #tpu.memory_space<semaphore_mem>>) src(%arg8 : memref<256x128xf32, #tpu.memory_space<vmem>>) dst(%dma_wait3A_912 : memref<256x128xf32, #tpu.memory_space<hbm>>)
    %get3A_913 = arith.constant 1024 : index
    %get3A_914 = tpu.vector_load %arg5[%get3A_913] {strides = array<i32>} : memref<2048xi32, #tpu.memory_space<vmem>>, vector<16xi32>,
    %add3A_915 = arith.constant 0 : i32
    %add3A_916 = vector.broadcast %add3A_915 : i32 to vector<16xi32>
    %add3A_917 = arith.addi %iota3A, %add3A_916 : vector<16xi32>
    tpu.vector_store_idx %arg8[%get3A_914, %add3A_917], %broadcast_in_dim3A_35 : memref<256x128xf32, #tpu.memory_space<vmem>>[vector<16xi32>, vector<16xi32>], vector<16xf32>,
    %get3A_918 = arith.constant 1040 : index
    %get3A_919 = tpu.vector_load %arg5[%get3A_918] {strides = array<i32>} : memref<2048xi32, #tpu.memory_space<vmem>>, vector<16xi32>,
    %add3A_920 = arith.constant 16 : i32
    %add3A_921 = vector.broadcast %add3A_920 : i32 to vector<16xi32>
    %add3A_922 = arith.addi %iota3A, %add3A_921 : vector<16xi32>
    tpu.vector_store_idx %arg8[%get3A_919, %add3A_922], %broadcast_in_dim3A_35 : memref<256x128xf32, #tpu.memory_space<vmem>>[vector<16xi32>, vector<16xi32>], vector<16xf32>,
    %get3A_923 = arith.constant 1056 : index
    %get3A_924 = tpu.vector_load %arg5[%get3A_923] {strides = array<i32>} : memref<2048xi32, #tpu.memory_space<vmem>>, vector<16xi32>,
    %add3A_925 = arith.constant 32 : i32
    %add3A_926 = vector.broadcast %add3A_925 : i32 to vector<16xi32>
    %add3A_927 = arith.addi %iota3A, %add3A_926 : vector<16xi32>
    tpu.vector_store_idx %arg8[%get3A_924, %add3A_927], %broadcast_in_dim3A_35 : memref<256x128xf32, #tpu.memory_space<vmem>>[vector<16xi32>, vector<16xi32>], vector<16xf32>,
    %get3A_928 = arith.constant 1072 : index
    %get3A_929 = tpu.vector_load %arg5[%get3A_928] {strides = array<i32>} : memref<2048xi32, #tpu.memory_space<vmem>>, vector<16xi32>,
    %add3A_930 = arith.constant 48 : i32
    %add3A_931 = vector.broadcast %add3A_930 : i32 to vector<16xi32>
    %add3A_932 = arith.addi %iota3A, %add3A_931 : vector<16xi32>
    tpu.vector_store_idx %arg8[%get3A_929, %add3A_932], %broadcast_in_dim3A_35 : memref<256x128xf32, #tpu.memory_space<vmem>>[vector<16xi32>, vector<16xi32>], vector<16xf32>,
    %get3A_933 = arith.constant 1088 : index
    %get3A_934 = tpu.vector_load %arg5[%get3A_933] {strides = array<i32>} : memref<2048xi32, #tpu.memory_space<vmem>>, vector<16xi32>,
    %add3A_935 = arith.constant 64 : i32
    %add3A_936 = vector.broadcast %add3A_935 : i32 to vector<16xi32>
    %add3A_937 = arith.addi %iota3A, %add3A_936 : vector<16xi32>
    tpu.vector_store_idx %arg8[%get3A_934, %add3A_937], %broadcast_in_dim3A_35 : memref<256x128xf32, #tpu.memory_space<vmem>>[vector<16xi32>, vector<16xi32>], vector<16xf32>,
    %get3A_938 = arith.constant 1104 : index
    %get3A_939 = tpu.vector_load %arg5[%get3A_938] {strides = array<i32>} : memref<2048xi32, #tpu.memory_space<vmem>>, vector<16xi32>,
    %add3A_940 = arith.constant 80 : i32
    %add3A_941 = vector.broadcast %add3A_940 : i32 to vector<16xi32>
    %add3A_942 = arith.addi %iota3A, %add3A_941 : vector<16xi32>
    tpu.vector_store_idx %arg8[%get3A_939, %add3A_942], %broadcast_in_dim3A_35 : memref<256x128xf32, #tpu.memory_space<vmem>>[vector<16xi32>, vector<16xi32>], vector<16xf32>,
    %get3A_943 = arith.constant 1120 : index
    %get3A_944 = tpu.vector_load %arg5[%get3A_943] {strides = array<i32>} : memref<2048xi32, #tpu.memory_space<vmem>>, vector<16xi32>,
    %add3A_945 = arith.constant 96 : i32
    %add3A_946 = vector.broadcast %add3A_945 : i32 to vector<16xi32>
    %add3A_947 = arith.addi %iota3A, %add3A_946 : vector<16xi32>
    tpu.vector_store_idx %arg8[%get3A_944, %add3A_947], %broadcast_in_dim3A_35 : memref<256x128xf32, #tpu.memory_space<vmem>>[vector<16xi32>, vector<16xi32>], vector<16xf32>,
    %get3A_948 = arith.constant 1136 : index
    %get3A_949 = tpu.vector_load %arg5[%get3A_948] {strides = array<i32>} : memref<2048xi32, #tpu.memory_space<vmem>>, vector<16xi32>,
    %add3A_950 = arith.constant 112 : i32
    %add3A_951 = vector.broadcast %add3A_950 : i32 to vector<16xi32>
    %add3A_952 = arith.addi %iota3A, %add3A_951 : vector<16xi32>
    tpu.vector_store_idx %arg8[%get3A_949, %add3A_952], %broadcast_in_dim3A_35 : memref<256x128xf32, #tpu.memory_space<vmem>>[vector<16xi32>, vector<16xi32>], vector<16xf32>,
    %get3A_953 = arith.constant 1408 : index
    %get3A_954 = tpu.vector_load %arg5[%get3A_953] {strides = array<i32>} : memref<2048xi32, #tpu.memory_space<vmem>>, vector<16xi32>,
    %add3A_955 = arith.constant 0 : i32
    %add3A_956 = vector.broadcast %add3A_955 : i32 to vector<16xi32>
    %add3A_957 = arith.addi %iota3A, %add3A_956 : vector<16xi32>
    tpu.vector_store_idx %arg8[%get3A_954, %add3A_957], %broadcast_in_dim3A_33 : memref<256x128xf32, #tpu.memory_space<vmem>>[vector<16xi32>, vector<16xi32>], vector<16xf32>,
    %get3A_958 = arith.constant 1424 : index
    %get3A_959 = tpu.vector_load %arg5[%get3A_958] {strides = array<i32>} : memref<2048xi32, #tpu.memory_space<vmem>>, vector<16xi32>,
    %add3A_960 = arith.constant 16 : i32
    %add3A_961 = vector.broadcast %add3A_960 : i32 to vector<16xi32>
    %add3A_962 = arith.addi %iota3A, %add3A_961 : vector<16xi32>
    tpu.vector_store_idx %arg8[%get3A_959, %add3A_962], %broadcast_in_dim3A_33 : memref<256x128xf32, #tpu.memory_space<vmem>>[vector<16xi32>, vector<16xi32>], vector<16xf32>,
    %get3A_963 = arith.constant 1440 : index
    %get3A_964 = tpu.vector_load %arg5[%get3A_963] {strides = array<i32>} : memref<2048xi32, #tpu.memory_space<vmem>>, vector<16xi32>,
    %add3A_965 = arith.constant 32 : i32
    %add3A_966 = vector.broadcast %add3A_965 : i32 to vector<16xi32>
    %add3A_967 = arith.addi %iota3A, %add3A_966 : vector<16xi32>
    tpu.vector_store_idx %arg8[%get3A_964, %add3A_967], %broadcast_in_dim3A_33 : memref<256x128xf32, #tpu.memory_space<vmem>>[vector<16xi32>, vector<16xi32>], vector<16xf32>,
    %get3A_968 = arith.constant 1456 : index
    %get3A_969 = tpu.vector_load %arg5[%get3A_968] {strides = array<i32>} : memref<2048xi32, #tpu.memory_space<vmem>>, vector<16xi32>,
    %add3A_970 = arith.constant 48 : i32
    %add3A_971 = vector.broadcast %add3A_970 : i32 to vector<16xi32>
    %add3A_972 = arith.addi %iota3A, %add3A_971 : vector<16xi32>
    tpu.vector_store_idx %arg8[%get3A_969, %add3A_972], %broadcast_in_dim3A_33 : memref<256x128xf32, #tpu.memory_space<vmem>>[vector<16xi32>, vector<16xi32>], vector<16xf32>,
    %get3A_973 = arith.constant 1472 : index
    %get3A_974 = tpu.vector_load %arg5[%get3A_973] {strides = array<i32>} : memref<2048xi32, #tpu.memory_space<vmem>>, vector<16xi32>,
    %add3A_975 = arith.constant 64 : i32
    %add3A_976 = vector.broadcast %add3A_975 : i32 to vector<16xi32>
    %add3A_977 = arith.addi %iota3A, %add3A_976 : vector<16xi32>
    tpu.vector_store_idx %arg8[%get3A_974, %add3A_977], %broadcast_in_dim3A_33 : memref<256x128xf32, #tpu.memory_space<vmem>>[vector<16xi32>, vector<16xi32>], vector<16xf32>,
    %get3A_978 = arith.constant 1488 : index
    %get3A_979 = tpu.vector_load %arg5[%get3A_978] {strides = array<i32>} : memref<2048xi32, #tpu.memory_space<vmem>>, vector<16xi32>,
    %add3A_980 = arith.constant 80 : i32
    %add3A_981 = vector.broadcast %add3A_980 : i32 to vector<16xi32>
    %add3A_982 = arith.addi %iota3A, %add3A_981 : vector<16xi32>
    tpu.vector_store_idx %arg8[%get3A_979, %add3A_982], %broadcast_in_dim3A_33 : memref<256x128xf32, #tpu.memory_space<vmem>>[vector<16xi32>, vector<16xi32>], vector<16xf32>,
    %get3A_983 = arith.constant 1504 : index
    %get3A_984 = tpu.vector_load %arg5[%get3A_983] {strides = array<i32>} : memref<2048xi32, #tpu.memory_space<vmem>>, vector<16xi32>,
    %add3A_985 = arith.constant 96 : i32
    %add3A_986 = vector.broadcast %add3A_985 : i32 to vector<16xi32>
    %add3A_987 = arith.addi %iota3A, %add3A_986 : vector<16xi32>
    tpu.vector_store_idx %arg8[%get3A_984, %add3A_987], %broadcast_in_dim3A_33 : memref<256x128xf32, #tpu.memory_space<vmem>>[vector<16xi32>, vector<16xi32>], vector<16xf32>,
    %get3A_988 = arith.constant 1520 : index
    %get3A_989 = tpu.vector_load %arg5[%get3A_988] {strides = array<i32>} : memref<2048xi32, #tpu.memory_space<vmem>>, vector<16xi32>,
    %add3A_990 = arith.constant 112 : i32
    %add3A_991 = vector.broadcast %add3A_990 : i32 to vector<16xi32>
    %add3A_992 = arith.addi %iota3A, %add3A_991 : vector<16xi32>
    tpu.vector_store_idx %arg8[%get3A_989, %add3A_992], %broadcast_in_dim3A_33 : memref<256x128xf32, #tpu.memory_space<vmem>>[vector<16xi32>, vector<16xi32>], vector<16xf32>,
    %mul3A_993 = arith.constant 256 : i32
    %mul3A_994 = arith.muli %select_n3A, %mul3A_993 : i32
    %add3A_995 = arith.constant 1408 : i32
    %add3A_996 = arith.addi %select_n3A_32, %add3A_995 : i32
    %dma_start3A_997 = tpu.memref_slice %arg4[%mul3A_994, %add3A_996] : memref<2048x8192xf32, #tpu.memory_space<hbm>> -> memref<256x128xf32, #tpu.memory_space<hbm>>
    %dma_start3A_998 = tpu.memref_slice %arg4[%mul3A_994, %add3A_996] : memref<2048x8192xf32, #tpu.memory_space<hbm>> -> memref<256x128xf32, #tpu.memory_space<hbm>>
    tpu.enqueue_dma source(%arg8 : memref<256x128xf32, #tpu.memory_space<vmem>>) target(%dma_start3A_998 : memref<256x128xf32, #tpu.memory_space<hbm>>) target_semaphore(%arg11 : memref<!tpu.dma_semaphore, #tpu.memory_space<semaphore_mem>>)
    %mul3A_999 = arith.constant 256 : i32
    %mul3A_1000 = arith.muli %select_n3A, %mul3A_999 : i32
    %add3A_1001 = arith.constant 1152 : i32
    %add3A_1002 = arith.addi %select_n3A_32, %add3A_1001 : i32
    %dma_wait3A_1003 = tpu.memref_slice %arg4[%mul3A_1000, %add3A_1002] : memref<2048x8192xf32, #tpu.memory_space<hbm>> -> memref<256x128xf32, #tpu.memory_space<hbm>>
    %dma_wait3A_1004 = tpu.memref_slice %arg4[%mul3A_1000, %add3A_1002] : memref<2048x8192xf32, #tpu.memory_space<hbm>> -> memref<256x128xf32, #tpu.memory_space<hbm>>
    tpu.wait_dma2 semaphore(%arg9 : memref<!tpu.dma_semaphore, #tpu.memory_space<semaphore_mem>>) src(%arg6 : memref<256x128xf32, #tpu.memory_space<vmem>>) dst(%dma_wait3A_1004 : memref<256x128xf32, #tpu.memory_space<hbm>>)
    %get3A_1005 = arith.constant 1152 : index
    %get3A_1006 = tpu.vector_load %arg5[%get3A_1005] {strides = array<i32>} : memref<2048xi32, #tpu.memory_space<vmem>>, vector<16xi32>,
    %add3A_1007 = arith.constant 0 : i32
    %add3A_1008 = vector.broadcast %add3A_1007 : i32 to vector<16xi32>
    %add3A_1009 = arith.addi %iota3A, %add3A_1008 : vector<16xi32>
    tpu.vector_store_idx %arg6[%get3A_1006, %add3A_1009], %broadcast_in_dim3A_35 : memref<256x128xf32, #tpu.memory_space<vmem>>[vector<16xi32>, vector<16xi32>], vector<16xf32>,
    %get3A_1010 = arith.constant 1168 : index
    %get3A_1011 = tpu.vector_load %arg5[%get3A_1010] {strides = array<i32>} : memref<2048xi32, #tpu.memory_space<vmem>>, vector<16xi32>,
    %add3A_1012 = arith.constant 16 : i32
    %add3A_1013 = vector.broadcast %add3A_1012 : i32 to vector<16xi32>
    %add3A_1014 = arith.addi %iota3A, %add3A_1013 : vector<16xi32>
    tpu.vector_store_idx %arg6[%get3A_1011, %add3A_1014], %broadcast_in_dim3A_35 : memref<256x128xf32, #tpu.memory_space<vmem>>[vector<16xi32>, vector<16xi32>], vector<16xf32>,
    %get3A_1015 = arith.constant 1184 : index
    %get3A_1016 = tpu.vector_load %arg5[%get3A_1015] {strides = array<i32>} : memref<2048xi32, #tpu.memory_space<vmem>>, vector<16xi32>,
    %add3A_1017 = arith.constant 32 : i32
    %add3A_1018 = vector.broadcast %add3A_1017 : i32 to vector<16xi32>
    %add3A_1019 = arith.addi %iota3A, %add3A_1018 : vector<16xi32>
    tpu.vector_store_idx %arg6[%get3A_1016, %add3A_1019], %broadcast_in_dim3A_35 : memref<256x128xf32, #tpu.memory_space<vmem>>[vector<16xi32>, vector<16xi32>], vector<16xf32>,
    %get3A_1020 = arith.constant 1200 : index
    %get3A_1021 = tpu.vector_load %arg5[%get3A_1020] {strides = array<i32>} : memref<2048xi32, #tpu.memory_space<vmem>>, vector<16xi32>,
    %add3A_1022 = arith.constant 48 : i32
    %add3A_1023 = vector.broadcast %add3A_1022 : i32 to vector<16xi32>
    %add3A_1024 = arith.addi %iota3A, %add3A_1023 : vector<16xi32>
    tpu.vector_store_idx %arg6[%get3A_1021, %add3A_1024], %broadcast_in_dim3A_35 : memref<256x128xf32, #tpu.memory_space<vmem>>[vector<16xi32>, vector<16xi32>], vector<16xf32>,
    %get3A_1025 = arith.constant 1216 : index
    %get3A_1026 = tpu.vector_load %arg5[%get3A_1025] {strides = array<i32>} : memref<2048xi32, #tpu.memory_space<vmem>>, vector<16xi32>,
    %add3A_1027 = arith.constant 64 : i32
    %add3A_1028 = vector.broadcast %add3A_1027 : i32 to vector<16xi32>
    %add3A_1029 = arith.addi %iota3A, %add3A_1028 : vector<16xi32>
    tpu.vector_store_idx %arg6[%get3A_1026, %add3A_1029], %broadcast_in_dim3A_35 : memref<256x128xf32, #tpu.memory_space<vmem>>[vector<16xi32>, vector<16xi32>], vector<16xf32>,
    %get3A_1030 = arith.constant 1232 : index
    %get3A_1031 = tpu.vector_load %arg5[%get3A_1030] {strides = array<i32>} : memref<2048xi32, #tpu.memory_space<vmem>>, vector<16xi32>,
    %add3A_1032 = arith.constant 80 : i32
    %add3A_1033 = vector.broadcast %add3A_1032 : i32 to vector<16xi32>
    %add3A_1034 = arith.addi %iota3A, %add3A_1033 : vector<16xi32>
    tpu.vector_store_idx %arg6[%get3A_1031, %add3A_1034], %broadcast_in_dim3A_35 : memref<256x128xf32, #tpu.memory_space<vmem>>[vector<16xi32>, vector<16xi32>], vector<16xf32>,
    %get3A_1035 = arith.constant 1248 : index
    %get3A_1036 = tpu.vector_load %arg5[%get3A_1035] {strides = array<i32>} : memref<2048xi32, #tpu.memory_space<vmem>>, vector<16xi32>,
    %add3A_1037 = arith.constant 96 : i32
    %add3A_1038 = vector.broadcast %add3A_1037 : i32 to vector<16xi32>
    %add3A_1039 = arith.addi %iota3A, %add3A_1038 : vector<16xi32>
    tpu.vector_store_idx %arg6[%get3A_1036, %add3A_1039], %broadcast_in_dim3A_35 : memref<256x128xf32, #tpu.memory_space<vmem>>[vector<16xi32>, vector<16xi32>], vector<16xf32>,
    %get3A_1040 = arith.constant 1264 : index
    %get3A_1041 = tpu.vector_load %arg5[%get3A_1040] {strides = array<i32>} : memref<2048xi32, #tpu.memory_space<vmem>>, vector<16xi32>,
    %add3A_1042 = arith.constant 112 : i32
    %add3A_1043 = vector.broadcast %add3A_1042 : i32 to vector<16xi32>
    %add3A_1044 = arith.addi %iota3A, %add3A_1043 : vector<16xi32>
    tpu.vector_store_idx %arg6[%get3A_1041, %add3A_1044], %broadcast_in_dim3A_35 : memref<256x128xf32, #tpu.memory_space<vmem>>[vector<16xi32>, vector<16xi32>], vector<16xf32>,
    %get3A_1045 = arith.constant 1536 : index
    %get3A_1046 = tpu.vector_load %arg5[%get3A_1045] {strides = array<i32>} : memref<2048xi32, #tpu.memory_space<vmem>>, vector<16xi32>,
    %add3A_1047 = arith.constant 0 : i32
    %add3A_1048 = vector.broadcast %add3A_1047 : i32 to vector<16xi32>
    %add3A_1049 = arith.addi %iota3A, %add3A_1048 : vector<16xi32>
    tpu.vector_store_idx %arg6[%get3A_1046, %add3A_1049], %broadcast_in_dim3A_33 : memref<256x128xf32, #tpu.memory_space<vmem>>[vector<16xi32>, vector<16xi32>], vector<16xf32>,
    %get3A_1050 = arith.constant 1552 : index
    %get3A_1051 = tpu.vector_load %arg5[%get3A_1050] {strides = array<i32>} : memref<2048xi32, #tpu.memory_space<vmem>>, vector<16xi32>,
    %add3A_1052 = arith.constant 16 : i32
    %add3A_1053 = vector.broadcast %add3A_1052 : i32 to vector<16xi32>
    %add3A_1054 = arith.addi %iota3A, %add3A_1053 : vector<16xi32>
    tpu.vector_store_idx %arg6[%get3A_1051, %add3A_1054], %broadcast_in_dim3A_33 : memref<256x128xf32, #tpu.memory_space<vmem>>[vector<16xi32>, vector<16xi32>], vector<16xf32>,
    %get3A_1055 = arith.constant 1568 : index
    %get3A_1056 = tpu.vector_load %arg5[%get3A_1055] {strides = array<i32>} : memref<2048xi32, #tpu.memory_space<vmem>>, vector<16xi32>,
    %add3A_1057 = arith.constant 32 : i32
    %add3A_1058 = vector.broadcast %add3A_1057 : i32 to vector<16xi32>
    %add3A_1059 = arith.addi %iota3A, %add3A_1058 : vector<16xi32>
    tpu.vector_store_idx %arg6[%get3A_1056, %add3A_1059], %broadcast_in_dim3A_33 : memref<256x128xf32, #tpu.memory_space<vmem>>[vector<16xi32>, vector<16xi32>], vector<16xf32>,
    %get3A_1060 = arith.constant 1584 : index
    %get3A_1061 = tpu.vector_load %arg5[%get3A_1060] {strides = array<i32>} : memref<2048xi32, #tpu.memory_space<vmem>>, vector<16xi32>,
    %add3A_1062 = arith.constant 48 : i32
    %add3A_1063 = vector.broadcast %add3A_1062 : i32 to vector<16xi32>
    %add3A_1064 = arith.addi %iota3A, %add3A_1063 : vector<16xi32>
    tpu.vector_store_idx %arg6[%get3A_1061, %add3A_1064], %broadcast_in_dim3A_33 : memref<256x128xf32, #tpu.memory_space<vmem>>[vector<16xi32>, vector<16xi32>], vector<16xf32>,
    %get3A_1065 = arith.constant 1600 : index
    %get3A_1066 = tpu.vector_load %arg5[%get3A_1065] {strides = array<i32>} : memref<2048xi32, #tpu.memory_space<vmem>>, vector<16xi32>,
    %add3A_1067 = arith.constant 64 : i32
    %add3A_1068 = vector.broadcast %add3A_1067 : i32 to vector<16xi32>
    %add3A_1069 = arith.addi %iota3A, %add3A_1068 : vector<16xi32>
    tpu.vector_store_idx %arg6[%get3A_1066, %add3A_1069], %broadcast_in_dim3A_33 : memref<256x128xf32, #tpu.memory_space<vmem>>[vector<16xi32>, vector<16xi32>], vector<16xf32>,
    %get3A_1070 = arith.constant 1616 : index
    %get3A_1071 = tpu.vector_load %arg5[%get3A_1070] {strides = array<i32>} : memref<2048xi32, #tpu.memory_space<vmem>>, vector<16xi32>,
    %add3A_1072 = arith.constant 80 : i32
    %add3A_1073 = vector.broadcast %add3A_1072 : i32 to vector<16xi32>
    %add3A_1074 = arith.addi %iota3A, %add3A_1073 : vector<16xi32>
    tpu.vector_store_idx %arg6[%get3A_1071, %add3A_1074], %broadcast_in_dim3A_33 : memref<256x128xf32, #tpu.memory_space<vmem>>[vector<16xi32>, vector<16xi32>], vector<16xf32>,
    %get3A_1075 = arith.constant 1632 : index
    %get3A_1076 = tpu.vector_load %arg5[%get3A_1075] {strides = array<i32>} : memref<2048xi32, #tpu.memory_space<vmem>>, vector<16xi32>,
    %add3A_1077 = arith.constant 96 : i32
    %add3A_1078 = vector.broadcast %add3A_1077 : i32 to vector<16xi32>
    %add3A_1079 = arith.addi %iota3A, %add3A_1078 : vector<16xi32>
    tpu.vector_store_idx %arg6[%get3A_1076, %add3A_1079], %broadcast_in_dim3A_33 : memref<256x128xf32, #tpu.memory_space<vmem>>[vector<16xi32>, vector<16xi32>], vector<16xf32>,
    %get3A_1080 = arith.constant 1648 : index
    %get3A_1081 = tpu.vector_load %arg5[%get3A_1080] {strides = array<i32>} : memref<2048xi32, #tpu.memory_space<vmem>>, vector<16xi32>,
    %add3A_1082 = arith.constant 112 : i32
    %add3A_1083 = vector.broadcast %add3A_1082 : i32 to vector<16xi32>
    %add3A_1084 = arith.addi %iota3A, %add3A_1083 : vector<16xi32>
    tpu.vector_store_idx %arg6[%get3A_1081, %add3A_1084], %broadcast_in_dim3A_33 : memref<256x128xf32, #tpu.memory_space<vmem>>[vector<16xi32>, vector<16xi32>], vector<16xf32>,
    %mul3A_1085 = arith.constant 256 : i32
    %mul3A_1086 = arith.muli %select_n3A, %mul3A_1085 : i32
    %add3A_1087 = arith.constant 1536 : i32
    %add3A_1088 = arith.addi %select_n3A_32, %add3A_1087 : i32
    %dma_start3A_1089 = tpu.memref_slice %arg4[%mul3A_1086, %add3A_1088] : memref<2048x8192xf32, #tpu.memory_space<hbm>> -> memref<256x128xf32, #tpu.memory_space<hbm>>
    %dma_start3A_1090 = tpu.memref_slice %arg4[%mul3A_1086, %add3A_1088] : memref<2048x8192xf32, #tpu.memory_space<hbm>> -> memref<256x128xf32, #tpu.memory_space<hbm>>
    tpu.enqueue_dma source(%arg6 : memref<256x128xf32, #tpu.memory_space<vmem>>) target(%dma_start3A_1090 : memref<256x128xf32, #tpu.memory_space<hbm>>) target_semaphore(%arg9 : memref<!tpu.dma_semaphore, #tpu.memory_space<semaphore_mem>>)
    %mul3A_1091 = arith.constant 256 : i32
    %mul3A_1092 = arith.muli %select_n3A, %mul3A_1091 : i32
    %add3A_1093 = arith.constant 1280 : i32
    %add3A_1094 = arith.addi %select_n3A_32, %add3A_1093 : i32
    %dma_wait3A_1095 = tpu.memref_slice %arg4[%mul3A_1092, %add3A_1094] : memref<2048x8192xf32, #tpu.memory_space<hbm>> -> memref<256x128xf32, #tpu.memory_space<hbm>>
    %dma_wait3A_1096 = tpu.memref_slice %arg4[%mul3A_1092, %add3A_1094] : memref<2048x8192xf32, #tpu.memory_space<hbm>> -> memref<256x128xf32, #tpu.memory_space<hbm>>
    tpu.wait_dma2 semaphore(%arg10 : memref<!tpu.dma_semaphore, #tpu.memory_space<semaphore_mem>>) src(%arg7 : memref<256x128xf32, #tpu.memory_space<vmem>>) dst(%dma_wait3A_1096 : memref<256x128xf32, #tpu.memory_space<hbm>>)
    %get3A_1097 = arith.constant 1280 : index
    %get3A_1098 = tpu.vector_load %arg5[%get3A_1097] {strides = array<i32>} : memref<2048xi32, #tpu.memory_space<vmem>>, vector<16xi32>,
    %add3A_1099 = arith.constant 0 : i32
    %add3A_1100 = vector.broadcast %add3A_1099 : i32 to vector<16xi32>
    %add3A_1101 = arith.addi %iota3A, %add3A_1100 : vector<16xi32>
    tpu.vector_store_idx %arg7[%get3A_1098, %add3A_1101], %broadcast_in_dim3A_35 : memref<256x128xf32, #tpu.memory_space<vmem>>[vector<16xi32>, vector<16xi32>], vector<16xf32>,
    %get3A_1102 = arith.constant 1296 : index
    %get3A_1103 = tpu.vector_load %arg5[%get3A_1102] {strides = array<i32>} : memref<2048xi32, #tpu.memory_space<vmem>>, vector<16xi32>,
    %add3A_1104 = arith.constant 16 : i32
    %add3A_1105 = vector.broadcast %add3A_1104 : i32 to vector<16xi32>
    %add3A_1106 = arith.addi %iota3A, %add3A_1105 : vector<16xi32>
    tpu.vector_store_idx %arg7[%get3A_1103, %add3A_1106], %broadcast_in_dim3A_35 : memref<256x128xf32, #tpu.memory_space<vmem>>[vector<16xi32>, vector<16xi32>], vector<16xf32>,
    %get3A_1107 = arith.constant 1312 : index
    %get3A_1108 = tpu.vector_load %arg5[%get3A_1107] {strides = array<i32>} : memref<2048xi32, #tpu.memory_space<vmem>>, vector<16xi32>,
    %add3A_1109 = arith.constant 32 : i32
    %add3A_1110 = vector.broadcast %add3A_1109 : i32 to vector<16xi32>
    %add3A_1111 = arith.addi %iota3A, %add3A_1110 : vector<16xi32>
    tpu.vector_store_idx %arg7[%get3A_1108, %add3A_1111], %broadcast_in_dim3A_35 : memref<256x128xf32, #tpu.memory_space<vmem>>[vector<16xi32>, vector<16xi32>], vector<16xf32>,
    %get3A_1112 = arith.constant 1328 : index
    %get3A_1113 = tpu.vector_load %arg5[%get3A_1112] {strides = array<i32>} : memref<2048xi32, #tpu.memory_space<vmem>>, vector<16xi32>,
    %add3A_1114 = arith.constant 48 : i32
    %add3A_1115 = vector.broadcast %add3A_1114 : i32 to vector<16xi32>
    %add3A_1116 = arith.addi %iota3A, %add3A_1115 : vector<16xi32>
    tpu.vector_store_idx %arg7[%get3A_1113, %add3A_1116], %broadcast_in_dim3A_35 : memref<256x128xf32, #tpu.memory_space<vmem>>[vector<16xi32>, vector<16xi32>], vector<16xf32>,
    %get3A_1117 = arith.constant 1344 : index
    %get3A_1118 = tpu.vector_load %arg5[%get3A_1117] {strides = array<i32>} : memref<2048xi32, #tpu.memory_space<vmem>>, vector<16xi32>,
    %add3A_1119 = arith.constant 64 : i32
    %add3A_1120 = vector.broadcast %add3A_1119 : i32 to vector<16xi32>
    %add3A_1121 = arith.addi %iota3A, %add3A_1120 : vector<16xi32>
    tpu.vector_store_idx %arg7[%get3A_1118, %add3A_1121], %broadcast_in_dim3A_35 : memref<256x128xf32, #tpu.memory_space<vmem>>[vector<16xi32>, vector<16xi32>], vector<16xf32>,
    %get3A_1122 = arith.constant 1360 : index
    %get3A_1123 = tpu.vector_load %arg5[%get3A_1122] {strides = array<i32>} : memref<2048xi32, #tpu.memory_space<vmem>>, vector<16xi32>,
    %add3A_1124 = arith.constant 80 : i32
    %add3A_1125 = vector.broadcast %add3A_1124 : i32 to vector<16xi32>
    %add3A_1126 = arith.addi %iota3A, %add3A_1125 : vector<16xi32>
    tpu.vector_store_idx %arg7[%get3A_1123, %add3A_1126], %broadcast_in_dim3A_35 : memref<256x128xf32, #tpu.memory_space<vmem>>[vector<16xi32>, vector<16xi32>], vector<16xf32>,
    %get3A_1127 = arith.constant 1376 : index
    %get3A_1128 = tpu.vector_load %arg5[%get3A_1127] {strides = array<i32>} : memref<2048xi32, #tpu.memory_space<vmem>>, vector<16xi32>,
    %add3A_1129 = arith.constant 96 : i32
    %add3A_1130 = vector.broadcast %add3A_1129 : i32 to vector<16xi32>
    %add3A_1131 = arith.addi %iota3A, %add3A_1130 : vector<16xi32>
    tpu.vector_store_idx %arg7[%get3A_1128, %add3A_1131], %broadcast_in_dim3A_35 : memref<256x128xf32, #tpu.memory_space<vmem>>[vector<16xi32>, vector<16xi32>], vector<16xf32>,
    %get3A_1132 = arith.constant 1392 : index
    %get3A_1133 = tpu.vector_load %arg5[%get3A_1132] {strides = array<i32>} : memref<2048xi32, #tpu.memory_space<vmem>>, vector<16xi32>,
    %add3A_1134 = arith.constant 112 : i32
    %add3A_1135 = vector.broadcast %add3A_1134 : i32 to vector<16xi32>
    %add3A_1136 = arith.addi %iota3A, %add3A_1135 : vector<16xi32>
    tpu.vector_store_idx %arg7[%get3A_1133, %add3A_1136], %broadcast_in_dim3A_35 : memref<256x128xf32, #tpu.memory_space<vmem>>[vector<16xi32>, vector<16xi32>], vector<16xf32>,
    %get3A_1137 = arith.constant 1664 : index
    %get3A_1138 = tpu.vector_load %arg5[%get3A_1137] {strides = array<i32>} : memref<2048xi32, #tpu.memory_space<vmem>>, vector<16xi32>,
    %add3A_1139 = arith.constant 0 : i32
    %add3A_1140 = vector.broadcast %add3A_1139 : i32 to vector<16xi32>
    %add3A_1141 = arith.addi %iota3A, %add3A_1140 : vector<16xi32>
    tpu.vector_store_idx %arg7[%get3A_1138, %add3A_1141], %broadcast_in_dim3A_33 : memref<256x128xf32, #tpu.memory_space<vmem>>[vector<16xi32>, vector<16xi32>], vector<16xf32>,
    %get3A_1142 = arith.constant 1680 : index
    %get3A_1143 = tpu.vector_load %arg5[%get3A_1142] {strides = array<i32>} : memref<2048xi32, #tpu.memory_space<vmem>>, vector<16xi32>,
    %add3A_1144 = arith.constant 16 : i32
    %add3A_1145 = vector.broadcast %add3A_1144 : i32 to vector<16xi32>
    %add3A_1146 = arith.addi %iota3A, %add3A_1145 : vector<16xi32>
    tpu.vector_store_idx %arg7[%get3A_1143, %add3A_1146], %broadcast_in_dim3A_33 : memref<256x128xf32, #tpu.memory_space<vmem>>[vector<16xi32>, vector<16xi32>], vector<16xf32>,
    %get3A_1147 = arith.constant 1696 : index
    %get3A_1148 = tpu.vector_load %arg5[%get3A_1147] {strides = array<i32>} : memref<2048xi32, #tpu.memory_space<vmem>>, vector<16xi32>,
    %add3A_1149 = arith.constant 32 : i32
    %add3A_1150 = vector.broadcast %add3A_1149 : i32 to vector<16xi32>
    %add3A_1151 = arith.addi %iota3A, %add3A_1150 : vector<16xi32>
    tpu.vector_store_idx %arg7[%get3A_1148, %add3A_1151], %broadcast_in_dim3A_33 : memref<256x128xf32, #tpu.memory_space<vmem>>[vector<16xi32>, vector<16xi32>], vector<16xf32>,
    %get3A_1152 = arith.constant 1712 : index
    %get3A_1153 = tpu.vector_load %arg5[%get3A_1152] {strides = array<i32>} : memref<2048xi32, #tpu.memory_space<vmem>>, vector<16xi32>,
    %add3A_1154 = arith.constant 48 : i32
    %add3A_1155 = vector.broadcast %add3A_1154 : i32 to vector<16xi32>
    %add3A_1156 = arith.addi %iota3A, %add3A_1155 : vector<16xi32>
    tpu.vector_store_idx %arg7[%get3A_1153, %add3A_1156], %broadcast_in_dim3A_33 : memref<256x128xf32, #tpu.memory_space<vmem>>[vector<16xi32>, vector<16xi32>], vector<16xf32>,
    %get3A_1157 = arith.constant 1728 : index
    %get3A_1158 = tpu.vector_load %arg5[%get3A_1157] {strides = array<i32>} : memref<2048xi32, #tpu.memory_space<vmem>>, vector<16xi32>,
    %add3A_1159 = arith.constant 64 : i32
    %add3A_1160 = vector.broadcast %add3A_1159 : i32 to vector<16xi32>
    %add3A_1161 = arith.addi %iota3A, %add3A_1160 : vector<16xi32>
    tpu.vector_store_idx %arg7[%get3A_1158, %add3A_1161], %broadcast_in_dim3A_33 : memref<256x128xf32, #tpu.memory_space<vmem>>[vector<16xi32>, vector<16xi32>], vector<16xf32>,
    %get3A_1162 = arith.constant 1744 : index
    %get3A_1163 = tpu.vector_load %arg5[%get3A_1162] {strides = array<i32>} : memref<2048xi32, #tpu.memory_space<vmem>>, vector<16xi32>,
    %add3A_1164 = arith.constant 80 : i32
    %add3A_1165 = vector.broadcast %add3A_1164 : i32 to vector<16xi32>
    %add3A_1166 = arith.addi %iota3A, %add3A_1165 : vector<16xi32>
    tpu.vector_store_idx %arg7[%get3A_1163, %add3A_1166], %broadcast_in_dim3A_33 : memref<256x128xf32, #tpu.memory_space<vmem>>[vector<16xi32>, vector<16xi32>], vector<16xf32>,
    %get3A_1167 = arith.constant 1760 : index
    %get3A_1168 = tpu.vector_load %arg5[%get3A_1167] {strides = array<i32>} : memref<2048xi32, #tpu.memory_space<vmem>>, vector<16xi32>,
    %add3A_1169 = arith.constant 96 : i32
    %add3A_1170 = vector.broadcast %add3A_1169 : i32 to vector<16xi32>
    %add3A_1171 = arith.addi %iota3A, %add3A_1170 : vector<16xi32>
    tpu.vector_store_idx %arg7[%get3A_1168, %add3A_1171], %broadcast_in_dim3A_33 : memref<256x128xf32, #tpu.memory_space<vmem>>[vector<16xi32>, vector<16xi32>], vector<16xf32>,
    %get3A_1172 = arith.constant 1776 : index
    %get3A_1173 = tpu.vector_load %arg5[%get3A_1172] {strides = array<i32>} : memref<2048xi32, #tpu.memory_space<vmem>>, vector<16xi32>,
    %add3A_1174 = arith.constant 112 : i32
    %add3A_1175 = vector.broadcast %add3A_1174 : i32 to vector<16xi32>
    %add3A_1176 = arith.addi %iota3A, %add3A_1175 : vector<16xi32>
    tpu.vector_store_idx %arg7[%get3A_1173, %add3A_1176], %broadcast_in_dim3A_33 : memref<256x128xf32, #tpu.memory_space<vmem>>[vector<16xi32>, vector<16xi32>], vector<16xf32>,
    %mul3A_1177 = arith.constant 256 : i32
    %mul3A_1178 = arith.muli %select_n3A, %mul3A_1177 : i32
    %add3A_1179 = arith.constant 1664 : i32
    %add3A_1180 = arith.addi %select_n3A_32, %add3A_1179 : i32
    %dma_start3A_1181 = tpu.memref_slice %arg4[%mul3A_1178, %add3A_1180] : memref<2048x8192xf32, #tpu.memory_space<hbm>> -> memref<256x128xf32, #tpu.memory_space<hbm>>
    %dma_start3A_1182 = tpu.memref_slice %arg4[%mul3A_1178, %add3A_1180] : memref<2048x8192xf32, #tpu.memory_space<hbm>> -> memref<256x128xf32, #tpu.memory_space<hbm>>
    tpu.enqueue_dma source(%arg7 : memref<256x128xf32, #tpu.memory_space<vmem>>) target(%dma_start3A_1182 : memref<256x128xf32, #tpu.memory_space<hbm>>) target_semaphore(%arg10 : memref<!tpu.dma_semaphore, #tpu.memory_space<semaphore_mem>>)
    %mul3A_1183 = arith.constant 256 : i32
    %mul3A_1184 = arith.muli %select_n3A, %mul3A_1183 : i32
    %add3A_1185 = arith.constant 1408 : i32
    %add3A_1186 = arith.addi %select_n3A_32, %add3A_1185 : i32
    %dma_wait3A_1187 = tpu.memref_slice %arg4[%mul3A_1184, %add3A_1186] : memref<2048x8192xf32, #tpu.memory_space<hbm>> -> memref<256x128xf32, #tpu.memory_space<hbm>>
    %dma_wait3A_1188 = tpu.memref_slice %arg4[%mul3A_1184, %add3A_1186] : memref<2048x8192xf32, #tpu.memory_space<hbm>> -> memref<256x128xf32, #tpu.memory_space<hbm>>
    tpu.wait_dma2 semaphore(%arg11 : memref<!tpu.dma_semaphore, #tpu.memory_space<semaphore_mem>>) src(%arg8 : memref<256x128xf32, #tpu.memory_space<vmem>>) dst(%dma_wait3A_1188 : memref<256x128xf32, #tpu.memory_space<hbm>>)
    %get3A_1189 = arith.constant 1408 : index
    %get3A_1190 = tpu.vector_load %arg5[%get3A_1189] {strides = array<i32>} : memref<2048xi32, #tpu.memory_space<vmem>>, vector<16xi32>,
    %add3A_1191 = arith.constant 0 : i32
    %add3A_1192 = vector.broadcast %add3A_1191 : i32 to vector<16xi32>
    %add3A_1193 = arith.addi %iota3A, %add3A_1192 : vector<16xi32>
    tpu.vector_store_idx %arg8[%get3A_1190, %add3A_1193], %broadcast_in_dim3A_35 : memref<256x128xf32, #tpu.memory_space<vmem>>[vector<16xi32>, vector<16xi32>], vector<16xf32>,
    %get3A_1194 = arith.constant 1424 : index
    %get3A_1195 = tpu.vector_load %arg5[%get3A_1194] {strides = array<i32>} : memref<2048xi32, #tpu.memory_space<vmem>>, vector<16xi32>,
    %add3A_1196 = arith.constant 16 : i32
    %add3A_1197 = vector.broadcast %add3A_1196 : i32 to vector<16xi32>
    %add3A_1198 = arith.addi %iota3A, %add3A_1197 : vector<16xi32>
    tpu.vector_store_idx %arg8[%get3A_1195, %add3A_1198], %broadcast_in_dim3A_35 : memref<256x128xf32, #tpu.memory_space<vmem>>[vector<16xi32>, vector<16xi32>], vector<16xf32>,
    %get3A_1199 = arith.constant 1440 : index
    %get3A_1200 = tpu.vector_load %arg5[%get3A_1199] {strides = array<i32>} : memref<2048xi32, #tpu.memory_space<vmem>>, vector<16xi32>,
    %add3A_1201 = arith.constant 32 : i32
    %add3A_1202 = vector.broadcast %add3A_1201 : i32 to vector<16xi32>
    %add3A_1203 = arith.addi %iota3A, %add3A_1202 : vector<16xi32>
    tpu.vector_store_idx %arg8[%get3A_1200, %add3A_1203], %broadcast_in_dim3A_35 : memref<256x128xf32, #tpu.memory_space<vmem>>[vector<16xi32>, vector<16xi32>], vector<16xf32>,
    %get3A_1204 = arith.constant 1456 : index
    %get3A_1205 = tpu.vector_load %arg5[%get3A_1204] {strides = array<i32>} : memref<2048xi32, #tpu.memory_space<vmem>>, vector<16xi32>,
    %add3A_1206 = arith.constant 48 : i32
    %add3A_1207 = vector.broadcast %add3A_1206 : i32 to vector<16xi32>
    %add3A_1208 = arith.addi %iota3A, %add3A_1207 : vector<16xi32>
    tpu.vector_store_idx %arg8[%get3A_1205, %add3A_1208], %broadcast_in_dim3A_35 : memref<256x128xf32, #tpu.memory_space<vmem>>[vector<16xi32>, vector<16xi32>], vector<16xf32>,
    %get3A_1209 = arith.constant 1472 : index
    %get3A_1210 = tpu.vector_load %arg5[%get3A_1209] {strides = array<i32>} : memref<2048xi32, #tpu.memory_space<vmem>>, vector<16xi32>,
    %add3A_1211 = arith.constant 64 : i32
    %add3A_1212 = vector.broadcast %add3A_1211 : i32 to vector<16xi32>
    %add3A_1213 = arith.addi %iota3A, %add3A_1212 : vector<16xi32>
    tpu.vector_store_idx %arg8[%get3A_1210, %add3A_1213], %broadcast_in_dim3A_35 : memref<256x128xf32, #tpu.memory_space<vmem>>[vector<16xi32>, vector<16xi32>], vector<16xf32>,
    %get3A_1214 = arith.constant 1488 : index
    %get3A_1215 = tpu.vector_load %arg5[%get3A_1214] {strides = array<i32>} : memref<2048xi32, #tpu.memory_space<vmem>>, vector<16xi32>,
    %add3A_1216 = arith.constant 80 : i32
    %add3A_1217 = vector.broadcast %add3A_1216 : i32 to vector<16xi32>
    %add3A_1218 = arith.addi %iota3A, %add3A_1217 : vector<16xi32>
    tpu.vector_store_idx %arg8[%get3A_1215, %add3A_1218], %broadcast_in_dim3A_35 : memref<256x128xf32, #tpu.memory_space<vmem>>[vector<16xi32>, vector<16xi32>], vector<16xf32>,
    %get3A_1219 = arith.constant 1504 : index
    %get3A_1220 = tpu.vector_load %arg5[%get3A_1219] {strides = array<i32>} : memref<2048xi32, #tpu.memory_space<vmem>>, vector<16xi32>,
    %add3A_1221 = arith.constant 96 : i32
    %add3A_1222 = vector.broadcast %add3A_1221 : i32 to vector<16xi32>
    %add3A_1223 = arith.addi %iota3A, %add3A_1222 : vector<16xi32>
    tpu.vector_store_idx %arg8[%get3A_1220, %add3A_1223], %broadcast_in_dim3A_35 : memref<256x128xf32, #tpu.memory_space<vmem>>[vector<16xi32>, vector<16xi32>], vector<16xf32>,
    %get3A_1224 = arith.constant 1520 : index
    %get3A_1225 = tpu.vector_load %arg5[%get3A_1224] {strides = array<i32>} : memref<2048xi32, #tpu.memory_space<vmem>>, vector<16xi32>,
    %add3A_1226 = arith.constant 112 : i32
    %add3A_1227 = vector.broadcast %add3A_1226 : i32 to vector<16xi32>
    %add3A_1228 = arith.addi %iota3A, %add3A_1227 : vector<16xi32>
    tpu.vector_store_idx %arg8[%get3A_1225, %add3A_1228], %broadcast_in_dim3A_35 : memref<256x128xf32, #tpu.memory_space<vmem>>[vector<16xi32>, vector<16xi32>], vector<16xf32>,
    %get3A_1229 = arith.constant 1792 : index
    %get3A_1230 = tpu.vector_load %arg5[%get3A_1229] {strides = array<i32>} : memref<2048xi32, #tpu.memory_space<vmem>>, vector<16xi32>,
    %add3A_1231 = arith.constant 0 : i32
    %add3A_1232 = vector.broadcast %add3A_1231 : i32 to vector<16xi32>
    %add3A_1233 = arith.addi %iota3A, %add3A_1232 : vector<16xi32>
    tpu.vector_store_idx %arg8[%get3A_1230, %add3A_1233], %broadcast_in_dim3A_33 : memref<256x128xf32, #tpu.memory_space<vmem>>[vector<16xi32>, vector<16xi32>], vector<16xf32>,
    %get3A_1234 = arith.constant 1808 : index
    %get3A_1235 = tpu.vector_load %arg5[%get3A_1234] {strides = array<i32>} : memref<2048xi32, #tpu.memory_space<vmem>>, vector<16xi32>,
    %add3A_1236 = arith.constant 16 : i32
    %add3A_1237 = vector.broadcast %add3A_1236 : i32 to vector<16xi32>
    %add3A_1238 = arith.addi %iota3A, %add3A_1237 : vector<16xi32>
    tpu.vector_store_idx %arg8[%get3A_1235, %add3A_1238], %broadcast_in_dim3A_33 : memref<256x128xf32, #tpu.memory_space<vmem>>[vector<16xi32>, vector<16xi32>], vector<16xf32>,
    %get3A_1239 = arith.constant 1824 : index
    %get3A_1240 = tpu.vector_load %arg5[%get3A_1239] {strides = array<i32>} : memref<2048xi32, #tpu.memory_space<vmem>>, vector<16xi32>,
    %add3A_1241 = arith.constant 32 : i32
    %add3A_1242 = vector.broadcast %add3A_1241 : i32 to vector<16xi32>
    %add3A_1243 = arith.addi %iota3A, %add3A_1242 : vector<16xi32>
    tpu.vector_store_idx %arg8[%get3A_1240, %add3A_1243], %broadcast_in_dim3A_33 : memref<256x128xf32, #tpu.memory_space<vmem>>[vector<16xi32>, vector<16xi32>], vector<16xf32>,
    %get3A_1244 = arith.constant 1840 : index
    %get3A_1245 = tpu.vector_load %arg5[%get3A_1244] {strides = array<i32>} : memref<2048xi32, #tpu.memory_space<vmem>>, vector<16xi32>,
    %add3A_1246 = arith.constant 48 : i32
    %add3A_1247 = vector.broadcast %add3A_1246 : i32 to vector<16xi32>
    %add3A_1248 = arith.addi %iota3A, %add3A_1247 : vector<16xi32>
    tpu.vector_store_idx %arg8[%get3A_1245, %add3A_1248], %broadcast_in_dim3A_33 : memref<256x128xf32, #tpu.memory_space<vmem>>[vector<16xi32>, vector<16xi32>], vector<16xf32>,
    %get3A_1249 = arith.constant 1856 : index
    %get3A_1250 = tpu.vector_load %arg5[%get3A_1249] {strides = array<i32>} : memref<2048xi32, #tpu.memory_space<vmem>>, vector<16xi32>,
    %add3A_1251 = arith.constant 64 : i32
    %add3A_1252 = vector.broadcast %add3A_1251 : i32 to vector<16xi32>
    %add3A_1253 = arith.addi %iota3A, %add3A_1252 : vector<16xi32>
    tpu.vector_store_idx %arg8[%get3A_1250, %add3A_1253], %broadcast_in_dim3A_33 : memref<256x128xf32, #tpu.memory_space<vmem>>[vector<16xi32>, vector<16xi32>], vector<16xf32>,
    %get3A_1254 = arith.constant 1872 : index
    %get3A_1255 = tpu.vector_load %arg5[%get3A_1254] {strides = array<i32>} : memref<2048xi32, #tpu.memory_space<vmem>>, vector<16xi32>,
    %add3A_1256 = arith.constant 80 : i32
    %add3A_1257 = vector.broadcast %add3A_1256 : i32 to vector<16xi32>
    %add3A_1258 = arith.addi %iota3A, %add3A_1257 : vector<16xi32>
    tpu.vector_store_idx %arg8[%get3A_1255, %add3A_1258], %broadcast_in_dim3A_33 : memref<256x128xf32, #tpu.memory_space<vmem>>[vector<16xi32>, vector<16xi32>], vector<16xf32>,
    %get3A_1259 = arith.constant 1888 : index
    %get3A_1260 = tpu.vector_load %arg5[%get3A_1259] {strides = array<i32>} : memref<2048xi32, #tpu.memory_space<vmem>>, vector<16xi32>,
    %add3A_1261 = arith.constant 96 : i32
    %add3A_1262 = vector.broadcast %add3A_1261 : i32 to vector<16xi32>
    %add3A_1263 = arith.addi %iota3A, %add3A_1262 : vector<16xi32>
    tpu.vector_store_idx %arg8[%get3A_1260, %add3A_1263], %broadcast_in_dim3A_33 : memref<256x128xf32, #tpu.memory_space<vmem>>[vector<16xi32>, vector<16xi32>], vector<16xf32>,
    %get3A_1264 = arith.constant 1904 : index
    %get3A_1265 = tpu.vector_load %arg5[%get3A_1264] {strides = array<i32>} : memref<2048xi32, #tpu.memory_space<vmem>>, vector<16xi32>,
    %add3A_1266 = arith.constant 112 : i32
    %add3A_1267 = vector.broadcast %add3A_1266 : i32 to vector<16xi32>
    %add3A_1268 = arith.addi %iota3A, %add3A_1267 : vector<16xi32>
    tpu.vector_store_idx %arg8[%get3A_1265, %add3A_1268], %broadcast_in_dim3A_33 : memref<256x128xf32, #tpu.memory_space<vmem>>[vector<16xi32>, vector<16xi32>], vector<16xf32>,
    %mul3A_1269 = arith.constant 256 : i32
    %mul3A_1270 = arith.muli %select_n3A, %mul3A_1269 : i32
    %add3A_1271 = arith.constant 1792 : i32
    %add3A_1272 = arith.addi %select_n3A_32, %add3A_1271 : i32
    %dma_start3A_1273 = tpu.memref_slice %arg4[%mul3A_1270, %add3A_1272] : memref<2048x8192xf32, #tpu.memory_space<hbm>> -> memref<256x128xf32, #tpu.memory_space<hbm>>
    %dma_start3A_1274 = tpu.memref_slice %arg4[%mul3A_1270, %add3A_1272] : memref<2048x8192xf32, #tpu.memory_space<hbm>> -> memref<256x128xf32, #tpu.memory_space<hbm>>
    tpu.enqueue_dma source(%arg8 : memref<256x128xf32, #tpu.memory_space<vmem>>) target(%dma_start3A_1274 : memref<256x128xf32, #tpu.memory_space<hbm>>) target_semaphore(%arg11 : memref<!tpu.dma_semaphore, #tpu.memory_space<semaphore_mem>>)
    %mul3A_1275 = arith.constant 256 : i32
    %mul3A_1276 = arith.muli %select_n3A, %mul3A_1275 : i32
    %add3A_1277 = arith.constant 1536 : i32
    %add3A_1278 = arith.addi %select_n3A_32, %add3A_1277 : i32
    %dma_wait3A_1279 = tpu.memref_slice %arg4[%mul3A_1276, %add3A_1278] : memref<2048x8192xf32, #tpu.memory_space<hbm>> -> memref<256x128xf32, #tpu.memory_space<hbm>>
    %dma_wait3A_1280 = tpu.memref_slice %arg4[%mul3A_1276, %add3A_1278] : memref<2048x8192xf32, #tpu.memory_space<hbm>> -> memref<256x128xf32, #tpu.memory_space<hbm>>
    tpu.wait_dma2 semaphore(%arg9 : memref<!tpu.dma_semaphore, #tpu.memory_space<semaphore_mem>>) src(%arg6 : memref<256x128xf32, #tpu.memory_space<vmem>>) dst(%dma_wait3A_1280 : memref<256x128xf32, #tpu.memory_space<hbm>>)
    %get3A_1281 = arith.constant 1536 : index
    %get3A_1282 = tpu.vector_load %arg5[%get3A_1281] {strides = array<i32>} : memref<2048xi32, #tpu.memory_space<vmem>>, vector<16xi32>,
    %add3A_1283 = arith.constant 0 : i32
    %add3A_1284 = vector.broadcast %add3A_1283 : i32 to vector<16xi32>
    %add3A_1285 = arith.addi %iota3A, %add3A_1284 : vector<16xi32>
    tpu.vector_store_idx %arg6[%get3A_1282, %add3A_1285], %broadcast_in_dim3A_35 : memref<256x128xf32, #tpu.memory_space<vmem>>[vector<16xi32>, vector<16xi32>], vector<16xf32>,
    %get3A_1286 = arith.constant 1552 : index
    %get3A_1287 = tpu.vector_load %arg5[%get3A_1286] {strides = array<i32>} : memref<2048xi32, #tpu.memory_space<vmem>>, vector<16xi32>,
    %add3A_1288 = arith.constant 16 : i32
    %add3A_1289 = vector.broadcast %add3A_1288 : i32 to vector<16xi32>
    %add3A_1290 = arith.addi %iota3A, %add3A_1289 : vector<16xi32>
    tpu.vector_store_idx %arg6[%get3A_1287, %add3A_1290], %broadcast_in_dim3A_35 : memref<256x128xf32, #tpu.memory_space<vmem>>[vector<16xi32>, vector<16xi32>], vector<16xf32>,
    %get3A_1291 = arith.constant 1568 : index
    %get3A_1292 = tpu.vector_load %arg5[%get3A_1291] {strides = array<i32>} : memref<2048xi32, #tpu.memory_space<vmem>>, vector<16xi32>,
    %add3A_1293 = arith.constant 32 : i32
    %add3A_1294 = vector.broadcast %add3A_1293 : i32 to vector<16xi32>
    %add3A_1295 = arith.addi %iota3A, %add3A_1294 : vector<16xi32>
    tpu.vector_store_idx %arg6[%get3A_1292, %add3A_1295], %broadcast_in_dim3A_35 : memref<256x128xf32, #tpu.memory_space<vmem>>[vector<16xi32>, vector<16xi32>], vector<16xf32>,
    %get3A_1296 = arith.constant 1584 : index
    %get3A_1297 = tpu.vector_load %arg5[%get3A_1296] {strides = array<i32>} : memref<2048xi32, #tpu.memory_space<vmem>>, vector<16xi32>,
    %add3A_1298 = arith.constant 48 : i32
    %add3A_1299 = vector.broadcast %add3A_1298 : i32 to vector<16xi32>
    %add3A_1300 = arith.addi %iota3A, %add3A_1299 : vector<16xi32>
    tpu.vector_store_idx %arg6[%get3A_1297, %add3A_1300], %broadcast_in_dim3A_35 : memref<256x128xf32, #tpu.memory_space<vmem>>[vector<16xi32>, vector<16xi32>], vector<16xf32>,
    %get3A_1301 = arith.constant 1600 : index
    %get3A_1302 = tpu.vector_load %arg5[%get3A_1301] {strides = array<i32>} : memref<2048xi32, #tpu.memory_space<vmem>>, vector<16xi32>,
    %add3A_1303 = arith.constant 64 : i32
    %add3A_1304 = vector.broadcast %add3A_1303 : i32 to vector<16xi32>
    %add3A_1305 = arith.addi %iota3A, %add3A_1304 : vector<16xi32>
    tpu.vector_store_idx %arg6[%get3A_1302, %add3A_1305], %broadcast_in_dim3A_35 : memref<256x128xf32, #tpu.memory_space<vmem>>[vector<16xi32>, vector<16xi32>], vector<16xf32>,
    %get3A_1306 = arith.constant 1616 : index
    %get3A_1307 = tpu.vector_load %arg5[%get3A_1306] {strides = array<i32>} : memref<2048xi32, #tpu.memory_space<vmem>>, vector<16xi32>,
    %add3A_1308 = arith.constant 80 : i32
    %add3A_1309 = vector.broadcast %add3A_1308 : i32 to vector<16xi32>
    %add3A_1310 = arith.addi %iota3A, %add3A_1309 : vector<16xi32>
    tpu.vector_store_idx %arg6[%get3A_1307, %add3A_1310], %broadcast_in_dim3A_35 : memref<256x128xf32, #tpu.memory_space<vmem>>[vector<16xi32>, vector<16xi32>], vector<16xf32>,
    %get3A_1311 = arith.constant 1632 : index
    %get3A_1312 = tpu.vector_load %arg5[%get3A_1311] {strides = array<i32>} : memref<2048xi32, #tpu.memory_space<vmem>>, vector<16xi32>,
    %add3A_1313 = arith.constant 96 : i32
    %add3A_1314 = vector.broadcast %add3A_1313 : i32 to vector<16xi32>
    %add3A_1315 = arith.addi %iota3A, %add3A_1314 : vector<16xi32>
    tpu.vector_store_idx %arg6[%get3A_1312, %add3A_1315], %broadcast_in_dim3A_35 : memref<256x128xf32, #tpu.memory_space<vmem>>[vector<16xi32>, vector<16xi32>], vector<16xf32>,
    %get3A_1316 = arith.constant 1648 : index
    %get3A_1317 = tpu.vector_load %arg5[%get3A_1316] {strides = array<i32>} : memref<2048xi32, #tpu.memory_space<vmem>>, vector<16xi32>,
    %add3A_1318 = arith.constant 112 : i32
    %add3A_1319 = vector.broadcast %add3A_1318 : i32 to vector<16xi32>
    %add3A_1320 = arith.addi %iota3A, %add3A_1319 : vector<16xi32>
    tpu.vector_store_idx %arg6[%get3A_1317, %add3A_1320], %broadcast_in_dim3A_35 : memref<256x128xf32, #tpu.memory_space<vmem>>[vector<16xi32>, vector<16xi32>], vector<16xf32>,
    %get3A_1321 = arith.constant 1920 : index
    %get3A_1322 = tpu.vector_load %arg5[%get3A_1321] {strides = array<i32>} : memref<2048xi32, #tpu.memory_space<vmem>>, vector<16xi32>,
    %add3A_1323 = arith.constant 0 : i32
    %add3A_1324 = vector.broadcast %add3A_1323 : i32 to vector<16xi32>
    %add3A_1325 = arith.addi %iota3A, %add3A_1324 : vector<16xi32>
    tpu.vector_store_idx %arg6[%get3A_1322, %add3A_1325], %broadcast_in_dim3A_33 : memref<256x128xf32, #tpu.memory_space<vmem>>[vector<16xi32>, vector<16xi32>], vector<16xf32>,
    %get3A_1326 = arith.constant 1936 : index
    %get3A_1327 = tpu.vector_load %arg5[%get3A_1326] {strides = array<i32>} : memref<2048xi32, #tpu.memory_space<vmem>>, vector<16xi32>,
    %add3A_1328 = arith.constant 16 : i32
    %add3A_1329 = vector.broadcast %add3A_1328 : i32 to vector<16xi32>
    %add3A_1330 = arith.addi %iota3A, %add3A_1329 : vector<16xi32>
    tpu.vector_store_idx %arg6[%get3A_1327, %add3A_1330], %broadcast_in_dim3A_33 : memref<256x128xf32, #tpu.memory_space<vmem>>[vector<16xi32>, vector<16xi32>], vector<16xf32>,
    %get3A_1331 = arith.constant 1952 : index
    %get3A_1332 = tpu.vector_load %arg5[%get3A_1331] {strides = array<i32>} : memref<2048xi32, #tpu.memory_space<vmem>>, vector<16xi32>,
    %add3A_1333 = arith.constant 32 : i32
    %add3A_1334 = vector.broadcast %add3A_1333 : i32 to vector<16xi32>
    %add3A_1335 = arith.addi %iota3A, %add3A_1334 : vector<16xi32>
    tpu.vector_store_idx %arg6[%get3A_1332, %add3A_1335], %broadcast_in_dim3A_33 : memref<256x128xf32, #tpu.memory_space<vmem>>[vector<16xi32>, vector<16xi32>], vector<16xf32>,
    %get3A_1336 = arith.constant 1968 : index
    %get3A_1337 = tpu.vector_load %arg5[%get3A_1336] {strides = array<i32>} : memref<2048xi32, #tpu.memory_space<vmem>>, vector<16xi32>,
    %add3A_1338 = arith.constant 48 : i32
    %add3A_1339 = vector.broadcast %add3A_1338 : i32 to vector<16xi32>
    %add3A_1340 = arith.addi %iota3A, %add3A_1339 : vector<16xi32>
    tpu.vector_store_idx %arg6[%get3A_1337, %add3A_1340], %broadcast_in_dim3A_33 : memref<256x128xf32, #tpu.memory_space<vmem>>[vector<16xi32>, vector<16xi32>], vector<16xf32>,
    %get3A_1341 = arith.constant 1984 : index
    %get3A_1342 = tpu.vector_load %arg5[%get3A_1341] {strides = array<i32>} : memref<2048xi32, #tpu.memory_space<vmem>>, vector<16xi32>,
    %add3A_1343 = arith.constant 64 : i32
    %add3A_1344 = vector.broadcast %add3A_1343 : i32 to vector<16xi32>
    %add3A_1345 = arith.addi %iota3A, %add3A_1344 : vector<16xi32>
    tpu.vector_store_idx %arg6[%get3A_1342, %add3A_1345], %broadcast_in_dim3A_33 : memref<256x128xf32, #tpu.memory_space<vmem>>[vector<16xi32>, vector<16xi32>], vector<16xf32>,
    %get3A_1346 = arith.constant 2000 : index
    %get3A_1347 = tpu.vector_load %arg5[%get3A_1346] {strides = array<i32>} : memref<2048xi32, #tpu.memory_space<vmem>>, vector<16xi32>,
    %add3A_1348 = arith.constant 80 : i32
    %add3A_1349 = vector.broadcast %add3A_1348 : i32 to vector<16xi32>
    %add3A_1350 = arith.addi %iota3A, %add3A_1349 : vector<16xi32>
    tpu.vector_store_idx %arg6[%get3A_1347, %add3A_1350], %broadcast_in_dim3A_33 : memref<256x128xf32, #tpu.memory_space<vmem>>[vector<16xi32>, vector<16xi32>], vector<16xf32>,
    %get3A_1351 = arith.constant 2016 : index
    %get3A_1352 = tpu.vector_load %arg5[%get3A_1351] {strides = array<i32>} : memref<2048xi32, #tpu.memory_space<vmem>>, vector<16xi32>,
    %add3A_1353 = arith.constant 96 : i32
    %add3A_1354 = vector.broadcast %add3A_1353 : i32 to vector<16xi32>
    %add3A_1355 = arith.addi %iota3A, %add3A_1354 : vector<16xi32>
    tpu.vector_store_idx %arg6[%get3A_1352, %add3A_1355], %broadcast_in_dim3A_33 : memref<256x128xf32, #tpu.memory_space<vmem>>[vector<16xi32>, vector<16xi32>], vector<16xf32>,
    %get3A_1356 = arith.constant 2032 : index
    %get3A_1357 = tpu.vector_load %arg5[%get3A_1356] {strides = array<i32>} : memref<2048xi32, #tpu.memory_space<vmem>>, vector<16xi32>,
    %add3A_1358 = arith.constant 112 : i32
    %add3A_1359 = vector.broadcast %add3A_1358 : i32 to vector<16xi32>
    %add3A_1360 = arith.addi %iota3A, %add3A_1359 : vector<16xi32>
    tpu.vector_store_idx %arg6[%get3A_1357, %add3A_1360], %broadcast_in_dim3A_33 : memref<256x128xf32, #tpu.memory_space<vmem>>[vector<16xi32>, vector<16xi32>], vector<16xf32>,
    %mul3A_1361 = arith.constant 256 : i32
    %mul3A_1362 = arith.muli %select_n3A, %mul3A_1361 : i32
    %add3A_1363 = arith.constant 1920 : i32
    %add3A_1364 = arith.addi %select_n3A_32, %add3A_1363 : i32
    %dma_start3A_1365 = tpu.memref_slice %arg4[%mul3A_1362, %add3A_1364] : memref<2048x8192xf32, #tpu.memory_space<hbm>> -> memref<256x128xf32, #tpu.memory_space<hbm>>
    %dma_start3A_1366 = tpu.memref_slice %arg4[%mul3A_1362, %add3A_1364] : memref<2048x8192xf32, #tpu.memory_space<hbm>> -> memref<256x128xf32, #tpu.memory_space<hbm>>
    tpu.enqueue_dma source(%arg6 : memref<256x128xf32, #tpu.memory_space<vmem>>) target(%dma_start3A_1366 : memref<256x128xf32, #tpu.memory_space<hbm>>) target_semaphore(%arg9 : memref<!tpu.dma_semaphore, #tpu.memory_space<semaphore_mem>>)
    %mul3A_1367 = arith.constant 256 : i32
    %mul3A_1368 = arith.muli %select_n3A, %mul3A_1367 : i32
    %add3A_1369 = arith.constant 1664 : i32
    %add3A_1370 = arith.addi %select_n3A_32, %add3A_1369 : i32
    %dma_wait3A_1371 = tpu.memref_slice %arg4[%mul3A_1368, %add3A_1370] : memref<2048x8192xf32, #tpu.memory_space<hbm>> -> memref<256x128xf32, #tpu.memory_space<hbm>>
    %dma_wait3A_1372 = tpu.memref_slice %arg4[%mul3A_1368, %add3A_1370] : memref<2048x8192xf32, #tpu.memory_space<hbm>> -> memref<256x128xf32, #tpu.memory_space<hbm>>
    tpu.wait_dma2 semaphore(%arg10 : memref<!tpu.dma_semaphore, #tpu.memory_space<semaphore_mem>>) src(%arg7 : memref<256x128xf32, #tpu.memory_space<vmem>>) dst(%dma_wait3A_1372 : memref<256x128xf32, #tpu.memory_space<hbm>>)
    %mul3A_1373 = arith.constant 256 : i32
    %mul3A_1374 = arith.muli %select_n3A, %mul3A_1373 : i32
    %add3A_1375 = arith.constant 1792 : i32
    %add3A_1376 = arith.addi %select_n3A_32, %add3A_1375 : i32
    %dma_wait3A_1377 = tpu.memref_slice %arg4[%mul3A_1374, %add3A_1376] : memref<2048x8192xf32, #tpu.memory_space<hbm>> -> memref<256x128xf32, #tpu.memory_space<hbm>>
    %dma_wait3A_1378 = tpu.memref_slice %arg4[%mul3A_1374, %add3A_1376] : memref<2048x8192xf32, #tpu.memory_space<hbm>> -> memref<256x128xf32, #tpu.memory_space<hbm>>
    tpu.wait_dma2 semaphore(%arg11 : memref<!tpu.dma_semaphore, #tpu.memory_space<semaphore_mem>>) src(%arg8 : memref<256x128xf32, #tpu.memory_space<vmem>>) dst(%dma_wait3A_1378 : memref<256x128xf32, #tpu.memory_space<hbm>>)
    %mul3A_1379 = arith.constant 256 : i32
    %mul3A_1380 = arith.muli %select_n3A, %mul3A_1379 : i32
    %add3A_1381 = arith.constant 1920 : i32
    %add3A_1382 = arith.addi %select_n3A_32, %add3A_1381 : i32
    %dma_wait3A_1383 = tpu.memref_slice %arg4[%mul3A_1380, %add3A_1382] : memref<2048x8192xf32, #tpu.memory_space<hbm>> -> memref<256x128xf32, #tpu.memory_space<hbm>>
    %dma_wait3A_1384 = tpu.memref_slice %arg4[%mul3A_1380, %add3A_1382] : memref<2048x8192xf32, #tpu.memory_space<hbm>> -> memref<256x128xf32, #tpu.memory_space<hbm>>
    tpu.wait_dma2 semaphore(%arg9 : memref<!tpu.dma_semaphore, #tpu.memory_space<semaphore_mem>>) src(%arg6 : memref<256x128xf32, #tpu.memory_space<vmem>>) dst(%dma_wait3A_1384 : memref<256x128xf32, #tpu.memory_space<hbm>>)
    return
  }
}

</mosaic_0001>

<sc_bundles>
// kernel: kernel.3.cloned.1.call-start
scs
__scs_entry_jumppad:
0x0: {  	(pc) =	sbr.rel $0x88, $3  }
0x1: {  	(tag) =	ssettag $0x0;
	lr =	simm.s32 $0x1  }
0x2: {  	[smem:$0x3FA0] =	sst lr;
	_ =	strace $0xD0000000  }
0x3: {  	_ = 	snop  }
0x4: {  	_ = 	snop  }
0x5: {  	_ = 	snop  }
0x6: {  	_ = 	snop  }
0x7: {  	_ = 	snop  }
__scs_overlays_trampoline_lowered:
0x8: {  	[smem:$0x3FAF] =	sst s0  }
0x9: {  	[smem:$0x3FB0] =	sst s1  }
0xa: {  	[smem:$0x3FB1] =	sst s2  }
0xb: {  	[smem:$0x3FB2] =	sst s3  }
0xc: {  	[smem:$0x3FB3] =	sst s4  }
0xd: {  	[smem:$0x3FB4] =	sst s5  }
0xe: {  	[smem:$0x3FB5] =	sst s6  }
0xf: {  	[smem:$0x3FB6] =	sst s7  }
0x10: {  	[smem:$0x3FB7] =	sst s8  }
0x11: {  	[smem:$0x3FB8] =	sst s9;
	s0 =	simm.s32 @!p0 $0x0  }
0x12: {  	s1 =	sld [smem:$0x3F9E];
	s0 =	simm.s32 @p0 $0x1  }
0x13: {  	[smem:$0x3FB9] =	sst s0;
	s0 =	simm.s32 @!p1 $0x0  }
0x14: {  	s2 =	sld [smem:$0x3F9D];
	s0 =	simm.s32 @p1 $0x1  }
0x15: {  	[smem:$0x3FBA] =	sst s0;
	s0 =	simm.s32 @!p2 $0x0  }
0x16: {  	s3 =	sld [smem:$0x3FDB];
	s0 =	simm.s32 @p2 $0x1  }
0x17: {  	s4 =	simm.s32 $0x1BF5;
	[smem:$0x3FBC] =	sst s0  }
0x18: {  	s0 =	sld [smem:$0x3F9F];
	_ =	swait.ge [sflag:s4], $0x0  }
0x19: {  	s7 =	sld [smem:$0x3FA0]  }
0x1a: {  	s8 =	sadd.s32 $0xFFFFE003, lr  }
0x1b: {  	s9 =	sadd.s32 $0xFFFFFEF7, lr;
	s5 =	simm.s32 $0xFFFFFFFF;
	p2 =	slt.u32 s8, $0xFFFFF086  }
0x1c: {  	p1 =	slt.u32 s9, $0xF7A;
	s5 =	simm.s32 @!p2 $0x0  }
0x1d: {  	s5 =	simm.s32 @p1 $0x1;
	p0 =	seq.s32 s7, s2  }
0x1e: {  	s7 =	smul.u32 @!p0 $0xF7A, s2;
	p2 =	seq.s32 @!p0 s5, $0x0  }
0x1f: {  	s9 =	smul.u32 $0xF7A, s1;
	s8 =	simm.s32 @!p0 $0x1BF5;
	p2 =	por !p2, p0  }
0x20: {  	[sflag:s8] =	ssyncset.s32 @!p0 $0xFFFFF086;
	s6 =	sadd.s32 @!p0 s3, s7;
	s7 =	simm.s32 @!p0 $0x108  }
0x21: {  	s3 =	sadd.s32 s3, s9;
	s6 =	sadd.s32 @!p0 $0x88, s6;
	s7 =	simm.s32 @p2 $0x1082  }
0x22: {  	[simem:s7], [sflag:s8] =	dma.local @!p0 [hbm:s6], $0xF7A  }
0x23: {  	s9 =	sor.u32 $0xD0000000, s2;
	s6 =	simm.s32 $0x108;
	_ =	swait.ge @!p0 [sflag:s8], $0x0  }
0x24: {  	s3 =	sadd.s32 $0x88, s3;
	s6 =	simm.s32 @!p1 $0x1082;
	[sflag:s4] =	ssyncset.s32 $0xFFFFF086  }
0x25: {  	[simem:s6], [sflag:s4] =	dma.local [hbm:s3], $0xF7A  }
0x26: {  	[smem:$0x3FA0] =	sst s1;
	(tag) =	ssettag s2;
	_ =	strace s9  }
0x27: {  	s1 =	sld [smem:$0x3FB0]  }
0x28: {  	s2 =	sld [smem:$0x3FB1]  }
0x29: {  	s4 =	sld [smem:$0x3FB3]  }
0x2a: {  	p0 =	seq.s32 s5, $0x0;
	s5 =	sld [smem:$0x3FB4]  }
0x2b: {  	s6 =	sld [smem:$0x3FB5]  }
0x2c: {  	s7 =	sld [smem:$0x3FB6]  }
0x2d: {  	s3 =	simm.s32 $0x108;
	s8 =	sld [smem:$0x3FB7]  }
0x2e: {  	s3 =	simm.s32 @!p0 $0x1082;
	s9 =	sld [smem:$0x3FB8]  }
0x2f: {  	lr =	sadd.s32 s0, s3;
	s0 =	sld [smem:$0x3FAF]  }
0x30: {  	s3 =	sld [smem:$0x3FB2]  }
0x31: {  	[smem:$0x3FBB] =	sst s10  }
0x32: {  	s10 =	sld [smem:$0x3FB9];
	_ =	sdelay $0x3  }
0x33: {  	p0 =	seq.s32 s10, $0x1;
	s10 =	sld [smem:$0x3FBB];
	_ =	sdelay $0x3  }
0x34: {  	[smem:$0x3FBB] =	sst s10  }
0x35: {  	s10 =	sld [smem:$0x3FBA];
	_ =	sdelay $0x3  }
0x36: {  	p1 =	seq.s32 s10, $0x1;
	s10 =	sld [smem:$0x3FBB];
	_ =	sdelay $0x3  }
0x37: {  	[smem:$0x3FBB] =	sst s10  }
0x38: {  	s10 =	sld [smem:$0x3FBC]  }
0x39: {  	_ = 	snop;
	(pc) =	sbr.ind lr, $3  }
0x3a: {  	_ = 	snop  }
0x3b: {  	_ = 	snop  }
0x3c: {  	p2 =	seq.s32 s10, $0x1;
	s10 =	sld [smem:$0x3FBB]  }
0x3d: {  	_ =	shalt  }
0x3e: {  	_ =	shalt  }
0x3f: {  	_ =	shalt  }
0x40: {  	_ =	shalt  }
0x41: {  	_ =	shalt  }
0x42: {  	_ =	shalt  }
0x43: {  	_ =	shalt  }
0x44: {  	_ =	shalt  }
0x45: {  	_ =	shalt  }
0x46: {  	_ =	shalt  }
0x47: {  	_ =	shalt  }
0x48: {  	_ =	shalt  }
0x49: {  	_ =	shalt  }
0x4a: {  	_ =	shalt  }
0x4b: {  	_ =	shalt  }
0x4c: {  	_ =	shalt  }
0x4d: {  	_ =	shalt  }
0x4e: {  	_ =	shalt  }
0x4f: {  	_ =	shalt  }
0x50: {  	_ =	shalt  }
0x51: {  	_ =	shalt  }
0x52: {  	_ =	shalt  }
0x53: {  	_ =	shalt  }
0x54: {  	_ =	shalt  }
0x55: {  	_ =	shalt  }
0x56: {  	_ =	shalt  }
0x57: {  	_ =	shalt  }
0x58: {  	_ =	shalt  }
0x59: {  	_ =	shalt  }
0x5a: {  	_ =	shalt  }
0x5b: {  	_ =	shalt  }
0x5c: {  	_ =	shalt  }
0x5d: {  	_ =	shalt  }
0x5e: {  	_ =	shalt  }
0x5f: {  	_ =	shalt  }
0x60: {  	_ =	shalt  }
0x61: {  	_ =	shalt  }
0x62: {  	_ =	shalt  }
0x63: {  	_ =	shalt  }
0x64: {  	_ =	shalt  }
0x65: {  	_ =	shalt  }
0x66: {  	_ =	shalt  }
0x67: {  	_ =	shalt  }
0x68: {  	_ =	shalt  }
0x69: {  	_ =	shalt  }
0x6a: {  	_ =	shalt  }
0x6b: {  	_ =	shalt  }
0x6c: {  	_ =	shalt  }
0x6d: {  	_ =	shalt  }
0x6e: {  	_ =	shalt  }
0x6f: {  	_ =	shalt  }
0x70: {  	_ =	shalt  }
0x71: {  	_ =	shalt  }
0x72: {  	_ =	shalt  }
0x73: {  	_ =	shalt  }
0x74: {  	_ =	shalt  }
0x75: {  	_ =	shalt  }
0x76: {  	_ =	shalt  }
0x77: {  	_ =	shalt  }
0x78: {  	_ =	shalt  }
0x79: {  	_ =	shalt  }
0x7a: {  	_ =	shalt  }
0x7b: {  	_ =	shalt  }
0x7c: {  	_ =	shalt  }
0x7d: {  	_ =	shalt  }
0x7e: {  	_ =	shalt  }
0x7f: {  	_ =	shalt  }
0x80: {  	_ =	shalt  }
0x81: {  	_ =	shalt  }
0x82: {  	_ =	shalt  }
0x83: {  	_ =	shalt  }
0x84: {  	_ =	shalt  }
0x85: {  	_ =	shalt  }
0x86: {  	_ =	shalt  }
0x87: {  	_ =	shalt  }
.Lfunc_end0:
.L_simem_size_0:
called_computation_lowered:
.L_overlay_start_0:
0x88: {  	s2 =	sld [smem:$0x3FD9]  }
0x89: {  	s3 =	sld [smem:$0x3FFE];
	_ =	sdelay $0x1  }
0x8a: {  	s1 =	srdreg.scid  }
0x8b: {  	s0 =	sand.u32 $0x1, s1  }
0x8c: {  	s17 =	sshll.u32 s0, $0xA;
	s2 =	sadd.s32 s3, s2  }
0x8d: {  	s2 =	sadd.s32 s2, s17  }
0x8e: {  	[smem:$0x3FC7] =	sst s2  }
0x8f: {  	_ = 	snop  }
0x90: {  	s2 =	sld [smem:$0x3FD0];
	(tm) =	ssettm $0x1  }
0x91: {  	s18 =	sld [smem:$0x3FFB];
	_ =	sdelay $0x3  }
0x92: {  	_ =	strace s18  }
0x93: {  	s3 =	sld [smem:$0x3FFC];
	_ =	sdelay $0x3  }
0x94: {  	_ =	strace s3  }
0x95: {  	s3 =	sld [smem:$0x3FFD];
	_ =	sdelay $0x3  }
0x96: {  	_ =	strace s3  }
0x97: {  	_ =	strace $0x8FFFFFFF  }
0x98: {  	s19 =	sld [smem:$0x3FDB];
	_ =	sdelay $0x1  }
0x99: {  	s4 =	simm.s32 $_scs_section_size  }
0x9a: {  	s5 =	simm.s32 $_size__tile_overlayer_lowered;
	s6 =	simm.s32 $_tile_overlayer_lowered  }
0x9b: {  	s22 =	simm.s32 $0x1BFF;
	s21 =	sshll.u32 s6, $0x1;
	s3 =	sadd.s32 s4, s19  }
0x9c: {  	s7 =	simm.s32 $0x0;
	s20 =	sshll.u32 s5, $0x1;
	s5 =	sadd.s32 s21, s3  }
0x9d: {  	[timem:s7], [sflag:s22] =	dma.local [hbm:s5], s20  }
0x9e: {  	_ =	swait.ge [sflag:s22], s20  }
0x9f: {  	s4 =	ssub.s32 $0x0, s20;
	[sflag:s22] =	ssyncset.done $0x0  }
0xa0: {  	[sflag:s22] =	ssyncadd.s32 s4;
	_ =	sdelay $0x1  }
0xa1: {  	s23 =	simm.s32 $0x1B8B  }
0xa2: {  	_ =	swait.ge [sflag:s23], $0x1  }
0xa3: {  	[sflag:s23] =	ssyncset.done $0x0  }
0xa4: {  	s25 =	simm.s32 $0x1B8E;
	s24 =	sld [smem:$0x3FFE];
	[sflag:s23] =	ssyncadd.s32 $0xFFFFFFFF  }
0xa5: {  	s26 =	simm.s32 $execute0_lowered;
	[smem:$0x3FD2] =	sst s25  }
0xa6: {  	s5 =	sshll.u32 s26, $0x1;
	_ =	strace $0x80000046;
	[dreg:$0x1] =	wrdreg $0xFFFFFFFF  }
0xa7: {  	s28 =	simm.s32 $_size_execute0_lowered;
	s3 =	sadd.s32 s3, s5;
	[dreg:$0x0] =	wrdreg $0x0  }
0xa8: {  	s5 =	sshll.u32 s28, $0x1;
	[dreg:$0x2] =	wrdreg s3  }
0xa9: {  	[dreg:$0x3] =	wrdreg s5  }
0xaa: {  	[dreg:$0x4] =	wrdreg $0xC0  }
0xab: {  	_ =	task [dreg:s7], $0x5FFFF  }
0xac: {  	[dreg:$0x1] =	wrdreg $0xFFFFFFFF  }
0xad: {  	[dreg:$0x0] =	wrdreg $0x60  }
0xae: {  	[dreg:$0x2] =	wrdreg s24  }
0xaf: {  	[dreg:$0x3] =	wrdreg s2  }
0xb0: {  	[dreg:$0x4] =	wrdreg $0x9  }
0xb1: {  	_ =	task.clear_ibuf [dreg:s7], $0x5FFFF;
	_ =	strace $0x90000046  }
0xb2: {  	s29 =	simm.s32 $0x9;
	_ =	strace $0x80000048  }
0xb3: {  	_ =	swait.ge [sflag:s29], $0x1  }
0xb4: {  	[sflag:s29] =	ssyncadd.s32 $0xFFFFFFFF  }
0xb5: {  	_ =	strace $0x90000048  }
0xb6: {  	_ =	sfence  }
0xb7: {  	s30 =	sld [smem:$0x0];
	_ =	sdelay $0x2  }
0xb8: {  	s31 =	sshll.u32 s1, $0xD;
	s1 =	sshrl.u32 s1, $0x2  }
0xb9: {  	s3 =	sand.u32 $0x4000, s31;
	s1 =	sadd.s32 s1, s30  }
0xba: {  	s0 =	sor.u32 s3, s0;
	s1 =	sshll.u32 s1, $0x11  }
0xbb: {  	s0 =	sor.u32 s1, s0  }
0xbc: {  	s0 =	sadd.s32 $0x8F2B, s0  }
0xbd: {  	[sflag:s0] =	ssyncadd.remote.s32 $0x1  }
0xbe: {  	_ =	sfence.sel $0xFFFF  }
0xbf: {  	[dreg:$0x0] =	wrdreg $0xFFFFFFFF;
	(pc) =	sbr.abs _section_cstart, $3  }
0xc0: {  	[dreg:$0x1] =	wrdreg $0xFFFFFFFF  }
0xc1: {  	_ =	task.clear_ibuf [dreg:s7], $0x2FFFF;
	_ =	strace $0x9FFFFFFF  }
0xc2: {  	(tm) =	ssettm $0x7FFFFFFF  }
0xc3: {  	_ =	shalt  }
tec
execute0_lowered:
.L_overlay_start_1:
0x0: {  	(tag) =	ssettag $0x1  }
0x1: {  	s1 =	srdreg.scid  }
0x2: {  	s3 =	rddreg [dreg:$0x0];
	s0 =	stileid.u32  }
0x3: {  	s5 =	rddreg [dreg:$0x1];
	s2 =	simm.s32 $0x0;
	s22 =	simm.s32 $0x4  }
0x4: {  	s23 =	simm.s32 $0x800;
	s24 =	simm.s32 $0x8800;
	s25 =	simm.s32 $0x10800  }
0x5: {  	s26 =	simm.s32 $0x400;
	s28 =	simm.s32 $0x10000;
	s29 =	simm.s32 $0x1  }
0x6: {  	s30 =	simm.s32 $0x2;
	s4 =	sand.u32 $0x1, s1;
	s1 =	rddreg [dreg:$0x2]  }
0x7: {  	s31 =	simm.s32 $0x3;
	s6 =	sshll.u32 s0, $0xC;
	[smem:$0x7FF] =	sst s2  }
0x8: {  	s8 =	sshll.u32 s0, $0x11;
	s7 =	sshll.u32 s4, $0xB;
	_ =	strace $0x80000047  }
0x9: {  	s4 =	ssub.s32 $0x2, s4;
	s8 =	sand.u32 $0x1C0000, s8;
	s6 =	sor.u32 s7, s6  }
0xa: {  	s9 =	sshrl.u32 s4, $0x1;
	s7 =	sshrl.u32 s6, $0x3;
	s6 =	sand.u32 $0x1800, s6  }
0xb: {  	s21 =	ssub.s32 s4, s9;
	s7 =	sadd.s32 s7, s3;
	s3 =	sadd.s32 $0x2400, s3  }
0xc: {  	s10 =	sor.u32 s6, s8;
	s6 =	sadd.s32 s5, s6;
	s21 =	smax.u32 s21, $0x1  }
0xd: {  	s20 =	sadd.s32 s10, s5;
	s4 =	sadd.s32 $0x400, s7;
	s5 =	sadd.s32 s8, s6  }
0xe: {  	s6 =	sadd.s32 $0x80, s20;
	s7 =	sadd.s32 $0x100, s20;
	s8 =	sadd.s32 $0x180, s20  }
0xf: {  	v0 =	vlaneseq.u32;
	s9 =	sadd.s32 $0x200, s20;
	s10 =	sadd.s32 $0x280, s20;
	s11 =	sadd.s32 $0x300, s20  }
0x10: {  	v1 =	vimm.f32 $1.000000000e+00;
	v9 =	vimm.f32 $0.0e+00;
	v2 =	vor.u32 $0x10, v0;
	s12 =	sadd.s32 $0x380, s20;
	s13 =	sadd.s32 $0x400, s20;
	s14 =	sadd.s32 $0x480, s20  }
0x11: {  	v3 =	vor.u32 $0x20, v0;
	v4 =	vor.u32 $0x30, v0;
	v5 =	vor.u32 $0x40, v0;
	s15 =	sadd.s32 $0x500, s20;
	s16 =	sadd.s32 $0x580, s20;
	s17 =	sadd.s32 $0x600, s20  }
0x12: {  	v6 =	vor.u32 $0x50, v0;
	v7 =	vor.u32 $0x60, v0;
	v8 =	vor.u32 $0x70, v0;
	s18 =	sadd.s32 $0x680, s20;
	s19 =	sadd.s32 $0x700, s20;
	s20 =	sadd.s32 $0x780, s20  }
.LBB2_1:
0x13: {  	[tilespmem:s2], [sflag:$0x4] =	stream.linear.gather [hbm4b:s4+s2], $0x800, $0x38;
	[tilespmem:$0x18800] =	vst v63  }
0x14: {  	_ =	swait.ge [sflag:s22], $0x800  }
0x15: {  	[sflag:s22] =	ssyncset.done $0x0  }
0x16: {  	[sflag:s22] =	ssyncadd.s32 $0xFFFFF800  }
0x17: {  	[tilespmem:s23], [sflag:$0x4] =	stream.linear.gather [hbm4b:s3+s2], $0x8000, $0x38;
	[tilespmem:$0x18800] =	vst v63  }
0x18: {  	_ =	swait.ge [sflag:s22], $0x8000  }
0x19: {  	[sflag:s22] =	ssyncset.done $0x0  }
0x1a: {  	[sflag:s22] =	ssyncadd.s32 $0xFFFF8000  }
0x1b: {  	[tilespmem:s24], [sflag:$0x4] =	stream.linear.gather [hbm4b:s3+s2], $0x8000, $0x38;
	[tilespmem:$0x18800] =	vst v63  }
0x1c: {  	_ =	swait.ge [sflag:s22], $0x8000  }
0x1d: {  	[sflag:s22] =	ssyncset.done $0x0  }
0x1e: {  	[sflag:s22] =	ssyncadd.s32 $0xFFFF8000  }
0x1f: {  	[tilespmem:s25], [sflag:$0x4] =	stream.linear.gather [hbm4b:s3+s2], $0x8000, $0x38;
	[tilespmem:$0x18800] =	vst v63  }
0x20: {  	_ =	swait.ge [sflag:s22], $0x8000  }
0x21: {  	[sflag:s22] =	ssyncset.done $0x0  }
0x22: {  	[sflag:s22] =	ssyncadd.s32 $0xFFFF8000  }
0x23: {  	v10 =	vld [tilespmem:$0x0];
	_ =	sdelay $0x4  }
0x24: {  	v10 =	vshll.u32 v10, $0x7  }
0x25: {  	v10 =	vor.u32 v0, v10;
	_ =	sdelay $0x4  }
0x26: {  	[tilespmem:v10+s23+$0x0] =	vst.idx.msk $0xffff, v1  }
0x27: {  	v10 =	vld [tilespmem:$0x10];
	_ =	sdelay $0x4  }
0x28: {  	v10 =	vshll.u32 v10, $0x7  }
0x29: {  	v10 =	vor.u32 v2, v10;
	_ =	sdelay $0x4  }
0x2a: {  	[tilespmem:v10+s23+$0x0] =	vst.idx.msk $0xffff, v1  }
0x2b: {  	v10 =	vld [tilespmem:$0x20];
	_ =	sdelay $0x4  }
0x2c: {  	v10 =	vshll.u32 v10, $0x7  }
0x2d: {  	v10 =	vor.u32 v3, v10;
	_ =	sdelay $0x4  }
0x2e: {  	[tilespmem:v10+s23+$0x0] =	vst.idx.msk $0xffff, v1  }
0x2f: {  	v10 =	vld [tilespmem:$0x30];
	_ =	sdelay $0x4  }
0x30: {  	v10 =	vshll.u32 v10, $0x7  }
0x31: {  	v10 =	vor.u32 v4, v10;
	_ =	sdelay $0x4  }
0x32: {  	[tilespmem:v10+s23+$0x0] =	vst.idx.msk $0xffff, v1  }
0x33: {  	v10 =	vld [tilespmem:$0x40];
	_ =	sdelay $0x4  }
0x34: {  	v10 =	vshll.u32 v10, $0x7  }
0x35: {  	v10 =	vor.u32 v5, v10;
	_ =	sdelay $0x4  }
0x36: {  	[tilespmem:v10+s23+$0x0] =	vst.idx.msk $0xffff, v1  }
0x37: {  	v10 =	vld [tilespmem:$0x50];
	_ =	sdelay $0x4  }
0x38: {  	v10 =	vshll.u32 v10, $0x7  }
0x39: {  	v10 =	vor.u32 v6, v10;
	_ =	sdelay $0x4  }
0x3a: {  	[tilespmem:v10+s23+$0x0] =	vst.idx.msk $0xffff, v1  }
0x3b: {  	v10 =	vld [tilespmem:$0x60];
	_ =	sdelay $0x4  }
0x3c: {  	v10 =	vshll.u32 v10, $0x7  }
0x3d: {  	v10 =	vor.u32 v7, v10;
	_ =	sdelay $0x4  }
0x3e: {  	[tilespmem:v10+s23+$0x0] =	vst.idx.msk $0xffff, v1  }
0x3f: {  	v10 =	vld [tilespmem:$0x70];
	_ =	sdelay $0x4  }
0x40: {  	v10 =	vshll.u32 v10, $0x7  }
0x41: {  	v10 =	vor.u32 v8, v10;
	_ =	sdelay $0x4  }
0x42: {  	[tilespmem:v10+s23+$0x0] =	vst.idx.msk $0xffff, v1  }
0x43: {  	[hbm4b:s5+s26] =	stream.strided.scatter [tilespmem:s23], [sflag:$0x1], $0x8000, s28, s26, $0x38;
	[tilespmem:$0x18800] =	vst v63  }
0x44: {  	v10 =	vld [tilespmem:$0x80];
	_ =	sdelay $0x4  }
0x45: {  	v10 =	vshll.u32 v10, $0x7  }
0x46: {  	v10 =	vor.u32 v0, v10;
	_ =	sdelay $0x4  }
0x47: {  	[tilespmem:v10+s24+$0x0] =	vst.idx.msk $0xffff, v1  }
0x48: {  	v10 =	vld [tilespmem:$0x90];
	_ =	sdelay $0x4  }
0x49: {  	v10 =	vshll.u32 v10, $0x7  }
0x4a: {  	v10 =	vor.u32 v2, v10;
	_ =	sdelay $0x4  }
0x4b: {  	[tilespmem:v10+s24+$0x0] =	vst.idx.msk $0xffff, v1  }
0x4c: {  	v10 =	vld [tilespmem:$0xA0];
	_ =	sdelay $0x4  }
0x4d: {  	v10 =	vshll.u32 v10, $0x7  }
0x4e: {  	v10 =	vor.u32 v3, v10;
	_ =	sdelay $0x4  }
0x4f: {  	[tilespmem:v10+s24+$0x0] =	vst.idx.msk $0xffff, v1  }
0x50: {  	v10 =	vld [tilespmem:$0xB0];
	_ =	sdelay $0x4  }
0x51: {  	v10 =	vshll.u32 v10, $0x7  }
0x52: {  	v10 =	vor.u32 v4, v10;
	_ =	sdelay $0x4  }
0x53: {  	[tilespmem:v10+s24+$0x0] =	vst.idx.msk $0xffff, v1  }
0x54: {  	v10 =	vld [tilespmem:$0xC0];
	_ =	sdelay $0x4  }
0x55: {  	v10 =	vshll.u32 v10, $0x7  }
0x56: {  	v10 =	vor.u32 v5, v10;
	_ =	sdelay $0x4  }
0x57: {  	[tilespmem:v10+s24+$0x0] =	vst.idx.msk $0xffff, v1  }
0x58: {  	v10 =	vld [tilespmem:$0xD0];
	_ =	sdelay $0x4  }
0x59: {  	v10 =	vshll.u32 v10, $0x7  }
0x5a: {  	v10 =	vor.u32 v6, v10;
	_ =	sdelay $0x4  }
0x5b: {  	[tilespmem:v10+s24+$0x0] =	vst.idx.msk $0xffff, v1  }
0x5c: {  	v10 =	vld [tilespmem:$0xE0];
	_ =	sdelay $0x4  }
0x5d: {  	v10 =	vshll.u32 v10, $0x7  }
0x5e: {  	v10 =	vor.u32 v7, v10;
	_ =	sdelay $0x4  }
0x5f: {  	[tilespmem:v10+s24+$0x0] =	vst.idx.msk $0xffff, v1  }
0x60: {  	v10 =	vld [tilespmem:$0xF0];
	_ =	sdelay $0x4  }
0x61: {  	v10 =	vshll.u32 v10, $0x7  }
0x62: {  	v10 =	vor.u32 v8, v10;
	_ =	sdelay $0x4  }
0x63: {  	[tilespmem:v10+s24+$0x0] =	vst.idx.msk $0xffff, v1  }
0x64: {  	[hbm4b:s6+s26] =	stream.strided.scatter [tilespmem:s24], [sflag:$0x2], $0x8000, s28, s26, $0x38;
	[tilespmem:$0x18800] =	vst v63  }
0x65: {  	v10 =	vld [tilespmem:$0x100];
	_ =	sdelay $0x4  }
0x66: {  	v10 =	vshll.u32 v10, $0x7  }
0x67: {  	v10 =	vor.u32 v0, v10;
	_ =	sdelay $0x4  }
0x68: {  	[tilespmem:v10+s25+$0x0] =	vst.idx.msk $0xffff, v1  }
0x69: {  	v10 =	vld [tilespmem:$0x110];
	_ =	sdelay $0x4  }
0x6a: {  	v10 =	vshll.u32 v10, $0x7  }
0x6b: {  	v10 =	vor.u32 v2, v10;
	_ =	sdelay $0x4  }
0x6c: {  	[tilespmem:v10+s25+$0x0] =	vst.idx.msk $0xffff, v1  }
0x6d: {  	v10 =	vld [tilespmem:$0x120];
	_ =	sdelay $0x4  }
0x6e: {  	v10 =	vshll.u32 v10, $0x7  }
0x6f: {  	v10 =	vor.u32 v3, v10;
	_ =	sdelay $0x4  }
0x70: {  	[tilespmem:v10+s25+$0x0] =	vst.idx.msk $0xffff, v1  }
0x71: {  	v10 =	vld [tilespmem:$0x130];
	_ =	sdelay $0x4  }
0x72: {  	v10 =	vshll.u32 v10, $0x7  }
0x73: {  	v10 =	vor.u32 v4, v10;
	_ =	sdelay $0x4  }
0x74: {  	[tilespmem:v10+s25+$0x0] =	vst.idx.msk $0xffff, v1  }
0x75: {  	v10 =	vld [tilespmem:$0x140];
	_ =	sdelay $0x4  }
0x76: {  	v10 =	vshll.u32 v10, $0x7  }
0x77: {  	v10 =	vor.u32 v5, v10;
	_ =	sdelay $0x4  }
0x78: {  	[tilespmem:v10+s25+$0x0] =	vst.idx.msk $0xffff, v1  }
0x79: {  	v10 =	vld [tilespmem:$0x150];
	_ =	sdelay $0x4  }
0x7a: {  	v10 =	vshll.u32 v10, $0x7  }
0x7b: {  	v10 =	vor.u32 v6, v10;
	_ =	sdelay $0x4  }
0x7c: {  	[tilespmem:v10+s25+$0x0] =	vst.idx.msk $0xffff, v1  }
0x7d: {  	v10 =	vld [tilespmem:$0x160];
	_ =	sdelay $0x4  }
0x7e: {  	v10 =	vshll.u32 v10, $0x7  }
0x7f: {  	v10 =	vor.u32 v7, v10;
	_ =	sdelay $0x4  }
0x80: {  	[tilespmem:v10+s25+$0x0] =	vst.idx.msk $0xffff, v1  }
0x81: {  	v10 =	vld [tilespmem:$0x170];
	_ =	sdelay $0x4  }
0x82: {  	v10 =	vshll.u32 v10, $0x7  }
0x83: {  	v10 =	vor.u32 v8, v10;
	_ =	sdelay $0x4  }
0x84: {  	[tilespmem:v10+s25+$0x0] =	vst.idx.msk $0xffff, v1  }
0x85: {  	[hbm4b:s7+s26] =	stream.strided.scatter [tilespmem:s25], [sflag:$0x3], $0x8000, s28, s26, $0x38;
	[tilespmem:$0x18800] =	vst v63  }
0x86: {  	_ =	swait.ge [sflag:s29], $0x8000  }
0x87: {  	[sflag:s29] =	ssyncset.done $0x0  }
0x88: {  	[sflag:s29] =	ssyncadd.s32 $0xFFFF8000  }
0x89: {  	v10 =	vld [tilespmem:$0x0];
	_ =	sdelay $0x4  }
0x8a: {  	v10 =	vshll.u32 v10, $0x7  }
0x8b: {  	v10 =	vor.u32 v0, v10;
	_ =	sdelay $0x4  }
0x8c: {  	[tilespmem:v10+s23+$0x0] =	vst.idx.msk $0xffff, v9  }
0x8d: {  	v10 =	vld [tilespmem:$0x10];
	_ =	sdelay $0x4  }
0x8e: {  	v10 =	vshll.u32 v10, $0x7  }
0x8f: {  	v10 =	vor.u32 v2, v10;
	_ =	sdelay $0x4  }
0x90: {  	[tilespmem:v10+s23+$0x0] =	vst.idx.msk $0xffff, v9  }
0x91: {  	v10 =	vld [tilespmem:$0x20];
	_ =	sdelay $0x4  }
0x92: {  	v10 =	vshll.u32 v10, $0x7  }
0x93: {  	v10 =	vor.u32 v3, v10;
	_ =	sdelay $0x4  }
0x94: {  	[tilespmem:v10+s23+$0x0] =	vst.idx.msk $0xffff, v9  }
0x95: {  	v10 =	vld [tilespmem:$0x30];
	_ =	sdelay $0x4  }
0x96: {  	v10 =	vshll.u32 v10, $0x7  }
0x97: {  	v10 =	vor.u32 v4, v10;
	_ =	sdelay $0x4  }
0x98: {  	[tilespmem:v10+s23+$0x0] =	vst.idx.msk $0xffff, v9  }
0x99: {  	v10 =	vld [tilespmem:$0x40];
	_ =	sdelay $0x4  }
0x9a: {  	v10 =	vshll.u32 v10, $0x7  }
0x9b: {  	v10 =	vor.u32 v5, v10;
	_ =	sdelay $0x4  }
0x9c: {  	[tilespmem:v10+s23+$0x0] =	vst.idx.msk $0xffff, v9  }
0x9d: {  	v10 =	vld [tilespmem:$0x50];
	_ =	sdelay $0x4  }
0x9e: {  	v10 =	vshll.u32 v10, $0x7  }
0x9f: {  	v10 =	vor.u32 v6, v10;
	_ =	sdelay $0x4  }
0xa0: {  	[tilespmem:v10+s23+$0x0] =	vst.idx.msk $0xffff, v9  }
0xa1: {  	v10 =	vld [tilespmem:$0x60];
	_ =	sdelay $0x4  }
0xa2: {  	v10 =	vshll.u32 v10, $0x7  }
0xa3: {  	v10 =	vor.u32 v7, v10;
	_ =	sdelay $0x4  }
0xa4: {  	[tilespmem:v10+s23+$0x0] =	vst.idx.msk $0xffff, v9  }
0xa5: {  	v10 =	vld [tilespmem:$0x70];
	_ =	sdelay $0x4  }
0xa6: {  	v10 =	vshll.u32 v10, $0x7  }
0xa7: {  	v10 =	vor.u32 v8, v10;
	_ =	sdelay $0x4  }
0xa8: {  	[tilespmem:v10+s23+$0x0] =	vst.idx.msk $0xffff, v9  }
0xa9: {  	v10 =	vld [tilespmem:$0x180];
	_ =	sdelay $0x4  }
0xaa: {  	v10 =	vshll.u32 v10, $0x7  }
0xab: {  	v10 =	vor.u32 v0, v10;
	_ =	sdelay $0x4  }
0xac: {  	[tilespmem:v10+s23+$0x0] =	vst.idx.msk $0xffff, v1  }
0xad: {  	v10 =	vld [tilespmem:$0x190];
	_ =	sdelay $0x4  }
0xae: {  	v10 =	vshll.u32 v10, $0x7  }
0xaf: {  	v10 =	vor.u32 v2, v10;
	_ =	sdelay $0x4  }
0xb0: {  	[tilespmem:v10+s23+$0x0] =	vst.idx.msk $0xffff, v1  }
0xb1: {  	v10 =	vld [tilespmem:$0x1A0];
	_ =	sdelay $0x4  }
0xb2: {  	v10 =	vshll.u32 v10, $0x7  }
0xb3: {  	v10 =	vor.u32 v3, v10;
	_ =	sdelay $0x4  }
0xb4: {  	[tilespmem:v10+s23+$0x0] =	vst.idx.msk $0xffff, v1  }
0xb5: {  	v10 =	vld [tilespmem:$0x1B0];
	_ =	sdelay $0x4  }
0xb6: {  	v10 =	vshll.u32 v10, $0x7  }
0xb7: {  	v10 =	vor.u32 v4, v10;
	_ =	sdelay $0x4  }
0xb8: {  	[tilespmem:v10+s23+$0x0] =	vst.idx.msk $0xffff, v1  }
0xb9: {  	v10 =	vld [tilespmem:$0x1C0];
	_ =	sdelay $0x4  }
0xba: {  	v10 =	vshll.u32 v10, $0x7  }
0xbb: {  	v10 =	vor.u32 v5, v10;
	_ =	sdelay $0x4  }
0xbc: {  	[tilespmem:v10+s23+$0x0] =	vst.idx.msk $0xffff, v1  }
0xbd: {  	v10 =	vld [tilespmem:$0x1D0];
	_ =	sdelay $0x4  }
0xbe: {  	v10 =	vshll.u32 v10, $0x7  }
0xbf: {  	v10 =	vor.u32 v6, v10;
	_ =	sdelay $0x4  }
0xc0: {  	[tilespmem:v10+s23+$0x0] =	vst.idx.msk $0xffff, v1  }
0xc1: {  	v10 =	vld [tilespmem:$0x1E0];
	_ =	sdelay $0x4  }
0xc2: {  	v10 =	vshll.u32 v10, $0x7  }
0xc3: {  	v10 =	vor.u32 v7, v10;
	_ =	sdelay $0x4  }
0xc4: {  	[tilespmem:v10+s23+$0x0] =	vst.idx.msk $0xffff, v1  }
0xc5: {  	v10 =	vld [tilespmem:$0x1F0];
	_ =	sdelay $0x4  }
0xc6: {  	v10 =	vshll.u32 v10, $0x7  }
0xc7: {  	v10 =	vor.u32 v8, v10;
	_ =	sdelay $0x4  }
0xc8: {  	[tilespmem:v10+s23+$0x0] =	vst.idx.msk $0xffff, v1  }
0xc9: {  	[hbm4b:s8+s26] =	stream.strided.scatter [tilespmem:s23], [sflag:$0x1], $0x8000, s28, s26, $0x38;
	[tilespmem:$0x18800] =	vst v63  }
0xca: {  	_ =	swait.ge [sflag:s30], $0x8000  }
0xcb: {  	[sflag:s30] =	ssyncset.done $0x0  }
0xcc: {  	[sflag:s30] =	ssyncadd.s32 $0xFFFF8000  }
0xcd: {  	v10 =	vld [tilespmem:$0x80];
	_ =	sdelay $0x4  }
0xce: {  	v10 =	vshll.u32 v10, $0x7  }
0xcf: {  	v10 =	vor.u32 v0, v10;
	_ =	sdelay $0x4  }
0xd0: {  	[tilespmem:v10+s24+$0x0] =	vst.idx.msk $0xffff, v9  }
0xd1: {  	v10 =	vld [tilespmem:$0x90];
	_ =	sdelay $0x4  }
0xd2: {  	v10 =	vshll.u32 v10, $0x7  }
0xd3: {  	v10 =	vor.u32 v2, v10;
	_ =	sdelay $0x4  }
0xd4: {  	[tilespmem:v10+s24+$0x0] =	vst.idx.msk $0xffff, v9  }
0xd5: {  	v10 =	vld [tilespmem:$0xA0];
	_ =	sdelay $0x4  }
0xd6: {  	v10 =	vshll.u32 v10, $0x7  }
0xd7: {  	v10 =	vor.u32 v3, v10;
	_ =	sdelay $0x4  }
0xd8: {  	[tilespmem:v10+s24+$0x0] =	vst.idx.msk $0xffff, v9  }
0xd9: {  	v10 =	vld [tilespmem:$0xB0];
	_ =	sdelay $0x4  }
0xda: {  	v10 =	vshll.u32 v10, $0x7  }
0xdb: {  	v10 =	vor.u32 v4, v10;
	_ =	sdelay $0x4  }
0xdc: {  	[tilespmem:v10+s24+$0x0] =	vst.idx.msk $0xffff, v9  }
0xdd: {  	v10 =	vld [tilespmem:$0xC0];
	_ =	sdelay $0x4  }
0xde: {  	v10 =	vshll.u32 v10, $0x7  }
0xdf: {  	v10 =	vor.u32 v5, v10;
	_ =	sdelay $0x4  }
0xe0: {  	[tilespmem:v10+s24+$0x0] =	vst.idx.msk $0xffff, v9  }
0xe1: {  	v10 =	vld [tilespmem:$0xD0];
	_ =	sdelay $0x4  }
0xe2: {  	v10 =	vshll.u32 v10, $0x7  }
0xe3: {  	v10 =	vor.u32 v6, v10;
	_ =	sdelay $0x4  }
0xe4: {  	[tilespmem:v10+s24+$0x0] =	vst.idx.msk $0xffff, v9  }
0xe5: {  	v10 =	vld [tilespmem:$0xE0];
	_ =	sdelay $0x4  }
0xe6: {  	v10 =	vshll.u32 v10, $0x7  }
0xe7: {  	v10 =	vor.u32 v7, v10;
	_ =	sdelay $0x4  }
0xe8: {  	[tilespmem:v10+s24+$0x0] =	vst.idx.msk $0xffff, v9  }
0xe9: {  	v10 =	vld [tilespmem:$0xF0];
	_ =	sdelay $0x4  }
0xea: {  	v10 =	vshll.u32 v10, $0x7  }
0xeb: {  	v10 =	vor.u32 v8, v10;
	_ =	sdelay $0x4  }
0xec: {  	[tilespmem:v10+s24+$0x0] =	vst.idx.msk $0xffff, v9  }
0xed: {  	v10 =	vld [tilespmem:$0x200];
	_ =	sdelay $0x4  }
0xee: {  	v10 =	vshll.u32 v10, $0x7  }
0xef: {  	v10 =	vor.u32 v0, v10;
	_ =	sdelay $0x4  }
0xf0: {  	[tilespmem:v10+s24+$0x0] =	vst.idx.msk $0xffff, v1  }
0xf1: {  	v10 =	vld [tilespmem:$0x210];
	_ =	sdelay $0x4  }
0xf2: {  	v10 =	vshll.u32 v10, $0x7  }
0xf3: {  	v10 =	vor.u32 v2, v10;
	_ =	sdelay $0x4  }
0xf4: {  	[tilespmem:v10+s24+$0x0] =	vst.idx.msk $0xffff, v1  }
0xf5: {  	v10 =	vld [tilespmem:$0x220];
	_ =	sdelay $0x4  }
0xf6: {  	v10 =	vshll.u32 v10, $0x7  }
0xf7: {  	v10 =	vor.u32 v3, v10;
	_ =	sdelay $0x4  }
0xf8: {  	[tilespmem:v10+s24+$0x0] =	vst.idx.msk $0xffff, v1  }
0xf9: {  	v10 =	vld [tilespmem:$0x230];
	_ =	sdelay $0x4  }
0xfa: {  	v10 =	vshll.u32 v10, $0x7  }
0xfb: {  	v10 =	vor.u32 v4, v10;
	_ =	sdelay $0x4  }
0xfc: {  	[tilespmem:v10+s24+$0x0] =	vst.idx.msk $0xffff, v1  }
0xfd: {  	v10 =	vld [tilespmem:$0x240];
	_ =	sdelay $0x4  }
0xfe: {  	v10 =	vshll.u32 v10, $0x7  }
0xff: {  	v10 =	vor.u32 v5, v10;
	_ =	sdelay $0x4  }
0x100: {  	[tilespmem:v10+s24+$0x0] =	vst.idx.msk $0xffff, v1  }
0x101: {  	v10 =	vld [tilespmem:$0x250];
	_ =	sdelay $0x4  }
0x102: {  	v10 =	vshll.u32 v10, $0x7  }
0x103: {  	v10 =	vor.u32 v6, v10;
	_ =	sdelay $0x4  }
0x104: {  	[tilespmem:v10+s24+$0x0] =	vst.idx.msk $0xffff, v1  }
0x105: {  	v10 =	vld [tilespmem:$0x260];
	_ =	sdelay $0x4  }
0x106: {  	v10 =	vshll.u32 v10, $0x7  }
0x107: {  	v10 =	vor.u32 v7, v10;
	_ =	sdelay $0x4  }
0x108: {  	[tilespmem:v10+s24+$0x0] =	vst.idx.msk $0xffff, v1  }
0x109: {  	v10 =	vld [tilespmem:$0x270];
	_ =	sdelay $0x4  }
0x10a: {  	v10 =	vshll.u32 v10, $0x7  }
0x10b: {  	v10 =	vor.u32 v8, v10;
	_ =	sdelay $0x4  }
0x10c: {  	[tilespmem:v10+s24+$0x0] =	vst.idx.msk $0xffff, v1  }
0x10d: {  	[hbm4b:s9+s26] =	stream.strided.scatter [tilespmem:s24], [sflag:$0x2], $0x8000, s28, s26, $0x38;
	[tilespmem:$0x18800] =	vst v63  }
0x10e: {  	_ =	swait.ge [sflag:s31], $0x8000  }
0x10f: {  	[sflag:s31] =	ssyncset.done $0x0  }
0x110: {  	[sflag:s31] =	ssyncadd.s32 $0xFFFF8000  }
0x111: {  	v10 =	vld [tilespmem:$0x100];
	_ =	sdelay $0x4  }
0x112: {  	v10 =	vshll.u32 v10, $0x7  }
0x113: {  	v10 =	vor.u32 v0, v10;
	_ =	sdelay $0x4  }
0x114: {  	[tilespmem:v10+s25+$0x0] =	vst.idx.msk $0xffff, v9  }
0x115: {  	v10 =	vld [tilespmem:$0x110];
	_ =	sdelay $0x4  }
0x116: {  	v10 =	vshll.u32 v10, $0x7  }
0x117: {  	v10 =	vor.u32 v2, v10;
	_ =	sdelay $0x4  }
0x118: {  	[tilespmem:v10+s25+$0x0] =	vst.idx.msk $0xffff, v9  }
0x119: {  	v10 =	vld [tilespmem:$0x120];
	_ =	sdelay $0x4  }
0x11a: {  	v10 =	vshll.u32 v10, $0x7  }
0x11b: {  	v10 =	vor.u32 v3, v10;
	_ =	sdelay $0x4  }
0x11c: {  	[tilespmem:v10+s25+$0x0] =	vst.idx.msk $0xffff, v9  }
0x11d: {  	v10 =	vld [tilespmem:$0x130];
	_ =	sdelay $0x4  }
0x11e: {  	v10 =	vshll.u32 v10, $0x7  }
0x11f: {  	v10 =	vor.u32 v4, v10;
	_ =	sdelay $0x4  }
0x120: {  	[tilespmem:v10+s25+$0x0] =	vst.idx.msk $0xffff, v9  }
0x121: {  	v10 =	vld [tilespmem:$0x140];
	_ =	sdelay $0x4  }
0x122: {  	v10 =	vshll.u32 v10, $0x7  }
0x123: {  	v10 =	vor.u32 v5, v10;
	_ =	sdelay $0x4  }
0x124: {  	[tilespmem:v10+s25+$0x0] =	vst.idx.msk $0xffff, v9  }
0x125: {  	v10 =	vld [tilespmem:$0x150];
	_ =	sdelay $0x4  }
0x126: {  	v10 =	vshll.u32 v10, $0x7  }
0x127: {  	v10 =	vor.u32 v6, v10;
	_ =	sdelay $0x4  }
0x128: {  	[tilespmem:v10+s25+$0x0] =	vst.idx.msk $0xffff, v9  }
0x129: {  	v10 =	vld [tilespmem:$0x160];
	_ =	sdelay $0x4  }
0x12a: {  	v10 =	vshll.u32 v10, $0x7  }
0x12b: {  	v10 =	vor.u32 v7, v10;
	_ =	sdelay $0x4  }
0x12c: {  	[tilespmem:v10+s25+$0x0] =	vst.idx.msk $0xffff, v9  }
0x12d: {  	v10 =	vld [tilespmem:$0x170];
	_ =	sdelay $0x4  }
0x12e: {  	v10 =	vshll.u32 v10, $0x7  }
0x12f: {  	v10 =	vor.u32 v8, v10;
	_ =	sdelay $0x4  }
0x130: {  	[tilespmem:v10+s25+$0x0] =	vst.idx.msk $0xffff, v9  }
0x131: {  	v10 =	vld [tilespmem:$0x280];
	_ =	sdelay $0x4  }
0x132: {  	v10 =	vshll.u32 v10, $0x7  }
0x133: {  	v10 =	vor.u32 v0, v10;
	_ =	sdelay $0x4  }
0x134: {  	[tilespmem:v10+s25+$0x0] =	vst.idx.msk $0xffff, v1  }
0x135: {  	v10 =	vld [tilespmem:$0x290];
	_ =	sdelay $0x4  }
0x136: {  	v10 =	vshll.u32 v10, $0x7  }
0x137: {  	v10 =	vor.u32 v2, v10;
	_ =	sdelay $0x4  }
0x138: {  	[tilespmem:v10+s25+$0x0] =	vst.idx.msk $0xffff, v1  }
0x139: {  	v10 =	vld [tilespmem:$0x2A0];
	_ =	sdelay $0x4  }
0x13a: {  	v10 =	vshll.u32 v10, $0x7  }
0x13b: {  	v10 =	vor.u32 v3, v10;
	_ =	sdelay $0x4  }
0x13c: {  	[tilespmem:v10+s25+$0x0] =	vst.idx.msk $0xffff, v1  }
0x13d: {  	v10 =	vld [tilespmem:$0x2B0];
	_ =	sdelay $0x4  }
0x13e: {  	v10 =	vshll.u32 v10, $0x7  }
0x13f: {  	v10 =	vor.u32 v4, v10;
	_ =	sdelay $0x4  }
0x140: {  	[tilespmem:v10+s25+$0x0] =	vst.idx.msk $0xffff, v1  }
0x141: {  	v10 =	vld [tilespmem:$0x2C0];
	_ =	sdelay $0x4  }
0x142: {  	v10 =	vshll.u32 v10, $0x7  }
0x143: {  	v10 =	vor.u32 v5, v10;
	_ =	sdelay $0x4  }
0x144: {  	[tilespmem:v10+s25+$0x0] =	vst.idx.msk $0xffff, v1  }
0x145: {  	v10 =	vld [tilespmem:$0x2D0];
	_ =	sdelay $0x4  }
0x146: {  	v10 =	vshll.u32 v10, $0x7  }
0x147: {  	v10 =	vor.u32 v6, v10;
	_ =	sdelay $0x4  }
0x148: {  	[tilespmem:v10+s25+$0x0] =	vst.idx.msk $0xffff, v1  }
0x149: {  	v10 =	vld [tilespmem:$0x2E0];
	_ =	sdelay $0x4  }
0x14a: {  	v10 =	vshll.u32 v10, $0x7  }
0x14b: {  	v10 =	vor.u32 v7, v10;
	_ =	sdelay $0x4  }
0x14c: {  	[tilespmem:v10+s25+$0x0] =	vst.idx.msk $0xffff, v1  }
0x14d: {  	v10 =	vld [tilespmem:$0x2F0];
	_ =	sdelay $0x4  }
0x14e: {  	v10 =	vshll.u32 v10, $0x7  }
0x14f: {  	v10 =	vor.u32 v8, v10;
	_ =	sdelay $0x4  }
0x150: {  	[tilespmem:v10+s25+$0x0] =	vst.idx.msk $0xffff, v1  }
0x151: {  	[hbm4b:s10+s26] =	stream.strided.scatter [tilespmem:s25], [sflag:$0x3], $0x8000, s28, s26, $0x38;
	[tilespmem:$0x18800] =	vst v63  }
0x152: {  	_ =	swait.ge [sflag:s29], $0x8000  }
0x153: {  	[sflag:s29] =	ssyncset.done $0x0  }
0x154: {  	[sflag:s29] =	ssyncadd.s32 $0xFFFF8000  }
0x155: {  	v10 =	vld [tilespmem:$0x180];
	_ =	sdelay $0x4  }
0x156: {  	v10 =	vshll.u32 v10, $0x7  }
0x157: {  	v10 =	vor.u32 v0, v10;
	_ =	sdelay $0x4  }
0x158: {  	[tilespmem:v10+s23+$0x0] =	vst.idx.msk $0xffff, v9  }
0x159: {  	v10 =	vld [tilespmem:$0x190];
	_ =	sdelay $0x4  }
0x15a: {  	v10 =	vshll.u32 v10, $0x7  }
0x15b: {  	v10 =	vor.u32 v2, v10;
	_ =	sdelay $0x4  }
0x15c: {  	[tilespmem:v10+s23+$0x0] =	vst.idx.msk $0xffff, v9  }
0x15d: {  	v10 =	vld [tilespmem:$0x1A0];
	_ =	sdelay $0x4  }
0x15e: {  	v10 =	vshll.u32 v10, $0x7  }
0x15f: {  	v10 =	vor.u32 v3, v10;
	_ =	sdelay $0x4  }
0x160: {  	[tilespmem:v10+s23+$0x0] =	vst.idx.msk $0xffff, v9  }
0x161: {  	v10 =	vld [tilespmem:$0x1B0];
	_ =	sdelay $0x4  }
0x162: {  	v10 =	vshll.u32 v10, $0x7  }
0x163: {  	v10 =	vor.u32 v4, v10;
	_ =	sdelay $0x4  }
0x164: {  	[tilespmem:v10+s23+$0x0] =	vst.idx.msk $0xffff, v9  }
0x165: {  	v10 =	vld [tilespmem:$0x1C0];
	_ =	sdelay $0x4  }
0x166: {  	v10 =	vshll.u32 v10, $0x7  }
0x167: {  	v10 =	vor.u32 v5, v10;
	_ =	sdelay $0x4  }
0x168: {  	[tilespmem:v10+s23+$0x0] =	vst.idx.msk $0xffff, v9  }
0x169: {  	v10 =	vld [tilespmem:$0x1D0];
	_ =	sdelay $0x4  }
0x16a: {  	v10 =	vshll.u32 v10, $0x7  }
0x16b: {  	v10 =	vor.u32 v6, v10;
	_ =	sdelay $0x4  }
0x16c: {  	[tilespmem:v10+s23+$0x0] =	vst.idx.msk $0xffff, v9  }
0x16d: {  	v10 =	vld [tilespmem:$0x1E0];
	_ =	sdelay $0x4  }
0x16e: {  	v10 =	vshll.u32 v10, $0x7  }
0x16f: {  	v10 =	vor.u32 v7, v10;
	_ =	sdelay $0x4  }
0x170: {  	[tilespmem:v10+s23+$0x0] =	vst.idx.msk $0xffff, v9  }
0x171: {  	v10 =	vld [tilespmem:$0x1F0];
	_ =	sdelay $0x4  }
0x172: {  	v10 =	vshll.u32 v10, $0x7  }
0x173: {  	v10 =	vor.u32 v8, v10;
	_ =	sdelay $0x4  }
0x174: {  	[tilespmem:v10+s23+$0x0] =	vst.idx.msk $0xffff, v9  }
0x175: {  	v10 =	vld [tilespmem:$0x300];
	_ =	sdelay $0x4  }
0x176: {  	v10 =	vshll.u32 v10, $0x7  }
0x177: {  	v10 =	vor.u32 v0, v10;
	_ =	sdelay $0x4  }
0x178: {  	[tilespmem:v10+s23+$0x0] =	vst.idx.msk $0xffff, v1  }
0x179: {  	v10 =	vld [tilespmem:$0x310];
	_ =	sdelay $0x4  }
0x17a: {  	v10 =	vshll.u32 v10, $0x7  }
0x17b: {  	v10 =	vor.u32 v2, v10;
	_ =	sdelay $0x4  }
0x17c: {  	[tilespmem:v10+s23+$0x0] =	vst.idx.msk $0xffff, v1  }
0x17d: {  	v10 =	vld [tilespmem:$0x320];
	_ =	sdelay $0x4  }
0x17e: {  	v10 =	vshll.u32 v10, $0x7  }
0x17f: {  	v10 =	vor.u32 v3, v10;
	_ =	sdelay $0x4  }
0x180: {  	[tilespmem:v10+s23+$0x0] =	vst.idx.msk $0xffff, v1  }
0x181: {  	v10 =	vld [tilespmem:$0x330];
	_ =	sdelay $0x4  }
0x182: {  	v10 =	vshll.u32 v10, $0x7  }
0x183: {  	v10 =	vor.u32 v4, v10;
	_ =	sdelay $0x4  }
0x184: {  	[tilespmem:v10+s23+$0x0] =	vst.idx.msk $0xffff, v1  }
0x185: {  	v10 =	vld [tilespmem:$0x340];
	_ =	sdelay $0x4  }
0x186: {  	v10 =	vshll.u32 v10, $0x7  }
0x187: {  	v10 =	vor.u32 v5, v10;
	_ =	sdelay $0x4  }
0x188: {  	[tilespmem:v10+s23+$0x0] =	vst.idx.msk $0xffff, v1  }
0x189: {  	v10 =	vld [tilespmem:$0x350];
	_ =	sdelay $0x4  }
0x18a: {  	v10 =	vshll.u32 v10, $0x7  }
0x18b: {  	v10 =	vor.u32 v6, v10;
	_ =	sdelay $0x4  }
0x18c: {  	[tilespmem:v10+s23+$0x0] =	vst.idx.msk $0xffff, v1  }
0x18d: {  	v10 =	vld [tilespmem:$0x360];
	_ =	sdelay $0x4  }
0x18e: {  	v10 =	vshll.u32 v10, $0x7  }
0x18f: {  	v10 =	vor.u32 v7, v10;
	_ =	sdelay $0x4  }
0x190: {  	[tilespmem:v10+s23+$0x0] =	vst.idx.msk $0xffff, v1  }
0x191: {  	v10 =	vld [tilespmem:$0x370];
	_ =	sdelay $0x4  }
0x192: {  	v10 =	vshll.u32 v10, $0x7  }
0x193: {  	v10 =	vor.u32 v8, v10;
	_ =	sdelay $0x4  }
0x194: {  	[tilespmem:v10+s23+$0x0] =	vst.idx.msk $0xffff, v1  }
0x195: {  	[hbm4b:s11+s26] =	stream.strided.scatter [tilespmem:s23], [sflag:$0x1], $0x8000, s28, s26, $0x38;
	[tilespmem:$0x18800] =	vst v63  }
0x196: {  	_ =	swait.ge [sflag:s30], $0x8000  }
0x197: {  	[sflag:s30] =	ssyncset.done $0x0  }
0x198: {  	[sflag:s30] =	ssyncadd.s32 $0xFFFF8000  }
0x199: {  	v10 =	vld [tilespmem:$0x200];
	_ =	sdelay $0x4  }
0x19a: {  	v10 =	vshll.u32 v10, $0x7  }
0x19b: {  	v10 =	vor.u32 v0, v10;
	_ =	sdelay $0x4  }
0x19c: {  	[tilespmem:v10+s24+$0x0] =	vst.idx.msk $0xffff, v9  }
0x19d: {  	v10 =	vld [tilespmem:$0x210];
	_ =	sdelay $0x4  }
0x19e: {  	v10 =	vshll.u32 v10, $0x7  }
0x19f: {  	v10 =	vor.u32 v2, v10;
	_ =	sdelay $0x4  }
0x1a0: {  	[tilespmem:v10+s24+$0x0] =	vst.idx.msk $0xffff, v9  }
0x1a1: {  	v10 =	vld [tilespmem:$0x220];
	_ =	sdelay $0x4  }
0x1a2: {  	v10 =	vshll.u32 v10, $0x7  }
0x1a3: {  	v10 =	vor.u32 v3, v10;
	_ =	sdelay $0x4  }
0x1a4: {  	[tilespmem:v10+s24+$0x0] =	vst.idx.msk $0xffff, v9  }
0x1a5: {  	v10 =	vld [tilespmem:$0x230];
	_ =	sdelay $0x4  }
0x1a6: {  	v10 =	vshll.u32 v10, $0x7  }
0x1a7: {  	v10 =	vor.u32 v4, v10;
	_ =	sdelay $0x4  }
0x1a8: {  	[tilespmem:v10+s24+$0x0] =	vst.idx.msk $0xffff, v9  }
0x1a9: {  	v10 =	vld [tilespmem:$0x240];
	_ =	sdelay $0x4  }
0x1aa: {  	v10 =	vshll.u32 v10, $0x7  }
0x1ab: {  	v10 =	vor.u32 v5, v10;
	_ =	sdelay $0x4  }
0x1ac: {  	[tilespmem:v10+s24+$0x0] =	vst.idx.msk $0xffff, v9  }
0x1ad: {  	v10 =	vld [tilespmem:$0x250];
	_ =	sdelay $0x4  }
0x1ae: {  	v10 =	vshll.u32 v10, $0x7  }
0x1af: {  	v10 =	vor.u32 v6, v10;
	_ =	sdelay $0x4  }
0x1b0: {  	[tilespmem:v10+s24+$0x0] =	vst.idx.msk $0xffff, v9  }
0x1b1: {  	v10 =	vld [tilespmem:$0x260];
	_ =	sdelay $0x4  }
0x1b2: {  	v10 =	vshll.u32 v10, $0x7  }
0x1b3: {  	v10 =	vor.u32 v7, v10;
	_ =	sdelay $0x4  }
0x1b4: {  	[tilespmem:v10+s24+$0x0] =	vst.idx.msk $0xffff, v9  }
0x1b5: {  	v10 =	vld [tilespmem:$0x270];
	_ =	sdelay $0x4  }
0x1b6: {  	v10 =	vshll.u32 v10, $0x7  }
0x1b7: {  	v10 =	vor.u32 v8, v10;
	_ =	sdelay $0x4  }
0x1b8: {  	[tilespmem:v10+s24+$0x0] =	vst.idx.msk $0xffff, v9  }
0x1b9: {  	v10 =	vld [tilespmem:$0x380];
	_ =	sdelay $0x4  }
0x1ba: {  	v10 =	vshll.u32 v10, $0x7  }
0x1bb: {  	v10 =	vor.u32 v0, v10;
	_ =	sdelay $0x4  }
0x1bc: {  	[tilespmem:v10+s24+$0x0] =	vst.idx.msk $0xffff, v1  }
0x1bd: {  	v10 =	vld [tilespmem:$0x390];
	_ =	sdelay $0x4  }
0x1be: {  	v10 =	vshll.u32 v10, $0x7  }
0x1bf: {  	v10 =	vor.u32 v2, v10;
	_ =	sdelay $0x4  }
0x1c0: {  	[tilespmem:v10+s24+$0x0] =	vst.idx.msk $0xffff, v1  }
0x1c1: {  	v10 =	vld [tilespmem:$0x3A0];
	_ =	sdelay $0x4  }
0x1c2: {  	v10 =	vshll.u32 v10, $0x7  }
0x1c3: {  	v10 =	vor.u32 v3, v10;
	_ =	sdelay $0x4  }
0x1c4: {  	[tilespmem:v10+s24+$0x0] =	vst.idx.msk $0xffff, v1  }
0x1c5: {  	v10 =	vld [tilespmem:$0x3B0];
	_ =	sdelay $0x4  }
0x1c6: {  	v10 =	vshll.u32 v10, $0x7  }
0x1c7: {  	v10 =	vor.u32 v4, v10;
	_ =	sdelay $0x4  }
0x1c8: {  	[tilespmem:v10+s24+$0x0] =	vst.idx.msk $0xffff, v1  }
0x1c9: {  	v10 =	vld [tilespmem:$0x3C0];
	_ =	sdelay $0x4  }
0x1ca: {  	v10 =	vshll.u32 v10, $0x7  }
0x1cb: {  	v10 =	vor.u32 v5, v10;
	_ =	sdelay $0x4  }
0x1cc: {  	[tilespmem:v10+s24+$0x0] =	vst.idx.msk $0xffff, v1  }
0x1cd: {  	v10 =	vld [tilespmem:$0x3D0];
	_ =	sdelay $0x4  }
0x1ce: {  	v10 =	vshll.u32 v10, $0x7  }
0x1cf: {  	v10 =	vor.u32 v6, v10;
	_ =	sdelay $0x4  }
0x1d0: {  	[tilespmem:v10+s24+$0x0] =	vst.idx.msk $0xffff, v1  }
0x1d1: {  	v10 =	vld [tilespmem:$0x3E0];
	_ =	sdelay $0x4  }
0x1d2: {  	v10 =	vshll.u32 v10, $0x7  }
0x1d3: {  	v10 =	vor.u32 v7, v10;
	_ =	sdelay $0x4  }
0x1d4: {  	[tilespmem:v10+s24+$0x0] =	vst.idx.msk $0xffff, v1  }
0x1d5: {  	v10 =	vld [tilespmem:$0x3F0];
	_ =	sdelay $0x4  }
0x1d6: {  	v10 =	vshll.u32 v10, $0x7  }
0x1d7: {  	v10 =	vor.u32 v8, v10;
	_ =	sdelay $0x4  }
0x1d8: {  	[tilespmem:v10+s24+$0x0] =	vst.idx.msk $0xffff, v1  }
0x1d9: {  	[hbm4b:s12+s26] =	stream.strided.scatter [tilespmem:s24], [sflag:$0x2], $0x8000, s28, s26, $0x38;
	[tilespmem:$0x18800] =	vst v63  }
0x1da: {  	_ =	swait.ge [sflag:s31], $0x8000  }
0x1db: {  	[sflag:s31] =	ssyncset.done $0x0  }
0x1dc: {  	[sflag:s31] =	ssyncadd.s32 $0xFFFF8000  }
0x1dd: {  	v10 =	vld [tilespmem:$0x280];
	_ =	sdelay $0x4  }
0x1de: {  	v10 =	vshll.u32 v10, $0x7  }
0x1df: {  	v10 =	vor.u32 v0, v10;
	_ =	sdelay $0x4  }
0x1e0: {  	[tilespmem:v10+s25+$0x0] =	vst.idx.msk $0xffff, v9  }
0x1e1: {  	v10 =	vld [tilespmem:$0x290];
	_ =	sdelay $0x4  }
0x1e2: {  	v10 =	vshll.u32 v10, $0x7  }
0x1e3: {  	v10 =	vor.u32 v2, v10;
	_ =	sdelay $0x4  }
0x1e4: {  	[tilespmem:v10+s25+$0x0] =	vst.idx.msk $0xffff, v9  }
0x1e5: {  	v10 =	vld [tilespmem:$0x2A0];
	_ =	sdelay $0x4  }
0x1e6: {  	v10 =	vshll.u32 v10, $0x7  }
0x1e7: {  	v10 =	vor.u32 v3, v10;
	_ =	sdelay $0x4  }
0x1e8: {  	[tilespmem:v10+s25+$0x0] =	vst.idx.msk $0xffff, v9  }
0x1e9: {  	v10 =	vld [tilespmem:$0x2B0];
	_ =	sdelay $0x4  }
0x1ea: {  	v10 =	vshll.u32 v10, $0x7  }
0x1eb: {  	v10 =	vor.u32 v4, v10;
	_ =	sdelay $0x4  }
0x1ec: {  	[tilespmem:v10+s25+$0x0] =	vst.idx.msk $0xffff, v9  }
0x1ed: {  	v10 =	vld [tilespmem:$0x2C0];
	_ =	sdelay $0x4  }
0x1ee: {  	v10 =	vshll.u32 v10, $0x7  }
0x1ef: {  	v10 =	vor.u32 v5, v10;
	_ =	sdelay $0x4  }
0x1f0: {  	[tilespmem:v10+s25+$0x0] =	vst.idx.msk $0xffff, v9  }
0x1f1: {  	v10 =	vld [tilespmem:$0x2D0];
	_ =	sdelay $0x4  }
0x1f2: {  	v10 =	vshll.u32 v10, $0x7  }
0x1f3: {  	v10 =	vor.u32 v6, v10;
	_ =	sdelay $0x4  }
0x1f4: {  	[tilespmem:v10+s25+$0x0] =	vst.idx.msk $0xffff, v9  }
0x1f5: {  	v10 =	vld [tilespmem:$0x2E0];
	_ =	sdelay $0x4  }
0x1f6: {  	v10 =	vshll.u32 v10, $0x7  }
0x1f7: {  	v10 =	vor.u32 v7, v10;
	_ =	sdelay $0x4  }
0x1f8: {  	[tilespmem:v10+s25+$0x0] =	vst.idx.msk $0xffff, v9  }
0x1f9: {  	v10 =	vld [tilespmem:$0x2F0];
	_ =	sdelay $0x4  }
0x1fa: {  	v10 =	vshll.u32 v10, $0x7  }
0x1fb: {  	v10 =	vor.u32 v8, v10;
	_ =	sdelay $0x4  }
0x1fc: {  	[tilespmem:v10+s25+$0x0] =	vst.idx.msk $0xffff, v9  }
0x1fd: {  	v10 =	vld [tilespmem:$0x400];
	_ =	sdelay $0x4  }
0x1fe: {  	v10 =	vshll.u32 v10, $0x7  }
0x1ff: {  	v10 =	vor.u32 v0, v10;
	_ =	sdelay $0x4  }
0x200: {  	[tilespmem:v10+s25+$0x0] =	vst.idx.msk $0xffff, v1  }
0x201: {  	v10 =	vld [tilespmem:$0x410];
	_ =	sdelay $0x4  }
0x202: {  	v10 =	vshll.u32 v10, $0x7  }
0x203: {  	v10 =	vor.u32 v2, v10;
	_ =	sdelay $0x4  }
0x204: {  	[tilespmem:v10+s25+$0x0] =	vst.idx.msk $0xffff, v1  }
0x205: {  	v10 =	vld [tilespmem:$0x420];
	_ =	sdelay $0x4  }
0x206: {  	v10 =	vshll.u32 v10, $0x7  }
0x207: {  	v10 =	vor.u32 v3, v10;
	_ =	sdelay $0x4  }
0x208: {  	[tilespmem:v10+s25+$0x0] =	vst.idx.msk $0xffff, v1  }
0x209: {  	v10 =	vld [tilespmem:$0x430];
	_ =	sdelay $0x4  }
0x20a: {  	v10 =	vshll.u32 v10, $0x7  }
0x20b: {  	v10 =	vor.u32 v4, v10;
	_ =	sdelay $0x4  }
0x20c: {  	[tilespmem:v10+s25+$0x0] =	vst.idx.msk $0xffff, v1  }
0x20d: {  	v10 =	vld [tilespmem:$0x440];
	_ =	sdelay $0x4  }
0x20e: {  	v10 =	vshll.u32 v10, $0x7  }
0x20f: {  	v10 =	vor.u32 v5, v10;
	_ =	sdelay $0x4  }
0x210: {  	[tilespmem:v10+s25+$0x0] =	vst.idx.msk $0xffff, v1  }
0x211: {  	v10 =	vld [tilespmem:$0x450];
	_ =	sdelay $0x4  }
0x212: {  	v10 =	vshll.u32 v10, $0x7  }
0x213: {  	v10 =	vor.u32 v6, v10;
	_ =	sdelay $0x4  }
0x214: {  	[tilespmem:v10+s25+$0x0] =	vst.idx.msk $0xffff, v1  }
0x215: {  	v10 =	vld [tilespmem:$0x460];
	_ =	sdelay $0x4  }
0x216: {  	v10 =	vshll.u32 v10, $0x7  }
0x217: {  	v10 =	vor.u32 v7, v10;
	_ =	sdelay $0x4  }
0x218: {  	[tilespmem:v10+s25+$0x0] =	vst.idx.msk $0xffff, v1  }
0x219: {  	v10 =	vld [tilespmem:$0x470];
	_ =	sdelay $0x4  }
0x21a: {  	v10 =	vshll.u32 v10, $0x7  }
0x21b: {  	v10 =	vor.u32 v8, v10;
	_ =	sdelay $0x4  }
0x21c: {  	[tilespmem:v10+s25+$0x0] =	vst.idx.msk $0xffff, v1  }
0x21d: {  	[hbm4b:s13+s26] =	stream.strided.scatter [tilespmem:s25], [sflag:$0x3], $0x8000, s28, s26, $0x38;
	[tilespmem:$0x18800] =	vst v63  }
0x21e: {  	_ =	swait.ge [sflag:s29], $0x8000  }
0x21f: {  	[sflag:s29] =	ssyncset.done $0x0  }
0x220: {  	[sflag:s29] =	ssyncadd.s32 $0xFFFF8000  }
0x221: {  	v10 =	vld [tilespmem:$0x300];
	_ =	sdelay $0x4  }
0x222: {  	v10 =	vshll.u32 v10, $0x7  }
0x223: {  	v10 =	vor.u32 v0, v10;
	_ =	sdelay $0x4  }
0x224: {  	[tilespmem:v10+s23+$0x0] =	vst.idx.msk $0xffff, v9  }
0x225: {  	v10 =	vld [tilespmem:$0x310];
	_ =	sdelay $0x4  }
0x226: {  	v10 =	vshll.u32 v10, $0x7  }
0x227: {  	v10 =	vor.u32 v2, v10;
	_ =	sdelay $0x4  }
0x228: {  	[tilespmem:v10+s23+$0x0] =	vst.idx.msk $0xffff, v9  }
0x229: {  	v10 =	vld [tilespmem:$0x320];
	_ =	sdelay $0x4  }
0x22a: {  	v10 =	vshll.u32 v10, $0x7  }
0x22b: {  	v10 =	vor.u32 v3, v10;
	_ =	sdelay $0x4  }
0x22c: {  	[tilespmem:v10+s23+$0x0] =	vst.idx.msk $0xffff, v9  }
0x22d: {  	v10 =	vld [tilespmem:$0x330];
	_ =	sdelay $0x4  }
0x22e: {  	v10 =	vshll.u32 v10, $0x7  }
0x22f: {  	v10 =	vor.u32 v4, v10;
	_ =	sdelay $0x4  }
0x230: {  	[tilespmem:v10+s23+$0x0] =	vst.idx.msk $0xffff, v9  }
0x231: {  	v10 =	vld [tilespmem:$0x340];
	_ =	sdelay $0x4  }
0x232: {  	v10 =	vshll.u32 v10, $0x7  }
0x233: {  	v10 =	vor.u32 v5, v10;
	_ =	sdelay $0x4  }
0x234: {  	[tilespmem:v10+s23+$0x0] =	vst.idx.msk $0xffff, v9  }
0x235: {  	v10 =	vld [tilespmem:$0x350];
	_ =	sdelay $0x4  }
0x236: {  	v10 =	vshll.u32 v10, $0x7  }
0x237: {  	v10 =	vor.u32 v6, v10;
	_ =	sdelay $0x4  }
0x238: {  	[tilespmem:v10+s23+$0x0] =	vst.idx.msk $0xffff, v9  }
0x239: {  	v10 =	vld [tilespmem:$0x360];
	_ =	sdelay $0x4  }
0x23a: {  	v10 =	vshll.u32 v10, $0x7  }
0x23b: {  	v10 =	vor.u32 v7, v10;
	_ =	sdelay $0x4  }
0x23c: {  	[tilespmem:v10+s23+$0x0] =	vst.idx.msk $0xffff, v9  }
0x23d: {  	v10 =	vld [tilespmem:$0x370];
	_ =	sdelay $0x4  }
0x23e: {  	v10 =	vshll.u32 v10, $0x7  }
0x23f: {  	v10 =	vor.u32 v8, v10;
	_ =	sdelay $0x4  }
0x240: {  	[tilespmem:v10+s23+$0x0] =	vst.idx.msk $0xffff, v9  }
0x241: {  	v10 =	vld [tilespmem:$0x480];
	_ =	sdelay $0x4  }
0x242: {  	v10 =	vshll.u32 v10, $0x7  }
0x243: {  	v10 =	vor.u32 v0, v10;
	_ =	sdelay $0x4  }
0x244: {  	[tilespmem:v10+s23+$0x0] =	vst.idx.msk $0xffff, v1  }
0x245: {  	v10 =	vld [tilespmem:$0x490];
	_ =	sdelay $0x4  }
0x246: {  	v10 =	vshll.u32 v10, $0x7  }
0x247: {  	v10 =	vor.u32 v2, v10;
	_ =	sdelay $0x4  }
0x248: {  	[tilespmem:v10+s23+$0x0] =	vst.idx.msk $0xffff, v1  }
0x249: {  	v10 =	vld [tilespmem:$0x4A0];
	_ =	sdelay $0x4  }
0x24a: {  	v10 =	vshll.u32 v10, $0x7  }
0x24b: {  	v10 =	vor.u32 v3, v10;
	_ =	sdelay $0x4  }
0x24c: {  	[tilespmem:v10+s23+$0x0] =	vst.idx.msk $0xffff, v1  }
0x24d: {  	v10 =	vld [tilespmem:$0x4B0];
	_ =	sdelay $0x4  }
0x24e: {  	v10 =	vshll.u32 v10, $0x7  }
0x24f: {  	v10 =	vor.u32 v4, v10;
	_ =	sdelay $0x4  }
0x250: {  	[tilespmem:v10+s23+$0x0] =	vst.idx.msk $0xffff, v1  }
0x251: {  	v10 =	vld [tilespmem:$0x4C0];
	_ =	sdelay $0x4  }
0x252: {  	v10 =	vshll.u32 v10, $0x7  }
0x253: {  	v10 =	vor.u32 v5, v10;
	_ =	sdelay $0x4  }
0x254: {  	[tilespmem:v10+s23+$0x0] =	vst.idx.msk $0xffff, v1  }
0x255: {  	v10 =	vld [tilespmem:$0x4D0];
	_ =	sdelay $0x4  }
0x256: {  	v10 =	vshll.u32 v10, $0x7  }
0x257: {  	v10 =	vor.u32 v6, v10;
	_ =	sdelay $0x4  }
0x258: {  	[tilespmem:v10+s23+$0x0] =	vst.idx.msk $0xffff, v1  }
0x259: {  	v10 =	vld [tilespmem:$0x4E0];
	_ =	sdelay $0x4  }
0x25a: {  	v10 =	vshll.u32 v10, $0x7  }
0x25b: {  	v10 =	vor.u32 v7, v10;
	_ =	sdelay $0x4  }
0x25c: {  	[tilespmem:v10+s23+$0x0] =	vst.idx.msk $0xffff, v1  }
0x25d: {  	v10 =	vld [tilespmem:$0x4F0];
	_ =	sdelay $0x4  }
0x25e: {  	v10 =	vshll.u32 v10, $0x7  }
0x25f: {  	v10 =	vor.u32 v8, v10;
	_ =	sdelay $0x4  }
0x260: {  	[tilespmem:v10+s23+$0x0] =	vst.idx.msk $0xffff, v1  }
0x261: {  	[hbm4b:s14+s26] =	stream.strided.scatter [tilespmem:s23], [sflag:$0x1], $0x8000, s28, s26, $0x38;
	[tilespmem:$0x18800] =	vst v63  }
0x262: {  	_ =	swait.ge [sflag:s30], $0x8000  }
0x263: {  	[sflag:s30] =	ssyncset.done $0x0  }
0x264: {  	[sflag:s30] =	ssyncadd.s32 $0xFFFF8000  }
0x265: {  	v10 =	vld [tilespmem:$0x380];
	_ =	sdelay $0x4  }
0x266: {  	v10 =	vshll.u32 v10, $0x7  }
0x267: {  	v10 =	vor.u32 v0, v10;
	_ =	sdelay $0x4  }
0x268: {  	[tilespmem:v10+s24+$0x0] =	vst.idx.msk $0xffff, v9  }
0x269: {  	v10 =	vld [tilespmem:$0x390];
	_ =	sdelay $0x4  }
0x26a: {  	v10 =	vshll.u32 v10, $0x7  }
0x26b: {  	v10 =	vor.u32 v2, v10;
	_ =	sdelay $0x4  }
0x26c: {  	[tilespmem:v10+s24+$0x0] =	vst.idx.msk $0xffff, v9  }
0x26d: {  	v10 =	vld [tilespmem:$0x3A0];
	_ =	sdelay $0x4  }
0x26e: {  	v10 =	vshll.u32 v10, $0x7  }
0x26f: {  	v10 =	vor.u32 v3, v10;
	_ =	sdelay $0x4  }
0x270: {  	[tilespmem:v10+s24+$0x0] =	vst.idx.msk $0xffff, v9  }
0x271: {  	v10 =	vld [tilespmem:$0x3B0];
	_ =	sdelay $0x4  }
0x272: {  	v10 =	vshll.u32 v10, $0x7  }
0x273: {  	v10 =	vor.u32 v4, v10;
	_ =	sdelay $0x4  }
0x274: {  	[tilespmem:v10+s24+$0x0] =	vst.idx.msk $0xffff, v9  }
0x275: {  	v10 =	vld [tilespmem:$0x3C0];
	_ =	sdelay $0x4  }
0x276: {  	v10 =	vshll.u32 v10, $0x7  }
0x277: {  	v10 =	vor.u32 v5, v10;
	_ =	sdelay $0x4  }
0x278: {  	[tilespmem:v10+s24+$0x0] =	vst.idx.msk $0xffff, v9  }
0x279: {  	v10 =	vld [tilespmem:$0x3D0];
	_ =	sdelay $0x4  }
0x27a: {  	v10 =	vshll.u32 v10, $0x7  }
0x27b: {  	v10 =	vor.u32 v6, v10;
	_ =	sdelay $0x4  }
0x27c: {  	[tilespmem:v10+s24+$0x0] =	vst.idx.msk $0xffff, v9  }
0x27d: {  	v10 =	vld [tilespmem:$0x3E0];
	_ =	sdelay $0x4  }
0x27e: {  	v10 =	vshll.u32 v10, $0x7  }
0x27f: {  	v10 =	vor.u32 v7, v10;
	_ =	sdelay $0x4  }
0x280: {  	[tilespmem:v10+s24+$0x0] =	vst.idx.msk $0xffff, v9  }
0x281: {  	v10 =	vld [tilespmem:$0x3F0];
	_ =	sdelay $0x4  }
0x282: {  	v10 =	vshll.u32 v10, $0x7  }
0x283: {  	v10 =	vor.u32 v8, v10;
	_ =	sdelay $0x4  }
0x284: {  	[tilespmem:v10+s24+$0x0] =	vst.idx.msk $0xffff, v9  }
0x285: {  	v10 =	vld [tilespmem:$0x500];
	_ =	sdelay $0x4  }
0x286: {  	v10 =	vshll.u32 v10, $0x7  }
0x287: {  	v10 =	vor.u32 v0, v10;
	_ =	sdelay $0x4  }
0x288: {  	[tilespmem:v10+s24+$0x0] =	vst.idx.msk $0xffff, v1  }
0x289: {  	v10 =	vld [tilespmem:$0x510];
	_ =	sdelay $0x4  }
0x28a: {  	v10 =	vshll.u32 v10, $0x7  }
0x28b: {  	v10 =	vor.u32 v2, v10;
	_ =	sdelay $0x4  }
0x28c: {  	[tilespmem:v10+s24+$0x0] =	vst.idx.msk $0xffff, v1  }
0x28d: {  	v10 =	vld [tilespmem:$0x520];
	_ =	sdelay $0x4  }
0x28e: {  	v10 =	vshll.u32 v10, $0x7  }
0x28f: {  	v10 =	vor.u32 v3, v10;
	_ =	sdelay $0x4  }
0x290: {  	[tilespmem:v10+s24+$0x0] =	vst.idx.msk $0xffff, v1  }
0x291: {  	v10 =	vld [tilespmem:$0x530];
	_ =	sdelay $0x4  }
0x292: {  	v10 =	vshll.u32 v10, $0x7  }
0x293: {  	v10 =	vor.u32 v4, v10;
	_ =	sdelay $0x4  }
0x294: {  	[tilespmem:v10+s24+$0x0] =	vst.idx.msk $0xffff, v1  }
0x295: {  	v10 =	vld [tilespmem:$0x540];
	_ =	sdelay $0x4  }
0x296: {  	v10 =	vshll.u32 v10, $0x7  }
0x297: {  	v10 =	vor.u32 v5, v10;
	_ =	sdelay $0x4  }
0x298: {  	[tilespmem:v10+s24+$0x0] =	vst.idx.msk $0xffff, v1  }
0x299: {  	v10 =	vld [tilespmem:$0x550];
	_ =	sdelay $0x4  }
0x29a: {  	v10 =	vshll.u32 v10, $0x7  }
0x29b: {  	v10 =	vor.u32 v6, v10;
	_ =	sdelay $0x4  }
0x29c: {  	[tilespmem:v10+s24+$0x0] =	vst.idx.msk $0xffff, v1  }
0x29d: {  	v10 =	vld [tilespmem:$0x560];
	_ =	sdelay $0x4  }
0x29e: {  	v10 =	vshll.u32 v10, $0x7  }
0x29f: {  	v10 =	vor.u32 v7, v10;
	_ =	sdelay $0x4  }
0x2a0: {  	[tilespmem:v10+s24+$0x0] =	vst.idx.msk $0xffff, v1  }
0x2a1: {  	v10 =	vld [tilespmem:$0x570];
	_ =	sdelay $0x4  }
0x2a2: {  	v10 =	vshll.u32 v10, $0x7  }
0x2a3: {  	v10 =	vor.u32 v8, v10;
	_ =	sdelay $0x4  }
0x2a4: {  	[tilespmem:v10+s24+$0x0] =	vst.idx.msk $0xffff, v1  }
0x2a5: {  	[hbm4b:s15+s26] =	stream.strided.scatter [tilespmem:s24], [sflag:$0x2], $0x8000, s28, s26, $0x38;
	[tilespmem:$0x18800] =	vst v63  }
0x2a6: {  	_ =	swait.ge [sflag:s31], $0x8000  }
0x2a7: {  	[sflag:s31] =	ssyncset.done $0x0  }
0x2a8: {  	[sflag:s31] =	ssyncadd.s32 $0xFFFF8000  }
0x2a9: {  	v10 =	vld [tilespmem:$0x400];
	_ =	sdelay $0x4  }
0x2aa: {  	v10 =	vshll.u32 v10, $0x7  }
0x2ab: {  	v10 =	vor.u32 v0, v10;
	_ =	sdelay $0x4  }
0x2ac: {  	[tilespmem:v10+s25+$0x0] =	vst.idx.msk $0xffff, v9  }
0x2ad: {  	v10 =	vld [tilespmem:$0x410];
	_ =	sdelay $0x4  }
0x2ae: {  	v10 =	vshll.u32 v10, $0x7  }
0x2af: {  	v10 =	vor.u32 v2, v10;
	_ =	sdelay $0x4  }
0x2b0: {  	[tilespmem:v10+s25+$0x0] =	vst.idx.msk $0xffff, v9  }
0x2b1: {  	v10 =	vld [tilespmem:$0x420];
	_ =	sdelay $0x4  }
0x2b2: {  	v10 =	vshll.u32 v10, $0x7  }
0x2b3: {  	v10 =	vor.u32 v3, v10;
	_ =	sdelay $0x4  }
0x2b4: {  	[tilespmem:v10+s25+$0x0] =	vst.idx.msk $0xffff, v9  }
0x2b5: {  	v10 =	vld [tilespmem:$0x430];
	_ =	sdelay $0x4  }
0x2b6: {  	v10 =	vshll.u32 v10, $0x7  }
0x2b7: {  	v10 =	vor.u32 v4, v10;
	_ =	sdelay $0x4  }
0x2b8: {  	[tilespmem:v10+s25+$0x0] =	vst.idx.msk $0xffff, v9  }
0x2b9: {  	v10 =	vld [tilespmem:$0x440];
	_ =	sdelay $0x4  }
0x2ba: {  	v10 =	vshll.u32 v10, $0x7  }
0x2bb: {  	v10 =	vor.u32 v5, v10;
	_ =	sdelay $0x4  }
0x2bc: {  	[tilespmem:v10+s25+$0x0] =	vst.idx.msk $0xffff, v9  }
0x2bd: {  	v10 =	vld [tilespmem:$0x450];
	_ =	sdelay $0x4  }
0x2be: {  	v10 =	vshll.u32 v10, $0x7  }
0x2bf: {  	v10 =	vor.u32 v6, v10;
	_ =	sdelay $0x4  }
0x2c0: {  	[tilespmem:v10+s25+$0x0] =	vst.idx.msk $0xffff, v9  }
0x2c1: {  	v10 =	vld [tilespmem:$0x460];
	_ =	sdelay $0x4  }
0x2c2: {  	v10 =	vshll.u32 v10, $0x7  }
0x2c3: {  	v10 =	vor.u32 v7, v10;
	_ =	sdelay $0x4  }
0x2c4: {  	[tilespmem:v10+s25+$0x0] =	vst.idx.msk $0xffff, v9  }
0x2c5: {  	v10 =	vld [tilespmem:$0x470];
	_ =	sdelay $0x4  }
0x2c6: {  	v10 =	vshll.u32 v10, $0x7  }
0x2c7: {  	v10 =	vor.u32 v8, v10;
	_ =	sdelay $0x4  }
0x2c8: {  	[tilespmem:v10+s25+$0x0] =	vst.idx.msk $0xffff, v9  }
0x2c9: {  	v10 =	vld [tilespmem:$0x580];
	_ =	sdelay $0x4  }
0x2ca: {  	v10 =	vshll.u32 v10, $0x7  }
0x2cb: {  	v10 =	vor.u32 v0, v10;
	_ =	sdelay $0x4  }
0x2cc: {  	[tilespmem:v10+s25+$0x0] =	vst.idx.msk $0xffff, v1  }
0x2cd: {  	v10 =	vld [tilespmem:$0x590];
	_ =	sdelay $0x4  }
0x2ce: {  	v10 =	vshll.u32 v10, $0x7  }
0x2cf: {  	v10 =	vor.u32 v2, v10;
	_ =	sdelay $0x4  }
0x2d0: {  	[tilespmem:v10+s25+$0x0] =	vst.idx.msk $0xffff, v1  }
0x2d1: {  	v10 =	vld [tilespmem:$0x5A0];
	_ =	sdelay $0x4  }
0x2d2: {  	v10 =	vshll.u32 v10, $0x7  }
0x2d3: {  	v10 =	vor.u32 v3, v10;
	_ =	sdelay $0x4  }
0x2d4: {  	[tilespmem:v10+s25+$0x0] =	vst.idx.msk $0xffff, v1  }
0x2d5: {  	v10 =	vld [tilespmem:$0x5B0];
	_ =	sdelay $0x4  }
0x2d6: {  	v10 =	vshll.u32 v10, $0x7  }
0x2d7: {  	v10 =	vor.u32 v4, v10;
	_ =	sdelay $0x4  }
0x2d8: {  	[tilespmem:v10+s25+$0x0] =	vst.idx.msk $0xffff, v1  }
0x2d9: {  	v10 =	vld [tilespmem:$0x5C0];
	_ =	sdelay $0x4  }
0x2da: {  	v10 =	vshll.u32 v10, $0x7  }
0x2db: {  	v10 =	vor.u32 v5, v10;
	_ =	sdelay $0x4  }
0x2dc: {  	[tilespmem:v10+s25+$0x0] =	vst.idx.msk $0xffff, v1  }
0x2dd: {  	v10 =	vld [tilespmem:$0x5D0];
	_ =	sdelay $0x4  }
0x2de: {  	v10 =	vshll.u32 v10, $0x7  }
0x2df: {  	v10 =	vor.u32 v6, v10;
	_ =	sdelay $0x4  }
0x2e0: {  	[tilespmem:v10+s25+$0x0] =	vst.idx.msk $0xffff, v1  }
0x2e1: {  	v10 =	vld [tilespmem:$0x5E0];
	_ =	sdelay $0x4  }
0x2e2: {  	v10 =	vshll.u32 v10, $0x7  }
0x2e3: {  	v10 =	vor.u32 v7, v10;
	_ =	sdelay $0x4  }
0x2e4: {  	[tilespmem:v10+s25+$0x0] =	vst.idx.msk $0xffff, v1  }
0x2e5: {  	v10 =	vld [tilespmem:$0x5F0];
	_ =	sdelay $0x4  }
0x2e6: {  	v10 =	vshll.u32 v10, $0x7  }
0x2e7: {  	v10 =	vor.u32 v8, v10;
	_ =	sdelay $0x4  }
0x2e8: {  	[tilespmem:v10+s25+$0x0] =	vst.idx.msk $0xffff, v1  }
0x2e9: {  	[hbm4b:s16+s26] =	stream.strided.scatter [tilespmem:s25], [sflag:$0x3], $0x8000, s28, s26, $0x38;
	[tilespmem:$0x18800] =	vst v63  }
0x2ea: {  	_ =	swait.ge [sflag:s29], $0x8000  }
0x2eb: {  	[sflag:s29] =	ssyncset.done $0x0  }
0x2ec: {  	[sflag:s29] =	ssyncadd.s32 $0xFFFF8000  }
0x2ed: {  	v10 =	vld [tilespmem:$0x480];
	_ =	sdelay $0x4  }
0x2ee: {  	v10 =	vshll.u32 v10, $0x7  }
0x2ef: {  	v10 =	vor.u32 v0, v10;
	_ =	sdelay $0x4  }
0x2f0: {  	[tilespmem:v10+s23+$0x0] =	vst.idx.msk $0xffff, v9  }
0x2f1: {  	v10 =	vld [tilespmem:$0x490];
	_ =	sdelay $0x4  }
0x2f2: {  	v10 =	vshll.u32 v10, $0x7  }
0x2f3: {  	v10 =	vor.u32 v2, v10;
	_ =	sdelay $0x4  }
0x2f4: {  	[tilespmem:v10+s23+$0x0] =	vst.idx.msk $0xffff, v9  }
0x2f5: {  	v10 =	vld [tilespmem:$0x4A0];
	_ =	sdelay $0x4  }
0x2f6: {  	v10 =	vshll.u32 v10, $0x7  }
0x2f7: {  	v10 =	vor.u32 v3, v10;
	_ =	sdelay $0x4  }
0x2f8: {  	[tilespmem:v10+s23+$0x0] =	vst.idx.msk $0xffff, v9  }
0x2f9: {  	v10 =	vld [tilespmem:$0x4B0];
	_ =	sdelay $0x4  }
0x2fa: {  	v10 =	vshll.u32 v10, $0x7  }
0x2fb: {  	v10 =	vor.u32 v4, v10;
	_ =	sdelay $0x4  }
0x2fc: {  	[tilespmem:v10+s23+$0x0] =	vst.idx.msk $0xffff, v9  }
0x2fd: {  	v10 =	vld [tilespmem:$0x4C0];
	_ =	sdelay $0x4  }
0x2fe: {  	v10 =	vshll.u32 v10, $0x7  }
0x2ff: {  	v10 =	vor.u32 v5, v10;
	_ =	sdelay $0x4  }
0x300: {  	[tilespmem:v10+s23+$0x0] =	vst.idx.msk $0xffff, v9  }
0x301: {  	v10 =	vld [tilespmem:$0x4D0];
	_ =	sdelay $0x4  }
0x302: {  	v10 =	vshll.u32 v10, $0x7  }
0x303: {  	v10 =	vor.u32 v6, v10;
	_ =	sdelay $0x4  }
0x304: {  	[tilespmem:v10+s23+$0x0] =	vst.idx.msk $0xffff, v9  }
0x305: {  	v10 =	vld [tilespmem:$0x4E0];
	_ =	sdelay $0x4  }
0x306: {  	v10 =	vshll.u32 v10, $0x7  }
0x307: {  	v10 =	vor.u32 v7, v10;
	_ =	sdelay $0x4  }
0x308: {  	[tilespmem:v10+s23+$0x0] =	vst.idx.msk $0xffff, v9  }
0x309: {  	v10 =	vld [tilespmem:$0x4F0];
	_ =	sdelay $0x4  }
0x30a: {  	v10 =	vshll.u32 v10, $0x7  }
0x30b: {  	v10 =	vor.u32 v8, v10;
	_ =	sdelay $0x4  }
0x30c: {  	[tilespmem:v10+s23+$0x0] =	vst.idx.msk $0xffff, v9  }
0x30d: {  	v10 =	vld [tilespmem:$0x600];
	_ =	sdelay $0x4  }
0x30e: {  	v10 =	vshll.u32 v10, $0x7  }
0x30f: {  	v10 =	vor.u32 v0, v10;
	_ =	sdelay $0x4  }
0x310: {  	[tilespmem:v10+s23+$0x0] =	vst.idx.msk $0xffff, v1  }
0x311: {  	v10 =	vld [tilespmem:$0x610];
	_ =	sdelay $0x4  }
0x312: {  	v10 =	vshll.u32 v10, $0x7  }
0x313: {  	v10 =	vor.u32 v2, v10;
	_ =	sdelay $0x4  }
0x314: {  	[tilespmem:v10+s23+$0x0] =	vst.idx.msk $0xffff, v1  }
0x315: {  	v10 =	vld [tilespmem:$0x620];
	_ =	sdelay $0x4  }
0x316: {  	v10 =	vshll.u32 v10, $0x7  }
0x317: {  	v10 =	vor.u32 v3, v10;
	_ =	sdelay $0x4  }
0x318: {  	[tilespmem:v10+s23+$0x0] =	vst.idx.msk $0xffff, v1  }
0x319: {  	v10 =	vld [tilespmem:$0x630];
	_ =	sdelay $0x4  }
0x31a: {  	v10 =	vshll.u32 v10, $0x7  }
0x31b: {  	v10 =	vor.u32 v4, v10;
	_ =	sdelay $0x4  }
0x31c: {  	[tilespmem:v10+s23+$0x0] =	vst.idx.msk $0xffff, v1  }
0x31d: {  	v10 =	vld [tilespmem:$0x640];
	_ =	sdelay $0x4  }
0x31e: {  	v10 =	vshll.u32 v10, $0x7  }
0x31f: {  	v10 =	vor.u32 v5, v10;
	_ =	sdelay $0x4  }
0x320: {  	[tilespmem:v10+s23+$0x0] =	vst.idx.msk $0xffff, v1  }
0x321: {  	v10 =	vld [tilespmem:$0x650];
	_ =	sdelay $0x4  }
0x322: {  	v10 =	vshll.u32 v10, $0x7  }
0x323: {  	v10 =	vor.u32 v6, v10;
	_ =	sdelay $0x4  }
0x324: {  	[tilespmem:v10+s23+$0x0] =	vst.idx.msk $0xffff, v1  }
0x325: {  	v10 =	vld [tilespmem:$0x660];
	_ =	sdelay $0x4  }
0x326: {  	v10 =	vshll.u32 v10, $0x7  }
0x327: {  	v10 =	vor.u32 v7, v10;
	_ =	sdelay $0x4  }
0x328: {  	[tilespmem:v10+s23+$0x0] =	vst.idx.msk $0xffff, v1  }
0x329: {  	v10 =	vld [tilespmem:$0x670];
	_ =	sdelay $0x4  }
0x32a: {  	v10 =	vshll.u32 v10, $0x7  }
0x32b: {  	v10 =	vor.u32 v8, v10;
	_ =	sdelay $0x4  }
0x32c: {  	[tilespmem:v10+s23+$0x0] =	vst.idx.msk $0xffff, v1  }
0x32d: {  	[hbm4b:s17+s26] =	stream.strided.scatter [tilespmem:s23], [sflag:$0x1], $0x8000, s28, s26, $0x38;
	[tilespmem:$0x18800] =	vst v63  }
0x32e: {  	_ =	swait.ge [sflag:s30], $0x8000  }
0x32f: {  	[sflag:s30] =	ssyncset.done $0x0  }
0x330: {  	[sflag:s30] =	ssyncadd.s32 $0xFFFF8000  }
0x331: {  	v10 =	vld [tilespmem:$0x500];
	_ =	sdelay $0x4  }
0x332: {  	v10 =	vshll.u32 v10, $0x7  }
0x333: {  	v10 =	vor.u32 v0, v10;
	_ =	sdelay $0x4  }
0x334: {  	[tilespmem:v10+s24+$0x0] =	vst.idx.msk $0xffff, v9  }
0x335: {  	v10 =	vld [tilespmem:$0x510];
	_ =	sdelay $0x4  }
0x336: {  	v10 =	vshll.u32 v10, $0x7  }
0x337: {  	v10 =	vor.u32 v2, v10;
	_ =	sdelay $0x4  }
0x338: {  	[tilespmem:v10+s24+$0x0] =	vst.idx.msk $0xffff, v9  }
0x339: {  	v10 =	vld [tilespmem:$0x520];
	_ =	sdelay $0x4  }
0x33a: {  	v10 =	vshll.u32 v10, $0x7  }
0x33b: {  	v10 =	vor.u32 v3, v10;
	_ =	sdelay $0x4  }
0x33c: {  	[tilespmem:v10+s24+$0x0] =	vst.idx.msk $0xffff, v9  }
0x33d: {  	v10 =	vld [tilespmem:$0x530];
	_ =	sdelay $0x4  }
0x33e: {  	v10 =	vshll.u32 v10, $0x7  }
0x33f: {  	v10 =	vor.u32 v4, v10;
	_ =	sdelay $0x4  }
0x340: {  	[tilespmem:v10+s24+$0x0] =	vst.idx.msk $0xffff, v9  }
0x341: {  	v10 =	vld [tilespmem:$0x540];
	_ =	sdelay $0x4  }
0x342: {  	v10 =	vshll.u32 v10, $0x7  }
0x343: {  	v10 =	vor.u32 v5, v10;
	_ =	sdelay $0x4  }
0x344: {  	[tilespmem:v10+s24+$0x0] =	vst.idx.msk $0xffff, v9  }
0x345: {  	v10 =	vld [tilespmem:$0x550];
	_ =	sdelay $0x4  }
0x346: {  	v10 =	vshll.u32 v10, $0x7  }
0x347: {  	v10 =	vor.u32 v6, v10;
	_ =	sdelay $0x4  }
0x348: {  	[tilespmem:v10+s24+$0x0] =	vst.idx.msk $0xffff, v9  }
0x349: {  	v10 =	vld [tilespmem:$0x560];
	_ =	sdelay $0x4  }
0x34a: {  	v10 =	vshll.u32 v10, $0x7  }
0x34b: {  	v10 =	vor.u32 v7, v10;
	_ =	sdelay $0x4  }
0x34c: {  	[tilespmem:v10+s24+$0x0] =	vst.idx.msk $0xffff, v9  }
0x34d: {  	v10 =	vld [tilespmem:$0x570];
	_ =	sdelay $0x4  }
0x34e: {  	v10 =	vshll.u32 v10, $0x7  }
0x34f: {  	v10 =	vor.u32 v8, v10;
	_ =	sdelay $0x4  }
0x350: {  	[tilespmem:v10+s24+$0x0] =	vst.idx.msk $0xffff, v9  }
0x351: {  	v10 =	vld [tilespmem:$0x680];
	_ =	sdelay $0x4  }
0x352: {  	v10 =	vshll.u32 v10, $0x7  }
0x353: {  	v10 =	vor.u32 v0, v10;
	_ =	sdelay $0x4  }
0x354: {  	[tilespmem:v10+s24+$0x0] =	vst.idx.msk $0xffff, v1  }
0x355: {  	v10 =	vld [tilespmem:$0x690];
	_ =	sdelay $0x4  }
0x356: {  	v10 =	vshll.u32 v10, $0x7  }
0x357: {  	v10 =	vor.u32 v2, v10;
	_ =	sdelay $0x4  }
0x358: {  	[tilespmem:v10+s24+$0x0] =	vst.idx.msk $0xffff, v1  }
0x359: {  	v10 =	vld [tilespmem:$0x6A0];
	_ =	sdelay $0x4  }
0x35a: {  	v10 =	vshll.u32 v10, $0x7  }
0x35b: {  	v10 =	vor.u32 v3, v10;
	_ =	sdelay $0x4  }
0x35c: {  	[tilespmem:v10+s24+$0x0] =	vst.idx.msk $0xffff, v1  }
0x35d: {  	v10 =	vld [tilespmem:$0x6B0];
	_ =	sdelay $0x4  }
0x35e: {  	v10 =	vshll.u32 v10, $0x7  }
0x35f: {  	v10 =	vor.u32 v4, v10;
	_ =	sdelay $0x4  }
0x360: {  	[tilespmem:v10+s24+$0x0] =	vst.idx.msk $0xffff, v1  }
0x361: {  	v10 =	vld [tilespmem:$0x6C0];
	_ =	sdelay $0x4  }
0x362: {  	v10 =	vshll.u32 v10, $0x7  }
0x363: {  	v10 =	vor.u32 v5, v10;
	_ =	sdelay $0x4  }
0x364: {  	[tilespmem:v10+s24+$0x0] =	vst.idx.msk $0xffff, v1  }
0x365: {  	v10 =	vld [tilespmem:$0x6D0];
	_ =	sdelay $0x4  }
0x366: {  	v10 =	vshll.u32 v10, $0x7  }
0x367: {  	v10 =	vor.u32 v6, v10;
	_ =	sdelay $0x4  }
0x368: {  	[tilespmem:v10+s24+$0x0] =	vst.idx.msk $0xffff, v1  }
0x369: {  	v10 =	vld [tilespmem:$0x6E0];
	_ =	sdelay $0x4  }
0x36a: {  	v10 =	vshll.u32 v10, $0x7  }
0x36b: {  	v10 =	vor.u32 v7, v10;
	_ =	sdelay $0x4  }
0x36c: {  	[tilespmem:v10+s24+$0x0] =	vst.idx.msk $0xffff, v1  }
0x36d: {  	v10 =	vld [tilespmem:$0x6F0];
	_ =	sdelay $0x4  }
0x36e: {  	v10 =	vshll.u32 v10, $0x7  }
0x36f: {  	v10 =	vor.u32 v8, v10;
	_ =	sdelay $0x4  }
0x370: {  	[tilespmem:v10+s24+$0x0] =	vst.idx.msk $0xffff, v1  }
0x371: {  	[hbm4b:s18+s26] =	stream.strided.scatter [tilespmem:s24], [sflag:$0x2], $0x8000, s28, s26, $0x38;
	[tilespmem:$0x18800] =	vst v63  }
0x372: {  	_ =	swait.ge [sflag:s31], $0x8000  }
0x373: {  	[sflag:s31] =	ssyncset.done $0x0  }
0x374: {  	[sflag:s31] =	ssyncadd.s32 $0xFFFF8000  }
0x375: {  	v10 =	vld [tilespmem:$0x580];
	_ =	sdelay $0x4  }
0x376: {  	v10 =	vshll.u32 v10, $0x7  }
0x377: {  	v10 =	vor.u32 v0, v10;
	_ =	sdelay $0x4  }
0x378: {  	[tilespmem:v10+s25+$0x0] =	vst.idx.msk $0xffff, v9  }
0x379: {  	v10 =	vld [tilespmem:$0x590];
	_ =	sdelay $0x4  }
0x37a: {  	v10 =	vshll.u32 v10, $0x7  }
0x37b: {  	v10 =	vor.u32 v2, v10;
	_ =	sdelay $0x4  }
0x37c: {  	[tilespmem:v10+s25+$0x0] =	vst.idx.msk $0xffff, v9  }
0x37d: {  	v10 =	vld [tilespmem:$0x5A0];
	_ =	sdelay $0x4  }
0x37e: {  	v10 =	vshll.u32 v10, $0x7  }
0x37f: {  	v10 =	vor.u32 v3, v10;
	_ =	sdelay $0x4  }
0x380: {  	[tilespmem:v10+s25+$0x0] =	vst.idx.msk $0xffff, v9  }
0x381: {  	v10 =	vld [tilespmem:$0x5B0];
	_ =	sdelay $0x4  }
0x382: {  	v10 =	vshll.u32 v10, $0x7  }
0x383: {  	v10 =	vor.u32 v4, v10;
	_ =	sdelay $0x4  }
0x384: {  	[tilespmem:v10+s25+$0x0] =	vst.idx.msk $0xffff, v9  }
0x385: {  	v10 =	vld [tilespmem:$0x5C0];
	_ =	sdelay $0x4  }
0x386: {  	v10 =	vshll.u32 v10, $0x7  }
0x387: {  	v10 =	vor.u32 v5, v10;
	_ =	sdelay $0x4  }
0x388: {  	[tilespmem:v10+s25+$0x0] =	vst.idx.msk $0xffff, v9  }
0x389: {  	v10 =	vld [tilespmem:$0x5D0];
	_ =	sdelay $0x4  }
0x38a: {  	v10 =	vshll.u32 v10, $0x7  }
0x38b: {  	v10 =	vor.u32 v6, v10;
	_ =	sdelay $0x4  }
0x38c: {  	[tilespmem:v10+s25+$0x0] =	vst.idx.msk $0xffff, v9  }
0x38d: {  	v10 =	vld [tilespmem:$0x5E0];
	_ =	sdelay $0x4  }
0x38e: {  	v10 =	vshll.u32 v10, $0x7  }
0x38f: {  	v10 =	vor.u32 v7, v10;
	_ =	sdelay $0x4  }
0x390: {  	[tilespmem:v10+s25+$0x0] =	vst.idx.msk $0xffff, v9  }
0x391: {  	v10 =	vld [tilespmem:$0x5F0];
	_ =	sdelay $0x4  }
0x392: {  	v10 =	vshll.u32 v10, $0x7  }
0x393: {  	v10 =	vor.u32 v8, v10;
	_ =	sdelay $0x4  }
0x394: {  	[tilespmem:v10+s25+$0x0] =	vst.idx.msk $0xffff, v9  }
0x395: {  	v10 =	vld [tilespmem:$0x700];
	_ =	sdelay $0x4  }
0x396: {  	v10 =	vshll.u32 v10, $0x7  }
0x397: {  	v10 =	vor.u32 v0, v10;
	_ =	sdelay $0x4  }
0x398: {  	[tilespmem:v10+s25+$0x0] =	vst.idx.msk $0xffff, v1  }
0x399: {  	v10 =	vld [tilespmem:$0x710];
	_ =	sdelay $0x4  }
0x39a: {  	v10 =	vshll.u32 v10, $0x7  }
0x39b: {  	v10 =	vor.u32 v2, v10;
	_ =	sdelay $0x4  }
0x39c: {  	[tilespmem:v10+s25+$0x0] =	vst.idx.msk $0xffff, v1  }
0x39d: {  	v10 =	vld [tilespmem:$0x720];
	_ =	sdelay $0x4  }
0x39e: {  	v10 =	vshll.u32 v10, $0x7  }
0x39f: {  	v10 =	vor.u32 v3, v10;
	_ =	sdelay $0x4  }
0x3a0: {  	[tilespmem:v10+s25+$0x0] =	vst.idx.msk $0xffff, v1  }
0x3a1: {  	v10 =	vld [tilespmem:$0x730];
	_ =	sdelay $0x4  }
0x3a2: {  	v10 =	vshll.u32 v10, $0x7  }
0x3a3: {  	v10 =	vor.u32 v4, v10;
	_ =	sdelay $0x4  }
0x3a4: {  	[tilespmem:v10+s25+$0x0] =	vst.idx.msk $0xffff, v1  }
0x3a5: {  	v10 =	vld [tilespmem:$0x740];
	_ =	sdelay $0x4  }
0x3a6: {  	v10 =	vshll.u32 v10, $0x7  }
0x3a7: {  	v10 =	vor.u32 v5, v10;
	_ =	sdelay $0x4  }
0x3a8: {  	[tilespmem:v10+s25+$0x0] =	vst.idx.msk $0xffff, v1  }
0x3a9: {  	v10 =	vld [tilespmem:$0x750];
	_ =	sdelay $0x4  }
0x3aa: {  	v10 =	vshll.u32 v10, $0x7  }
0x3ab: {  	v10 =	vor.u32 v6, v10;
	_ =	sdelay $0x4  }
0x3ac: {  	[tilespmem:v10+s25+$0x0] =	vst.idx.msk $0xffff, v1  }
0x3ad: {  	v10 =	vld [tilespmem:$0x760];
	_ =	sdelay $0x4  }
0x3ae: {  	v10 =	vshll.u32 v10, $0x7  }
0x3af: {  	v10 =	vor.u32 v7, v10;
	_ =	sdelay $0x4  }
0x3b0: {  	[tilespmem:v10+s25+$0x0] =	vst.idx.msk $0xffff, v1  }
0x3b1: {  	v10 =	vld [tilespmem:$0x770];
	_ =	sdelay $0x4  }
0x3b2: {  	v10 =	vshll.u32 v10, $0x7  }
0x3b3: {  	v10 =	vor.u32 v8, v10;
	_ =	sdelay $0x4  }
0x3b4: {  	[tilespmem:v10+s25+$0x0] =	vst.idx.msk $0xffff, v1  }
0x3b5: {  	[hbm4b:s19+s26] =	stream.strided.scatter [tilespmem:s25], [sflag:$0x3], $0x8000, s28, s26, $0x38;
	[tilespmem:$0x18800] =	vst v63  }
0x3b6: {  	_ =	swait.ge [sflag:s29], $0x8000  }
0x3b7: {  	[sflag:s29] =	ssyncset.done $0x0  }
0x3b8: {  	[sflag:s29] =	ssyncadd.s32 $0xFFFF8000  }
0x3b9: {  	v10 =	vld [tilespmem:$0x600];
	_ =	sdelay $0x4  }
0x3ba: {  	v10 =	vshll.u32 v10, $0x7  }
0x3bb: {  	v10 =	vor.u32 v0, v10;
	_ =	sdelay $0x4  }
0x3bc: {  	[tilespmem:v10+s23+$0x0] =	vst.idx.msk $0xffff, v9  }
0x3bd: {  	v10 =	vld [tilespmem:$0x610];
	_ =	sdelay $0x4  }
0x3be: {  	v10 =	vshll.u32 v10, $0x7  }
0x3bf: {  	v10 =	vor.u32 v2, v10;
	_ =	sdelay $0x4  }
0x3c0: {  	[tilespmem:v10+s23+$0x0] =	vst.idx.msk $0xffff, v9  }
0x3c1: {  	v10 =	vld [tilespmem:$0x620];
	_ =	sdelay $0x4  }
0x3c2: {  	v10 =	vshll.u32 v10, $0x7  }
0x3c3: {  	v10 =	vor.u32 v3, v10;
	_ =	sdelay $0x4  }
0x3c4: {  	[tilespmem:v10+s23+$0x0] =	vst.idx.msk $0xffff, v9  }
0x3c5: {  	v10 =	vld [tilespmem:$0x630];
	_ =	sdelay $0x4  }
0x3c6: {  	v10 =	vshll.u32 v10, $0x7  }
0x3c7: {  	v10 =	vor.u32 v4, v10;
	_ =	sdelay $0x4  }
0x3c8: {  	[tilespmem:v10+s23+$0x0] =	vst.idx.msk $0xffff, v9  }
0x3c9: {  	v10 =	vld [tilespmem:$0x640];
	_ =	sdelay $0x4  }
0x3ca: {  	v10 =	vshll.u32 v10, $0x7  }
0x3cb: {  	v10 =	vor.u32 v5, v10;
	_ =	sdelay $0x4  }
0x3cc: {  	[tilespmem:v10+s23+$0x0] =	vst.idx.msk $0xffff, v9  }
0x3cd: {  	v10 =	vld [tilespmem:$0x650];
	_ =	sdelay $0x4  }
0x3ce: {  	v10 =	vshll.u32 v10, $0x7  }
0x3cf: {  	v10 =	vor.u32 v6, v10;
	_ =	sdelay $0x4  }
0x3d0: {  	[tilespmem:v10+s23+$0x0] =	vst.idx.msk $0xffff, v9  }
0x3d1: {  	v10 =	vld [tilespmem:$0x660];
	_ =	sdelay $0x4  }
0x3d2: {  	v10 =	vshll.u32 v10, $0x7  }
0x3d3: {  	v10 =	vor.u32 v7, v10;
	_ =	sdelay $0x4  }
0x3d4: {  	[tilespmem:v10+s23+$0x0] =	vst.idx.msk $0xffff, v9  }
0x3d5: {  	v10 =	vld [tilespmem:$0x670];
	_ =	sdelay $0x4  }
0x3d6: {  	v10 =	vshll.u32 v10, $0x7  }
0x3d7: {  	v10 =	vor.u32 v8, v10;
	_ =	sdelay $0x4  }
0x3d8: {  	[tilespmem:v10+s23+$0x0] =	vst.idx.msk $0xffff, v9  }
0x3d9: {  	v10 =	vld [tilespmem:$0x780];
	_ =	sdelay $0x4  }
0x3da: {  	v10 =	vshll.u32 v10, $0x7  }
0x3db: {  	v10 =	vor.u32 v0, v10;
	_ =	sdelay $0x4  }
0x3dc: {  	[tilespmem:v10+s23+$0x0] =	vst.idx.msk $0xffff, v1  }
0x3dd: {  	v10 =	vld [tilespmem:$0x790];
	_ =	sdelay $0x4  }
0x3de: {  	v10 =	vshll.u32 v10, $0x7  }
0x3df: {  	v10 =	vor.u32 v2, v10;
	_ =	sdelay $0x4  }
0x3e0: {  	[tilespmem:v10+s23+$0x0] =	vst.idx.msk $0xffff, v1  }
0x3e1: {  	v10 =	vld [tilespmem:$0x7A0];
	_ =	sdelay $0x4  }
0x3e2: {  	v10 =	vshll.u32 v10, $0x7  }
0x3e3: {  	v10 =	vor.u32 v3, v10;
	_ =	sdelay $0x4  }
0x3e4: {  	[tilespmem:v10+s23+$0x0] =	vst.idx.msk $0xffff, v1  }
0x3e5: {  	v10 =	vld [tilespmem:$0x7B0];
	_ =	sdelay $0x4  }
0x3e6: {  	v10 =	vshll.u32 v10, $0x7  }
0x3e7: {  	v10 =	vor.u32 v4, v10;
	_ =	sdelay $0x4  }
0x3e8: {  	[tilespmem:v10+s23+$0x0] =	vst.idx.msk $0xffff, v1  }
0x3e9: {  	v10 =	vld [tilespmem:$0x7C0];
	_ =	sdelay $0x4  }
0x3ea: {  	v10 =	vshll.u32 v10, $0x7  }
0x3eb: {  	v10 =	vor.u32 v5, v10;
	_ =	sdelay $0x4  }
0x3ec: {  	[tilespmem:v10+s23+$0x0] =	vst.idx.msk $0xffff, v1  }
0x3ed: {  	v10 =	vld [tilespmem:$0x7D0];
	_ =	sdelay $0x4  }
0x3ee: {  	v10 =	vshll.u32 v10, $0x7  }
0x3ef: {  	v10 =	vor.u32 v6, v10;
	_ =	sdelay $0x4  }
0x3f0: {  	[tilespmem:v10+s23+$0x0] =	vst.idx.msk $0xffff, v1  }
0x3f1: {  	v10 =	vld [tilespmem:$0x7E0];
	_ =	sdelay $0x4  }
0x3f2: {  	v10 =	vshll.u32 v10, $0x7  }
0x3f3: {  	v10 =	vor.u32 v7, v10;
	_ =	sdelay $0x4  }
0x3f4: {  	[tilespmem:v10+s23+$0x0] =	vst.idx.msk $0xffff, v1  }
0x3f5: {  	v10 =	vld [tilespmem:$0x7F0];
	_ =	sdelay $0x4  }
0x3f6: {  	v10 =	vshll.u32 v10, $0x7  }
0x3f7: {  	v10 =	vor.u32 v8, v10;
	_ =	sdelay $0x4  }
0x3f8: {  	[tilespmem:v10+s23+$0x0] =	vst.idx.msk $0xffff, v1  }
0x3f9: {  	[hbm4b:s20+s26] =	stream.strided.scatter [tilespmem:s23], [sflag:$0x1], $0x8000, s28, s26, $0x38;
	[tilespmem:$0x18800] =	vst v63  }
0x3fa: {  	_ =	swait.ge [sflag:s30], $0x8000  }
0x3fb: {  	[sflag:s30] =	ssyncset.done $0x0  }
0x3fc: {  	[sflag:s30] =	ssyncadd.s32 $0xFFFF8000  }
0x3fd: {  	p0 =	sne.s32 s21, $0x1;
	_ =	swait.ge [sflag:s31], $0x8000  }
.Ltmp0:
0x3fe: {  	[sflag:s31] =	ssyncset.done $0x0;
	(pc) =	sbr.rel @p0 .LBB2_1-.Ltmp0, $4  }
0x3ff: {  	[sflag:s31] =	ssyncadd.s32 $0xFFFF8000  }
0x400: {  	_ =	swait.ge [sflag:s29], $0x8000  }
0x401: {  	[sflag:s29] =	ssyncset.done $0x0  }
0x402: {  	s21 =	sadd.s32 $0xFFFFFFFF, s21;
	[sflag:s29] =	ssyncadd.s32 $0xFFFF8000  }
0x403: {  	_ =	sfence.sel $0x180000  }
0x404: {  	[bflag:$0x0] =	sbarrier.arrive $0xFFFF  }
0x405: {  	p0 =	sne.s32 s0, $0x0;
	_ =	strace $0x90000047  }
0x406: {  	s0 =	sadd.s32 @!p0 $0x100000, s1;
	[bflag:$0x2] =	sbarrier.arrive $0xFFFF  }
0x407: {  	[sflag:s0] =	ssyncadd.tile.s32 @!p0 $0x1;
	_ =	shalt  }
.Lfunc_end2:
_tile_overlayer_lowered:
.L_overlay_start_2:
0x408: {  	(tag) =	ssettag $0x2  }
0x409: {  	s0 =	rddreg [dreg:$0x0];
	s2 =	stileid.u32  }
0x40a: {  	s1 =	rddreg [dreg:$0x1];
	p0 =	sne.s32 s2, $0x0  }
0x40b: {  	s3 =	rddreg [dreg:$0x2];
	[bflag:$0x3] =	sbarrier.arrive $0xFFFF;
	s2 =	simm.s32 @!p0 $0x1C04  }
0x40c: {  	[timem:s3], [sflag:s2] =	dma.local @!p0 [hbm:s0], s1  }
0x40d: {  	s0 =	simm.s32 @!p0 $0x4  }
0x40e: {  	_ =	swait.ge @!p0 [sflag:s0], s1  }
0x40f: {  	s1 =	ssub.s32 @!p0 $0x0, s1;
	[sflag:s0] =	ssyncset.done @!p0 $0x0  }
0x410: {  	[sflag:s0] =	ssyncadd.s32 @!p0 s1  }
0x411: {  	[bflag:$0x3] =	sbarrier.arrive $0xFFFF  }
0x412: {  	_ =	shalt  }

</sc_bundles>
